<compile_context>
chip_gen: v7x
topology: tpu7x:2x2x1
jax: 0.10.2.dev20260603
libtpu: 0.0.44.dev20260713+nightly
codegen_flags: <defaults>
</compile_context>

<pallas_src>
import functools

import jax
import jax.numpy as jnp
from jax import lax
from jax.experimental import pallas as pl
from jax.experimental.pallas import tpu as pltpu
from jax.experimental.pallas import tpu_sc as plsc

N = 10000
NR = 10240
E = 320000
NSC = 2
NTILE = 16
NW = NSC * NTILE
CHUNK = 128

NCH16 = 157
EPT16 = NCH16 * CHUNK
EPAD16 = EPT16 * NTILE

NCH32 = 79
EPT32 = NCH32 * CHUNK
EPAD32 = EPT32 * NW

G = 8
T32 = 10
EPTD = T32 * G * CHUNK
EPADD = EPTD * NW

TROWS = NR // NTILE

BN = 2048
GRID = NR // BN



@functools.lru_cache(maxsize=None)
def _make_agg(hh):
  mesh = plsc.VectorSubcoreMesh(core_axis_name="c", subcore_axis_name="s")

  @functools.partial(
      pl.kernel,
      out_type=jax.ShapeDtypeStruct((NSC, NR, hh), jnp.float32),
      scratch_types=[
          pltpu.VMEM((CHUNK,), jnp.int32),
          pltpu.VMEM((CHUNK,), jnp.int32),
          pltpu.VMEM((CHUNK,), jnp.int32),
          pltpu.VMEM((CHUNK,), jnp.int32),
          pltpu.VMEM((CHUNK, hh), jnp.float32),
          pltpu.VMEM((CHUNK, hh), jnp.float32),
          pltpu.VMEM_SHARED((NR, hh), jnp.float32),
          pltpu.SemaphoreType.DMA,
          pltpu.SemaphoreType.DMA,
      ],
      mesh=mesh,
  )
  def agg(table, srcab, dstp, zrows, out, idxb0, idxb1, dstb0, dstb1,
          rowb0, rowb1, acc, gsem0, gsem1):
    idxbs = (idxb0, idxb1)
    dstbs = (dstb0, dstb1)
    rowbs = (rowb0, rowb1)
    gsems = (gsem0, gsem1)
    c = lax.axis_index("c")
    s = lax.axis_index("s")
    rbase = pl.multiple_of(s * TROWS, TROWS)
    pltpu.sync_copy(zrows, acc.at[pl.ds(rbase, TROWS)])
    ebase = s * EPT16
    sbase = c * EPAD16 + ebase

    def load_and_gather(k, slot):
      off = pl.multiple_of(ebase + k * CHUNK, CHUNK)
      soff = pl.multiple_of(sbase + k * CHUNK, CHUNK)
      pltpu.sync_copy(srcab.at[pl.ds(soff, CHUNK)], idxbs[slot])
      pltpu.sync_copy(dstp.at[pl.ds(off, CHUNK)], dstbs[slot])
      pltpu.async_copy(table.at[idxbs[slot]], rowbs[slot], gsems[slot])

    plsc.subcore_barrier()
    load_and_gather(0, 0)

    def body(k, carry):
      p = lax.rem(k, 2)
      for pp in (0, 1):
        @pl.when(p == pp)
        def _(pp=pp):
          me, ot = pp, 1 - pp
          @pl.when(k + 1 < NCH16)
          def _():
            load_and_gather(k + 1, ot)
          pltpu.make_async_copy(table.at[idxbs[me]], rowbs[me],
                                gsems[me]).wait()
          pltpu.sync_copy(rowbs[me], acc.at[dstbs[me]], add=True)
      return carry

    lax.fori_loop(0, NCH16, body, 0)
    plsc.subcore_barrier()
    pltpu.sync_copy(acc.at[pl.ds(rbase, TROWS)], out.at[c, pl.ds(rbase, TROWS)])

  return agg


@functools.lru_cache(maxsize=None)
def _make_agg_part():
  mesh = plsc.VectorSubcoreMesh(core_axis_name="c", subcore_axis_name="s")

  @functools.partial(
      pl.kernel,
      out_type=jax.ShapeDtypeStruct((NSC, NR, 128), jnp.float32),
      scratch_types=[
          pltpu.VMEM((CHUNK,), jnp.int32),
          pltpu.VMEM((CHUNK,), jnp.int32),
          pltpu.VMEM((CHUNK,), jnp.int32),
          pltpu.VMEM((CHUNK,), jnp.int32),
          pltpu.VMEM((CHUNK, 128), jnp.float32),
          pltpu.VMEM((CHUNK, 128), jnp.float32),
          pltpu.VMEM_SHARED((NR, 128), jnp.float32),
          pltpu.SemaphoreType.DMA,
          pltpu.SemaphoreType.DMA,
      ],
      mesh=mesh,
  )
  def agg(table, srcp, dstp, zrows, out, idxb0, idxb1, dstb0, dstb1,
          rowb0, rowb1, acc, gsem0, gsem1):
    idxbs = (idxb0, idxb1)
    dstbs = (dstb0, dstb1)
    rowbs = (rowb0, rowb1)
    gsems = (gsem0, gsem1)
    c = lax.axis_index("c")
    s = lax.axis_index("s")
    rbase = pl.multiple_of(s * TROWS, TROWS)
    pltpu.sync_copy(zrows, acc.at[pl.ds(rbase, TROWS)])
    ebase = (c * NTILE + s) * EPT32

    def load_and_gather(k, slot):
      off = pl.multiple_of(ebase + k * CHUNK, CHUNK)
      pltpu.sync_copy(srcp.at[pl.ds(off, CHUNK)], idxbs[slot])
      pltpu.sync_copy(dstp.at[pl.ds(off, CHUNK)], dstbs[slot])
      pltpu.async_copy(table.at[idxbs[slot]], rowbs[slot], gsems[slot])

    plsc.subcore_barrier()
    load_and_gather(0, 0)

    def body(k, carry):
      p = lax.rem(k, 2)
      for pp in (0, 1):
        @pl.when(p == pp)
        def _(pp=pp):
          me, ot = pp, 1 - pp
          @pl.when(k + 1 < NCH32)
          def _():
            load_and_gather(k + 1, ot)
          pltpu.make_async_copy(table.at[idxbs[me]], rowbs[me],
                                gsems[me]).wait()
          pltpu.sync_copy(rowbs[me], acc.at[dstbs[me]], add=True)
      return carry

    lax.fori_loop(0, NCH32, body, 0)
    plsc.subcore_barrier()
    pltpu.sync_copy(acc.at[pl.ds(rbase, TROWS)], out.at[c, pl.ds(rbase, TROWS)])

  return agg


@functools.lru_cache(maxsize=None)
def _make_deg():
  mesh = plsc.VectorSubcoreMesh(core_axis_name="c", subcore_axis_name="s")

  @functools.partial(
      pl.kernel,
      out_type=jax.ShapeDtypeStruct((NSC, NR, 128), jnp.float32),
      scratch_types=[
          pltpu.VMEM((2, G, CHUNK), jnp.int32),
          pltpu.VMEM((CHUNK, 128), jnp.float32),
          pltpu.VMEM_SHARED((NR, 128), jnp.float32),
      ] + [pltpu.SemaphoreType.DMA] * 3,
      mesh=mesh,
  )
  def deg(dstg, ones, zrows, out, dstb, onesb, dacc, isem, ssem0, ssem1):
    ssem = (ssem0, ssem1)
    c = lax.axis_index("c")
    s = lax.axis_index("s")
    w = c * NTILE + s
    rbase = pl.multiple_of(s * TROWS, TROWS)
    pltpu.sync_copy(dstg.at[w, 0], dstb.at[0])
    pltpu.sync_copy(ones, onesb)
    pltpu.sync_copy(zrows, dacc.at[pl.ds(rbase, TROWS)])
    plsc.subcore_barrier()

    def body(t, carry):
      p = lax.rem(t, 2)

      @pl.when(t + 1 < T32)
      def _():
        pltpu.async_copy(dstg.at[w, t + 1], dstb.at[1 - p], isem)

      sc = [None, None]
      for j in range(G):
        b = j % 2
        if sc[b] is not None:
          sc[b].wait()
        sc[b] = pltpu.async_copy(onesb, dacc.at[dstb.at[p, j]], ssem[b],
                                 add=True)
      sc[0].wait()
      sc[1].wait()

      @pl.when(t + 1 < T32)
      def _():
        pltpu.make_async_copy(dstg.at[w, t + 1], dstb.at[1 - p], isem).wait()
      return carry

    lax.fori_loop(0, T32, body, 0)
    plsc.subcore_barrier()
    pltpu.sync_copy(dacc.at[pl.ds(rbase, TROWS)], out.at[c, pl.ds(rbase, TROWS)])

  return deg



def _tc_first(x, w1, degp):
  nprt = degp.shape[1]

  def body(x_ref, w_ref, d_ref, s_ref, dinv_ref):
    d = jnp.sum(d_ref[...], axis=1, keepdims=True) + 1.0
    dinv = lax.rsqrt(d)
    h = jnp.dot(x_ref[...], w_ref[...], preferred_element_type=jnp.float32)
    sv = dinv * h
    s_ref[0] = sv[:, :128]
    s_ref[1] = sv[:, 128:]
    dinv_ref[...] = dinv

  return pl.pallas_call(
      body,
      grid=(GRID,),
      in_specs=[
          pl.BlockSpec((BN, 128), lambda i: (i, 0)),
          pl.BlockSpec((128, 256), lambda i: (0, 0)),
          pl.BlockSpec((BN, nprt), lambda i: (i, 0)),
      ],
      out_specs=[
          pl.BlockSpec((NSC, BN, 128), lambda i: (0, i, 0)),
          pl.BlockSpec((BN, 1), lambda i: (i, 0)),
      ],
      out_shape=[
          jax.ShapeDtypeStruct((NSC, NR, 128), jnp.float32),
          jax.ShapeDtypeStruct((NR, 1), jnp.float32),
      ],
  )(x, w1, degp)


def _tc_mid(agg, sprev, dinv, b, w, hout, split_out):
  hh_in = agg.shape[2]
  hin2 = 2 * hh_in
  hh_out = hout // 2

  def body(a_ref, s_ref, d_ref, b_ref, w_ref, o_ref):
    af = jnp.concatenate([a_ref[0], a_ref[1]], axis=1)
    sf = jnp.concatenate([s_ref[0], s_ref[1]], axis=1)
    dv = d_ref[...]
    h = jnp.maximum(dv * (af + sf) + b_ref[...], 0.0)
    sv = dv * jnp.dot(h, w_ref[...], preferred_element_type=jnp.float32)
    if split_out:
      o_ref[0] = sv[:, :hh_out]
      o_ref[1] = sv[:, hh_out:]
    else:
      o_ref[...] = sv

  if split_out:
    out_spec = pl.BlockSpec((NSC, BN, hh_out), lambda i: (0, i, 0))
    out_shape = jax.ShapeDtypeStruct((NSC, NR, hh_out), jnp.float32)
  else:
    out_spec = pl.BlockSpec((BN, hout), lambda i: (i, 0))
    out_shape = jax.ShapeDtypeStruct((NR, hout), jnp.float32)

  return pl.pallas_call(
      body,
      grid=(GRID,),
      in_specs=[
          pl.BlockSpec((NSC, BN, hh_in), lambda i: (0, i, 0)),
          pl.BlockSpec((NSC, BN, hh_in), lambda i: (0, i, 0)),
          pl.BlockSpec((BN, 1), lambda i: (i, 0)),
          pl.BlockSpec((1, hin2), lambda i: (0, 0)),
          pl.BlockSpec((hin2, hout), lambda i: (0, 0)),
      ],
      out_specs=out_spec,
      out_shape=out_shape,
  )(agg, sprev, dinv, b, w)


def _tc_final(agg, sprev, dinv, b):

  def body(a_ref, s_ref, d_ref, b_ref, o_ref):
    z = d_ref[...] * (a_ref[0] + a_ref[1] + s_ref[...]) + b_ref[...]
    o_ref[...] = jax.nn.sigmoid(jnp.maximum(z, 0.0))

  return pl.pallas_call(
      body,
      grid=(GRID,),
      in_specs=[
          pl.BlockSpec((NSC, BN, 128), lambda i: (0, i, 0)),
          pl.BlockSpec((BN, 128), lambda i: (i, 0)),
          pl.BlockSpec((BN, 1), lambda i: (i, 0)),
          pl.BlockSpec((1, 128), lambda i: (0, 0)),
      ],
      out_specs=pl.BlockSpec((BN, 128), lambda i: (i, 0)),
      out_shape=jax.ShapeDtypeStruct((NR, 128), jnp.float32),
  )(agg, sprev, dinv, b)



@jax.jit
def kernel(x, edge_index, y, W1, b1, W2, b2, W3, b3):
  del y
  src = edge_index[0].astype(jnp.int32)
  dst = edge_index[1].astype(jnp.int32)
  srcp = jnp.zeros((EPAD16,), jnp.int32).at[:E].set(src)
  srcab = jnp.concatenate([srcp, srcp + NR])
  dstp16 = jnp.full((EPAD16,), N, jnp.int32).at[:E].set(dst)
  srcp32 = jnp.zeros((EPAD32,), jnp.int32).at[:E].set(src)
  dstp32 = jnp.full((EPAD32,), N, jnp.int32).at[:E].set(dst)
  dstd = jnp.full((EPADD,), N, jnp.int32).at[:E].set(dst)
  dstg = dstd.reshape(NW, T32, G, CHUNK)
  ones128 = jnp.ones((CHUNK, 128), jnp.float32)
  z128 = jnp.zeros((TROWS, 128), jnp.float32)
  xp = jnp.zeros((NR, 128), x.dtype).at[:N].set(x)

  hist = _make_deg()(dstg, ones128, z128)
  degp = hist[:, :, 0].T

  agg128 = _make_agg(128)
  s1, dinv = _tc_first(xp, W1, degp)
  agg1 = agg128(s1.reshape(NSC * NR, 128), srcab, dstp16, z128)
  s2 = _tc_mid(agg1, s1, dinv, b1.reshape(1, 256), W2, 256, True)
  agg2 = agg128(s2.reshape(NSC * NR, 128), srcab, dstp16, z128)
  s3 = _tc_mid(agg2, s2, dinv, b2.reshape(1, 256), W3, 128, False)
  agg3 = _make_agg_part()(s3, srcp32, dstp32, z128)
  out = _tc_final(agg3, s3, dinv, b3.reshape(1, 128))
  return out[:N]

# --- scband reference (transcript-rebuilt; emitter-appended) ---
"""Pipeline reference for scband-gcn-63256278335621 (READ-ONLY COPY).

The authoritative reference and input builder live on the scoring server;
editing this copy changes nothing except your own understanding.
"""

import jax, jax.numpy as jnp
import numpy as np

N_NODES = 10000
NUM_FEATURES = 128
HIDDEN = 256


def gcn_conv(x, src, dst, W, b, n):
    # x' = x @ W, then symmetric-normalized aggregation (self-loops already in src/dst)
    h = x @ W
    ones = jnp.ones(src.shape[0], dtype=x.dtype)
    deg = jax.ops.segment_sum(ones, dst, num_segments=n)
    dinv = jnp.where(deg > 0, 1.0 / jnp.sqrt(deg), 0.0)
    norm = dinv[src] * dinv[dst]
    msg = h[src] * norm[:, None]
    out = jax.ops.segment_sum(msg, dst, num_segments=n)
    return out + b


def setup_inputs(seed: int = 0) -> dict:
    key = jax.random.key(seed)
    ks = [jax.random.fold_in(key, i) for i in range(10)]
    x = jax.random.normal(ks[0], (N_NODES, NUM_FEATURES), dtype=jnp.float32)
    edge_index = jax.random.randint(ks[1], (2, 320000), 0, N_NODES, dtype=jnp.int64)
    y = jax.random.randint(ks[2], (N_NODES,), 0, 2, dtype=jnp.int64)
    W1 = jax.random.normal(ks[3], (NUM_FEATURES, HIDDEN), dtype=jnp.float32) * (1.0 / np.sqrt(NUM_FEATURES))
    b1 = jnp.zeros((HIDDEN,), dtype=jnp.float32)
    W2 = jax.random.normal(ks[4], (HIDDEN, HIDDEN), dtype=jnp.float32) * (1.0 / np.sqrt(HIDDEN))
    b2 = jnp.zeros((HIDDEN,), dtype=jnp.float32)
    W3 = jax.random.normal(ks[5], (HIDDEN, NUM_FEATURES), dtype=jnp.float32) * (1.0 / np.sqrt(HIDDEN))
    b3 = jnp.zeros((NUM_FEATURES,), dtype=jnp.float32)
    return {"x": x, "edge_index": edge_index, "y": y, "W1": W1, "b1": b1, "W2": W2, "b2": b2, "W3": W3, "b3": b3}


def reference(x, edge_index, y, W1, b1, W2, b2, W3, b3):
    n = x.shape[0]
    loop = jnp.arange(n, dtype=edge_index.dtype)
    src = jnp.concatenate([edge_index[0], loop])
    dst = jnp.concatenate([edge_index[1], loop])
    # eval mode: dropout is identity
    h = jax.nn.relu(gcn_conv(x, src, dst, W1, b1, n))
    h = jax.nn.relu(gcn_conv(h, src, dst, W2, b2, n))
    h = jax.nn.relu(gcn_conv(h, src, dst, W3, b3, n))
    return jax.nn.sigmoid(h)

if __name__ == "__main__":
    import jax
    _d = setup_inputs()
    print(jax.jit(kernel)(*tuple(_d.values())))

</pallas_src>

<mosaic_0001>
#map = affine_map<(d0, d1) -> (0, 0)>
#map1 = affine_map<(d0, d1) -> (0)>
#map2 = affine_map<(d0, d1) -> (0, 0, 0)>
module attributes {stable_mosaic.version = 14 : i64} {
  func.func @agg(%arg0: i32, %arg1: i32, %arg2: memref<10240x128xf32, #tpu.memory_space<hbm>>, %arg3: memref<323584xi32, #tpu.memory_space<hbm>>, %arg4: memref<323584xi32, #tpu.memory_space<hbm>>, %arg5: memref<640x128xf32, #tpu.memory_space<hbm>>, %arg6: memref<2x10240x128xf32, #tpu.memory_space<hbm>>, %arg7: memref<128xi32, #tpu.memory_space<vmem>>, %arg8: memref<128xi32, #tpu.memory_space<vmem>>, %arg9: memref<128xi32, #tpu.memory_space<vmem>>, %arg10: memref<128xi32, #tpu.memory_space<vmem>>, %arg11: memref<128x128xf32, #tpu.memory_space<vmem>>, %arg12: memref<128x128xf32, #tpu.memory_space<vmem>>, %arg13: memref<10240x128xf32, #tpu.memory_space<vmem_shared>>, %arg14: memref<!tpu.dma_semaphore, #tpu.memory_space<semaphore_mem>>, %arg15: memref<!tpu.dma_semaphore, #tpu.memory_space<semaphore_mem>>) attributes {dimension_semantics = [#tpu.dimension_semantics<core_parallel>, #tpu.dimension_semantics<subcore_parallel>], iteration_bounds = array<i64: 2, 16>, scalar_prefetch = 0 : i64, scratch_operands = 9 : i64, tpu.core_type = #tpu.core_type<sc_vector_subcore>, window_params = [{transform_indices = #map}, {transform_indices = #map1}, {transform_indices = #map1}, {transform_indices = #map}, {transform_indices = #map2}]} {
    %mul3A = arith.constant 640 : i32
    %mul3A_0 = arith.muli %arg1, %mul3A : i32
    %multiple_of3A = tpu.assume_multiple %mul3A_0, 640 : i32
    "tpu.region"() ({
      %run_scoped3A = tpu.sem_alloc : memref<!tpu.dma_semaphore, #tpu.memory_space<semaphore_mem>>
      %dma_start3A_16 = arith.constant 0 : i32
      %dma_start3A_17 = tpu.memref_slice %arg13[%multiple_of3A, %dma_start3A_16] : memref<10240x128xf32, #tpu.memory_space<vmem_shared>> -> memref<640x128xf32, #tpu.memory_space<vmem_shared>>
      tpu.enqueue_dma source(%arg5 : memref<640x128xf32, #tpu.memory_space<hbm>>) target(%dma_start3A_17 : memref<640x128xf32, #tpu.memory_space<vmem_shared>>) target_semaphore(%run_scoped3A : memref<!tpu.dma_semaphore, #tpu.memory_space<semaphore_mem>>)
      %dma_wait3A = arith.constant 0 : i32
      %dma_wait3A_18 = tpu.memref_slice %arg13[%multiple_of3A, %dma_wait3A] : memref<10240x128xf32, #tpu.memory_space<vmem_shared>> -> memref<640x128xf32, #tpu.memory_space<vmem_shared>>
      tpu.wait_dma2 semaphore(%run_scoped3A : memref<!tpu.dma_semaphore, #tpu.memory_space<semaphore_mem>>) src(%arg5 : memref<640x128xf32, #tpu.memory_space<hbm>>) dst(%dma_wait3A_18 : memref<640x128xf32, #tpu.memory_space<vmem_shared>>)
      tpu.yield
    }) : () -> ()
    %mul3A_1 = arith.constant 16 : i32
    %mul3A_2 = arith.muli %arg0, %mul3A_1 : i32
    %add3A = arith.addi %mul3A_2, %arg1 : i32
    %mul3A_3 = arith.constant 10112 : i32
    %mul3A_4 = arith.muli %add3A, %mul3A_3 : i32
    %barrier3A = arith.constant 0 : index
    tpu.barrier barrier_id(%barrier3A)
    %add3A_5 = arith.constant 0 : i32
    %add3A_6 = arith.addi %mul3A_4, %add3A_5 : i32
    %multiple_of3A_7 = tpu.assume_multiple %add3A_6, 128 : i32
    "tpu.region"() ({
      %run_scoped3A = tpu.sem_alloc : memref<!tpu.dma_semaphore, #tpu.memory_space<semaphore_mem>>
      %dma_start3A_16 = tpu.memref_slice %arg3[%multiple_of3A_7] : memref<323584xi32, #tpu.memory_space<hbm>> -> memref<128xi32, #tpu.memory_space<hbm>>
      %dma_start3A_17 = tpu.memref_slice %arg3[%multiple_of3A_7] : memref<323584xi32, #tpu.memory_space<hbm>> -> memref<128xi32, #tpu.memory_space<hbm>>
      tpu.enqueue_dma source(%dma_start3A_17 : memref<128xi32, #tpu.memory_space<hbm>>) target(%arg7 : memref<128xi32, #tpu.memory_space<vmem>>) target_semaphore(%run_scoped3A : memref<!tpu.dma_semaphore, #tpu.memory_space<semaphore_mem>>)
      %dma_wait3A = tpu.memref_slice %arg3[%multiple_of3A_7] : memref<323584xi32, #tpu.memory_space<hbm>> -> memref<128xi32, #tpu.memory_space<hbm>>
      %dma_wait3A_18 = tpu.memref_slice %arg3[%multiple_of3A_7] : memref<323584xi32, #tpu.memory_space<hbm>> -> memref<128xi32, #tpu.memory_space<hbm>>
      tpu.wait_dma2 semaphore(%run_scoped3A : memref<!tpu.dma_semaphore, #tpu.memory_space<semaphore_mem>>) src(%dma_wait3A_18 : memref<128xi32, #tpu.memory_space<hbm>>) dst(%arg7 : memref<128xi32, #tpu.memory_space<vmem>>)
      tpu.yield
    }) : () -> ()
    "tpu.region"() ({
      %run_scoped3A = tpu.sem_alloc : memref<!tpu.dma_semaphore, #tpu.memory_space<semaphore_mem>>
      %dma_start3A_16 = tpu.memref_slice %arg4[%multiple_of3A_7] : memref<323584xi32, #tpu.memory_space<hbm>> -> memref<128xi32, #tpu.memory_space<hbm>>
      %dma_start3A_17 = tpu.memref_slice %arg4[%multiple_of3A_7] : memref<323584xi32, #tpu.memory_space<hbm>> -> memref<128xi32, #tpu.memory_space<hbm>>
      tpu.enqueue_dma source(%dma_start3A_17 : memref<128xi32, #tpu.memory_space<hbm>>) target(%arg9 : memref<128xi32, #tpu.memory_space<vmem>>) target_semaphore(%run_scoped3A : memref<!tpu.dma_semaphore, #tpu.memory_space<semaphore_mem>>)
      %dma_wait3A = tpu.memref_slice %arg4[%multiple_of3A_7] : memref<323584xi32, #tpu.memory_space<hbm>> -> memref<128xi32, #tpu.memory_space<hbm>>
      %dma_wait3A_18 = tpu.memref_slice %arg4[%multiple_of3A_7] : memref<323584xi32, #tpu.memory_space<hbm>> -> memref<128xi32, #tpu.memory_space<hbm>>
      tpu.wait_dma2 semaphore(%run_scoped3A : memref<!tpu.dma_semaphore, #tpu.memory_space<semaphore_mem>>) src(%dma_wait3A_18 : memref<128xi32, #tpu.memory_space<hbm>>) dst(%arg9 : memref<128xi32, #tpu.memory_space<vmem>>)
      tpu.yield
    }) : () -> ()
    %dma_start3A = arith.constant 0 : i32
    %dma_start3A_8 = arith.constant 0 : i32
    %dma_start3A_9 = tpu.memref_slice %arg2[%dma_start3A, %dma_start3A_8] : memref<10240x128xf32, #tpu.memory_space<hbm>> -> memref<10240x128xf32, #tpu.memory_space<hbm>>
    tpu.enqueue_indirect_dma source(%dma_start3A_9 : memref<10240x128xf32, #tpu.memory_space<hbm>>) target(%arg11 : memref<128x128xf32, #tpu.memory_space<vmem>>) offsets(%arg7 : memref<128xi32, #tpu.memory_space<vmem>>) semaphore(%arg14 : memref<!tpu.dma_semaphore, #tpu.memory_space<semaphore_mem>>)
    %scan3A = arith.constant 0 : i32
    %scan3A_10 = arith.constant 0 : i32
    %scan3A_11 = arith.constant 79 : i32
    %scan3A_12 = arith.addi %scan3A_10, %scan3A_11 : i32
    %scan3A_13 = arith.constant 1 : i32
    scf.for %scan3A_16 = %scan3A_10 to %scan3A_12 step %scan3A_13  : i32 {
      %rem3A = arith.constant 2 : i32
      %rem3A_17 = arith.remsi %scan3A_16, %rem3A : i32
      %eq3A = arith.constant 0 : i32
      %eq3A_18 = arith.cmpi eq, %rem3A_17, %eq3A : i32
      %convert_element_type3A = arith.extui %eq3A_18 : i1 to i32
      %cond3A = arith.constant 0 : i32
      %cond3A_19 = arith.cmpi ne, %convert_element_type3A, %cond3A : i32
      scf.if %cond3A_19 {
        %add3A_25 = arith.constant 1 : i32
        %add3A_26 = arith.addi %scan3A_16, %add3A_25 : i32
        %lt3A = arith.constant 79 : i32
        %lt3A_27 = arith.cmpi slt, %add3A_26, %lt3A : i32
        %convert_element_type3A_28 = arith.extui %lt3A_27 : i1 to i32
        %cond3A_29 = arith.constant 0 : i32
        %cond3A_30 = arith.cmpi ne, %convert_element_type3A_28, %cond3A_29 : i32
        scf.if %cond3A_30 {
          %add3A_33 = arith.constant 1 : i32
          %add3A_34 = arith.addi %scan3A_16, %add3A_33 : i32
          %mul3A_35 = arith.constant 128 : i32
          %mul3A_36 = arith.muli %add3A_34, %mul3A_35 : i32
          %add3A_37 = arith.addi %mul3A_4, %mul3A_36 : i32
          %multiple_of3A_38 = tpu.assume_multiple %add3A_37, 128 : i32
          "tpu.region"() ({
            %run_scoped3A = tpu.sem_alloc : memref<!tpu.dma_semaphore, #tpu.memory_space<semaphore_mem>>
            %dma_start3A_42 = tpu.memref_slice %arg3[%multiple_of3A_38] : memref<323584xi32, #tpu.memory_space<hbm>> -> memref<128xi32, #tpu.memory_space<hbm>>
            %dma_start3A_43 = tpu.memref_slice %arg3[%multiple_of3A_38] : memref<323584xi32, #tpu.memory_space<hbm>> -> memref<128xi32, #tpu.memory_space<hbm>>
            tpu.enqueue_dma source(%dma_start3A_43 : memref<128xi32, #tpu.memory_space<hbm>>) target(%arg8 : memref<128xi32, #tpu.memory_space<vmem>>) target_semaphore(%run_scoped3A : memref<!tpu.dma_semaphore, #tpu.memory_space<semaphore_mem>>)
            %dma_wait3A_44 = tpu.memref_slice %arg3[%multiple_of3A_38] : memref<323584xi32, #tpu.memory_space<hbm>> -> memref<128xi32, #tpu.memory_space<hbm>>
            %dma_wait3A_45 = tpu.memref_slice %arg3[%multiple_of3A_38] : memref<323584xi32, #tpu.memory_space<hbm>> -> memref<128xi32, #tpu.memory_space<hbm>>
            tpu.wait_dma2 semaphore(%run_scoped3A : memref<!tpu.dma_semaphore, #tpu.memory_space<semaphore_mem>>) src(%dma_wait3A_45 : memref<128xi32, #tpu.memory_space<hbm>>) dst(%arg8 : memref<128xi32, #tpu.memory_space<vmem>>)
            tpu.yield
          }) : () -> ()
          "tpu.region"() ({
            %run_scoped3A = tpu.sem_alloc : memref<!tpu.dma_semaphore, #tpu.memory_space<semaphore_mem>>
            %dma_start3A_42 = tpu.memref_slice %arg4[%multiple_of3A_38] : memref<323584xi32, #tpu.memory_space<hbm>> -> memref<128xi32, #tpu.memory_space<hbm>>
            %dma_start3A_43 = tpu.memref_slice %arg4[%multiple_of3A_38] : memref<323584xi32, #tpu.memory_space<hbm>> -> memref<128xi32, #tpu.memory_space<hbm>>
            tpu.enqueue_dma source(%dma_start3A_43 : memref<128xi32, #tpu.memory_space<hbm>>) target(%arg10 : memref<128xi32, #tpu.memory_space<vmem>>) target_semaphore(%run_scoped3A : memref<!tpu.dma_semaphore, #tpu.memory_space<semaphore_mem>>)
            %dma_wait3A_44 = tpu.memref_slice %arg4[%multiple_of3A_38] : memref<323584xi32, #tpu.memory_space<hbm>> -> memref<128xi32, #tpu.memory_space<hbm>>
            %dma_wait3A_45 = tpu.memref_slice %arg4[%multiple_of3A_38] : memref<323584xi32, #tpu.memory_space<hbm>> -> memref<128xi32, #tpu.memory_space<hbm>>
            tpu.wait_dma2 semaphore(%run_scoped3A : memref<!tpu.dma_semaphore, #tpu.memory_space<semaphore_mem>>) src(%dma_wait3A_45 : memref<128xi32, #tpu.memory_space<hbm>>) dst(%arg10 : memref<128xi32, #tpu.memory_space<vmem>>)
            tpu.yield
          }) : () -> ()
          %dma_start3A_39 = arith.constant 0 : i32
          %dma_start3A_40 = arith.constant 0 : i32
          %dma_start3A_41 = tpu.memref_slice %arg2[%dma_start3A_39, %dma_start3A_40] : memref<10240x128xf32, #tpu.memory_space<hbm>> -> memref<10240x128xf32, #tpu.memory_space<hbm>>
          tpu.enqueue_indirect_dma source(%dma_start3A_41 : memref<10240x128xf32, #tpu.memory_space<hbm>>) target(%arg12 : memref<128x128xf32, #tpu.memory_space<vmem>>) offsets(%arg8 : memref<128xi32, #tpu.memory_space<vmem>>) semaphore(%arg15 : memref<!tpu.dma_semaphore, #tpu.memory_space<semaphore_mem>>)
        } else {
        }
        %dma_wait3A = arith.constant 0 : i32
        %dma_wait3A_31 = arith.constant 0 : i32
        %dma_wait3A_32 = tpu.memref_slice %arg2[%dma_wait3A, %dma_wait3A_31] : memref<10240x128xf32, #tpu.memory_space<hbm>> -> memref<10240x128xf32, #tpu.memory_space<hbm>>
        tpu.wait_indirect_dma semaphore(%arg14 : memref<!tpu.dma_semaphore, #tpu.memory_space<semaphore_mem>>) src(%dma_wait3A_32 : memref<10240x128xf32, #tpu.memory_space<hbm>>) dst(%arg11 : memref<128x128xf32, #tpu.memory_space<vmem>>)
        "tpu.region"() ({
          %run_scoped3A = tpu.sem_alloc : memref<!tpu.dma_semaphore, #tpu.memory_space<semaphore_mem>>
          %dma_start3A_33 = arith.constant 0 : i32
          %dma_start3A_34 = arith.constant 0 : i32
          %dma_start3A_35 = tpu.memref_slice %arg13[%dma_start3A_33, %dma_start3A_34] : memref<10240x128xf32, #tpu.memory_space<vmem_shared>> -> memref<10240x128xf32, #tpu.memory_space<vmem_shared>>
          tpu.enqueue_indirect_dma source(%arg11 : memref<128x128xf32, #tpu.memory_space<vmem>>) target(%dma_start3A_35 : memref<10240x128xf32, #tpu.memory_space<vmem_shared>>) offsets(%arg9 : memref<128xi32, #tpu.memory_space<vmem>>) semaphore(%run_scoped3A : memref<!tpu.dma_semaphore, #tpu.memory_space<semaphore_mem>>) {add = true}
          %dma_wait3A_36 = arith.constant 0 : i32
          %dma_wait3A_37 = arith.constant 0 : i32
          %dma_wait3A_38 = tpu.memref_slice %arg13[%dma_wait3A_36, %dma_wait3A_37] : memref<10240x128xf32, #tpu.memory_space<vmem_shared>> -> memref<10240x128xf32, #tpu.memory_space<vmem_shared>>
          tpu.wait_indirect_dma semaphore(%run_scoped3A : memref<!tpu.dma_semaphore, #tpu.memory_space<semaphore_mem>>) src(%arg11 : memref<128x128xf32, #tpu.memory_space<vmem>>) dst(%dma_wait3A_38 : memref<10240x128xf32, #tpu.memory_space<vmem_shared>>)
          tpu.yield
        }) : () -> ()
      } else {
      }
      %eq3A_20 = arith.constant 1 : i32
      %eq3A_21 = arith.cmpi eq, %rem3A_17, %eq3A_20 : i32
      %convert_element_type3A_22 = arith.extui %eq3A_21 : i1 to i32
      %cond3A_23 = arith.constant 0 : i32
      %cond3A_24 = arith.cmpi ne, %convert_element_type3A_22, %cond3A_23 : i32
      scf.if %cond3A_24 {
        %add3A_25 = arith.constant 1 : i32
        %add3A_26 = arith.addi %scan3A_16, %add3A_25 : i32
        %lt3A = arith.constant 79 : i32
        %lt3A_27 = arith.cmpi slt, %add3A_26, %lt3A : i32
        %convert_element_type3A_28 = arith.extui %lt3A_27 : i1 to i32
        %cond3A_29 = arith.constant 0 : i32
        %cond3A_30 = arith.cmpi ne, %convert_element_type3A_28, %cond3A_29 : i32
        scf.if %cond3A_30 {
          %add3A_33 = arith.constant 1 : i32
          %add3A_34 = arith.addi %scan3A_16, %add3A_33 : i32
          %mul3A_35 = arith.constant 128 : i32
          %mul3A_36 = arith.muli %add3A_34, %mul3A_35 : i32
          %add3A_37 = arith.addi %mul3A_4, %mul3A_36 : i32
          %multiple_of3A_38 = tpu.assume_multiple %add3A_37, 128 : i32
          "tpu.region"() ({
            %run_scoped3A = tpu.sem_alloc : memref<!tpu.dma_semaphore, #tpu.memory_space<semaphore_mem>>
            %dma_start3A_42 = tpu.memref_slice %arg3[%multiple_of3A_38] : memref<323584xi32, #tpu.memory_space<hbm>> -> memref<128xi32, #tpu.memory_space<hbm>>
            %dma_start3A_43 = tpu.memref_slice %arg3[%multiple_of3A_38] : memref<323584xi32, #tpu.memory_space<hbm>> -> memref<128xi32, #tpu.memory_space<hbm>>
            tpu.enqueue_dma source(%dma_start3A_43 : memref<128xi32, #tpu.memory_space<hbm>>) target(%arg7 : memref<128xi32, #tpu.memory_space<vmem>>) target_semaphore(%run_scoped3A : memref<!tpu.dma_semaphore, #tpu.memory_space<semaphore_mem>>)
            %dma_wait3A_44 = tpu.memref_slice %arg3[%multiple_of3A_38] : memref<323584xi32, #tpu.memory_space<hbm>> -> memref<128xi32, #tpu.memory_space<hbm>>
            %dma_wait3A_45 = tpu.memref_slice %arg3[%multiple_of3A_38] : memref<323584xi32, #tpu.memory_space<hbm>> -> memref<128xi32, #tpu.memory_space<hbm>>
            tpu.wait_dma2 semaphore(%run_scoped3A : memref<!tpu.dma_semaphore, #tpu.memory_space<semaphore_mem>>) src(%dma_wait3A_45 : memref<128xi32, #tpu.memory_space<hbm>>) dst(%arg7 : memref<128xi32, #tpu.memory_space<vmem>>)
            tpu.yield
          }) : () -> ()
          "tpu.region"() ({
            %run_scoped3A = tpu.sem_alloc : memref<!tpu.dma_semaphore, #tpu.memory_space<semaphore_mem>>
            %dma_start3A_42 = tpu.memref_slice %arg4[%multiple_of3A_38] : memref<323584xi32, #tpu.memory_space<hbm>> -> memref<128xi32, #tpu.memory_space<hbm>>
            %dma_start3A_43 = tpu.memref_slice %arg4[%multiple_of3A_38] : memref<323584xi32, #tpu.memory_space<hbm>> -> memref<128xi32, #tpu.memory_space<hbm>>
            tpu.enqueue_dma source(%dma_start3A_43 : memref<128xi32, #tpu.memory_space<hbm>>) target(%arg9 : memref<128xi32, #tpu.memory_space<vmem>>) target_semaphore(%run_scoped3A : memref<!tpu.dma_semaphore, #tpu.memory_space<semaphore_mem>>)
            %dma_wait3A_44 = tpu.memref_slice %arg4[%multiple_of3A_38] : memref<323584xi32, #tpu.memory_space<hbm>> -> memref<128xi32, #tpu.memory_space<hbm>>
            %dma_wait3A_45 = tpu.memref_slice %arg4[%multiple_of3A_38] : memref<323584xi32, #tpu.memory_space<hbm>> -> memref<128xi32, #tpu.memory_space<hbm>>
            tpu.wait_dma2 semaphore(%run_scoped3A : memref<!tpu.dma_semaphore, #tpu.memory_space<semaphore_mem>>) src(%dma_wait3A_45 : memref<128xi32, #tpu.memory_space<hbm>>) dst(%arg9 : memref<128xi32, #tpu.memory_space<vmem>>)
            tpu.yield
          }) : () -> ()
          %dma_start3A_39 = arith.constant 0 : i32
          %dma_start3A_40 = arith.constant 0 : i32
          %dma_start3A_41 = tpu.memref_slice %arg2[%dma_start3A_39, %dma_start3A_40] : memref<10240x128xf32, #tpu.memory_space<hbm>> -> memref<10240x128xf32, #tpu.memory_space<hbm>>
          tpu.enqueue_indirect_dma source(%dma_start3A_41 : memref<10240x128xf32, #tpu.memory_space<hbm>>) target(%arg11 : memref<128x128xf32, #tpu.memory_space<vmem>>) offsets(%arg7 : memref<128xi32, #tpu.memory_space<vmem>>) semaphore(%arg14 : memref<!tpu.dma_semaphore, #tpu.memory_space<semaphore_mem>>)
        } else {
        }
        %dma_wait3A = arith.constant 0 : i32
        %dma_wait3A_31 = arith.constant 0 : i32
        %dma_wait3A_32 = tpu.memref_slice %arg2[%dma_wait3A, %dma_wait3A_31] : memref<10240x128xf32, #tpu.memory_space<hbm>> -> memref<10240x128xf32, #tpu.memory_space<hbm>>
        tpu.wait_indirect_dma semaphore(%arg15 : memref<!tpu.dma_semaphore, #tpu.memory_space<semaphore_mem>>) src(%dma_wait3A_32 : memref<10240x128xf32, #tpu.memory_space<hbm>>) dst(%arg12 : memref<128x128xf32, #tpu.memory_space<vmem>>)
        "tpu.region"() ({
          %run_scoped3A = tpu.sem_alloc : memref<!tpu.dma_semaphore, #tpu.memory_space<semaphore_mem>>
          %dma_start3A_33 = arith.constant 0 : i32
          %dma_start3A_34 = arith.constant 0 : i32
          %dma_start3A_35 = tpu.memref_slice %arg13[%dma_start3A_33, %dma_start3A_34] : memref<10240x128xf32, #tpu.memory_space<vmem_shared>> -> memref<10240x128xf32, #tpu.memory_space<vmem_shared>>
          tpu.enqueue_indirect_dma source(%arg12 : memref<128x128xf32, #tpu.memory_space<vmem>>) target(%dma_start3A_35 : memref<10240x128xf32, #tpu.memory_space<vmem_shared>>) offsets(%arg10 : memref<128xi32, #tpu.memory_space<vmem>>) semaphore(%run_scoped3A : memref<!tpu.dma_semaphore, #tpu.memory_space<semaphore_mem>>) {add = true}
          %dma_wait3A_36 = arith.constant 0 : i32
          %dma_wait3A_37 = arith.constant 0 : i32
          %dma_wait3A_38 = tpu.memref_slice %arg13[%dma_wait3A_36, %dma_wait3A_37] : memref<10240x128xf32, #tpu.memory_space<vmem_shared>> -> memref<10240x128xf32, #tpu.memory_space<vmem_shared>>
          tpu.wait_indirect_dma semaphore(%run_scoped3A : memref<!tpu.dma_semaphore, #tpu.memory_space<semaphore_mem>>) src(%arg12 : memref<128x128xf32, #tpu.memory_space<vmem>>) dst(%dma_wait3A_38 : memref<10240x128xf32, #tpu.memory_space<vmem_shared>>)
          tpu.yield
        }) : () -> ()
      } else {
      }
    }
    %scan3A_14 = arith.constant 79 : i32
    %barrier3A_15 = arith.constant 0 : index
    tpu.barrier barrier_id(%barrier3A_15)
    "tpu.region"() ({
      %run_scoped3A = tpu.sem_alloc : memref<!tpu.dma_semaphore, #tpu.memory_space<semaphore_mem>>
      %dma_start3A_16 = arith.constant 0 : i32
      %dma_start3A_17 = tpu.memref_slice %arg6[%arg0, %multiple_of3A, %dma_start3A_16] : memref<2x10240x128xf32, #tpu.memory_space<hbm>> -> memref<1x640x128xf32, #tpu.memory_space<hbm>>
      %dma_start3A_18 = tpu.memref_squeeze %dma_start3A_17 : memref<1x640x128xf32, #tpu.memory_space<hbm>> -> memref<640x128xf32, #tpu.memory_space<hbm>>
      %dma_start3A_19 = arith.constant 0 : i32
      %dma_start3A_20 = tpu.memref_slice %arg13[%multiple_of3A, %dma_start3A_19] : memref<10240x128xf32, #tpu.memory_space<vmem_shared>> -> memref<640x128xf32, #tpu.memory_space<vmem_shared>>
      tpu.enqueue_dma source(%dma_start3A_20 : memref<640x128xf32, #tpu.memory_space<vmem_shared>>) target(%dma_start3A_18 : memref<640x128xf32, #tpu.memory_space<hbm>>) target_semaphore(%run_scoped3A : memref<!tpu.dma_semaphore, #tpu.memory_space<semaphore_mem>>)
      %dma_wait3A = arith.constant 0 : i32
      %dma_wait3A_21 = tpu.memref_slice %arg6[%arg0, %multiple_of3A, %dma_wait3A] : memref<2x10240x128xf32, #tpu.memory_space<hbm>> -> memref<1x640x128xf32, #tpu.memory_space<hbm>>
      %dma_wait3A_22 = tpu.memref_squeeze %dma_wait3A_21 : memref<1x640x128xf32, #tpu.memory_space<hbm>> -> memref<640x128xf32, #tpu.memory_space<hbm>>
      %dma_wait3A_23 = arith.constant 0 : i32
      %dma_wait3A_24 = tpu.memref_slice %arg13[%multiple_of3A, %dma_wait3A_23] : memref<10240x128xf32, #tpu.memory_space<vmem_shared>> -> memref<640x128xf32, #tpu.memory_space<vmem_shared>>
      tpu.wait_dma2 semaphore(%run_scoped3A : memref<!tpu.dma_semaphore, #tpu.memory_space<semaphore_mem>>) src(%dma_wait3A_24 : memref<640x128xf32, #tpu.memory_space<vmem_shared>>) dst(%dma_wait3A_22 : memref<640x128xf32, #tpu.memory_space<hbm>>)
      tpu.yield
    }) : () -> ()
    return
  }
}

#map = affine_map<(d0, d1) -> (0, 0)>
#map1 = affine_map<(d0, d1) -> (0)>
#map2 = affine_map<(d0, d1) -> (0, 0, 0)>
module attributes {stable_mosaic.version = 14 : i64} {
  func.func @agg(%arg0: i32, %arg1: i32, %arg2: memref<20480x128xf32, #tpu.memory_space<hbm>>, %arg3: memref<643072xi32, #tpu.memory_space<hbm>>, %arg4: memref<321536xi32, #tpu.memory_space<hbm>>, %arg5: memref<640x128xf32, #tpu.memory_space<hbm>>, %arg6: memref<2x10240x128xf32, #tpu.memory_space<hbm>>, %arg7: memref<128xi32, #tpu.memory_space<vmem>>, %arg8: memref<128xi32, #tpu.memory_space<vmem>>, %arg9: memref<128xi32, #tpu.memory_space<vmem>>, %arg10: memref<128xi32, #tpu.memory_space<vmem>>, %arg11: memref<128x128xf32, #tpu.memory_space<vmem>>, %arg12: memref<128x128xf32, #tpu.memory_space<vmem>>, %arg13: memref<10240x128xf32, #tpu.memory_space<vmem_shared>>, %arg14: memref<!tpu.dma_semaphore, #tpu.memory_space<semaphore_mem>>, %arg15: memref<!tpu.dma_semaphore, #tpu.memory_space<semaphore_mem>>) attributes {dimension_semantics = [#tpu.dimension_semantics<core_parallel>, #tpu.dimension_semantics<subcore_parallel>], iteration_bounds = array<i64: 2, 16>, scalar_prefetch = 0 : i64, scratch_operands = 9 : i64, tpu.core_type = #tpu.core_type<sc_vector_subcore>, window_params = [{transform_indices = #map}, {transform_indices = #map1}, {transform_indices = #map1}, {transform_indices = #map}, {transform_indices = #map2}]} {
    %mul3A = arith.constant 640 : i32
    %mul3A_0 = arith.muli %arg1, %mul3A : i32
    %multiple_of3A = tpu.assume_multiple %mul3A_0, 640 : i32
    "tpu.region"() ({
      %run_scoped3A = tpu.sem_alloc : memref<!tpu.dma_semaphore, #tpu.memory_space<semaphore_mem>>
      %dma_start3A_19 = arith.constant 0 : i32
      %dma_start3A_20 = tpu.memref_slice %arg13[%multiple_of3A, %dma_start3A_19] : memref<10240x128xf32, #tpu.memory_space<vmem_shared>> -> memref<640x128xf32, #tpu.memory_space<vmem_shared>>
      tpu.enqueue_dma source(%arg5 : memref<640x128xf32, #tpu.memory_space<hbm>>) target(%dma_start3A_20 : memref<640x128xf32, #tpu.memory_space<vmem_shared>>) target_semaphore(%run_scoped3A : memref<!tpu.dma_semaphore, #tpu.memory_space<semaphore_mem>>)
      %dma_wait3A = arith.constant 0 : i32
      %dma_wait3A_21 = tpu.memref_slice %arg13[%multiple_of3A, %dma_wait3A] : memref<10240x128xf32, #tpu.memory_space<vmem_shared>> -> memref<640x128xf32, #tpu.memory_space<vmem_shared>>
      tpu.wait_dma2 semaphore(%run_scoped3A : memref<!tpu.dma_semaphore, #tpu.memory_space<semaphore_mem>>) src(%arg5 : memref<640x128xf32, #tpu.memory_space<hbm>>) dst(%dma_wait3A_21 : memref<640x128xf32, #tpu.memory_space<vmem_shared>>)
      tpu.yield
    }) : () -> ()
    %mul3A_1 = arith.constant 20096 : i32
    %mul3A_2 = arith.muli %arg1, %mul3A_1 : i32
    %mul3A_3 = arith.constant 321536 : i32
    %mul3A_4 = arith.muli %arg0, %mul3A_3 : i32
    %add3A = arith.addi %mul3A_4, %mul3A_2 : i32
    %barrier3A = arith.constant 0 : index
    tpu.barrier barrier_id(%barrier3A)
    %add3A_5 = arith.constant 0 : i32
    %add3A_6 = arith.addi %mul3A_2, %add3A_5 : i32
    %multiple_of3A_7 = tpu.assume_multiple %add3A_6, 128 : i32
    %add3A_8 = arith.constant 0 : i32
    %add3A_9 = arith.addi %add3A, %add3A_8 : i32
    %multiple_of3A_10 = tpu.assume_multiple %add3A_9, 128 : i32
    "tpu.region"() ({
      %run_scoped3A = tpu.sem_alloc : memref<!tpu.dma_semaphore, #tpu.memory_space<semaphore_mem>>
      %dma_start3A_19 = tpu.memref_slice %arg3[%multiple_of3A_10] : memref<643072xi32, #tpu.memory_space<hbm>> -> memref<128xi32, #tpu.memory_space<hbm>>
      %dma_start3A_20 = tpu.memref_slice %arg3[%multiple_of3A_10] : memref<643072xi32, #tpu.memory_space<hbm>> -> memref<128xi32, #tpu.memory_space<hbm>>
      tpu.enqueue_dma source(%dma_start3A_20 : memref<128xi32, #tpu.memory_space<hbm>>) target(%arg7 : memref<128xi32, #tpu.memory_space<vmem>>) target_semaphore(%run_scoped3A : memref<!tpu.dma_semaphore, #tpu.memory_space<semaphore_mem>>)
      %dma_wait3A = tpu.memref_slice %arg3[%multiple_of3A_10] : memref<643072xi32, #tpu.memory_space<hbm>> -> memref<128xi32, #tpu.memory_space<hbm>>
      %dma_wait3A_21 = tpu.memref_slice %arg3[%multiple_of3A_10] : memref<643072xi32, #tpu.memory_space<hbm>> -> memref<128xi32, #tpu.memory_space<hbm>>
      tpu.wait_dma2 semaphore(%run_scoped3A : memref<!tpu.dma_semaphore, #tpu.memory_space<semaphore_mem>>) src(%dma_wait3A_21 : memref<128xi32, #tpu.memory_space<hbm>>) dst(%arg7 : memref<128xi32, #tpu.memory_space<vmem>>)
      tpu.yield
    }) : () -> ()
    "tpu.region"() ({
      %run_scoped3A = tpu.sem_alloc : memref<!tpu.dma_semaphore, #tpu.memory_space<semaphore_mem>>
      %dma_start3A_19 = tpu.memref_slice %arg4[%multiple_of3A_7] : memref<321536xi32, #tpu.memory_space<hbm>> -> memref<128xi32, #tpu.memory_space<hbm>>
      %dma_start3A_20 = tpu.memref_slice %arg4[%multiple_of3A_7] : memref<321536xi32, #tpu.memory_space<hbm>> -> memref<128xi32, #tpu.memory_space<hbm>>
      tpu.enqueue_dma source(%dma_start3A_20 : memref<128xi32, #tpu.memory_space<hbm>>) target(%arg9 : memref<128xi32, #tpu.memory_space<vmem>>) target_semaphore(%run_scoped3A : memref<!tpu.dma_semaphore, #tpu.memory_space<semaphore_mem>>)
      %dma_wait3A = tpu.memref_slice %arg4[%multiple_of3A_7] : memref<321536xi32, #tpu.memory_space<hbm>> -> memref<128xi32, #tpu.memory_space<hbm>>
      %dma_wait3A_21 = tpu.memref_slice %arg4[%multiple_of3A_7] : memref<321536xi32, #tpu.memory_space<hbm>> -> memref<128xi32, #tpu.memory_space<hbm>>
      tpu.wait_dma2 semaphore(%run_scoped3A : memref<!tpu.dma_semaphore, #tpu.memory_space<semaphore_mem>>) src(%dma_wait3A_21 : memref<128xi32, #tpu.memory_space<hbm>>) dst(%arg9 : memref<128xi32, #tpu.memory_space<vmem>>)
      tpu.yield
    }) : () -> ()
    %dma_start3A = arith.constant 0 : i32
    %dma_start3A_11 = arith.constant 0 : i32
    %dma_start3A_12 = tpu.memref_slice %arg2[%dma_start3A, %dma_start3A_11] : memref<20480x128xf32, #tpu.memory_space<hbm>> -> memref<20480x128xf32, #tpu.memory_space<hbm>>
    tpu.enqueue_indirect_dma source(%dma_start3A_12 : memref<20480x128xf32, #tpu.memory_space<hbm>>) target(%arg11 : memref<128x128xf32, #tpu.memory_space<vmem>>) offsets(%arg7 : memref<128xi32, #tpu.memory_space<vmem>>) semaphore(%arg14 : memref<!tpu.dma_semaphore, #tpu.memory_space<semaphore_mem>>)
    %scan3A = arith.constant 0 : i32
    %scan3A_13 = arith.constant 0 : i32
    %scan3A_14 = arith.constant 157 : i32
    %scan3A_15 = arith.addi %scan3A_13, %scan3A_14 : i32
    %scan3A_16 = arith.constant 1 : i32
    scf.for %scan3A_19 = %scan3A_13 to %scan3A_15 step %scan3A_16  : i32 {
      %rem3A = arith.constant 2 : i32
      %rem3A_20 = arith.remsi %scan3A_19, %rem3A : i32
      %eq3A = arith.constant 0 : i32
      %eq3A_21 = arith.cmpi eq, %rem3A_20, %eq3A : i32
      %convert_element_type3A = arith.extui %eq3A_21 : i1 to i32
      %cond3A = arith.constant 0 : i32
      %cond3A_22 = arith.cmpi ne, %convert_element_type3A, %cond3A : i32
      scf.if %cond3A_22 {
        %add3A_28 = arith.constant 1 : i32
        %add3A_29 = arith.addi %scan3A_19, %add3A_28 : i32
        %lt3A = arith.constant 157 : i32
        %lt3A_30 = arith.cmpi slt, %add3A_29, %lt3A : i32
        %convert_element_type3A_31 = arith.extui %lt3A_30 : i1 to i32
        %cond3A_32 = arith.constant 0 : i32
        %cond3A_33 = arith.cmpi ne, %convert_element_type3A_31, %cond3A_32 : i32
        scf.if %cond3A_33 {
          %add3A_36 = arith.constant 1 : i32
          %add3A_37 = arith.addi %scan3A_19, %add3A_36 : i32
          %mul3A_38 = arith.constant 128 : i32
          %mul3A_39 = arith.muli %add3A_37, %mul3A_38 : i32
          %add3A_40 = arith.addi %mul3A_2, %mul3A_39 : i32
          %multiple_of3A_41 = tpu.assume_multiple %add3A_40, 128 : i32
          %mul3A_42 = arith.constant 128 : i32
          %mul3A_43 = arith.muli %add3A_37, %mul3A_42 : i32
          %add3A_44 = arith.addi %add3A, %mul3A_43 : i32
          %multiple_of3A_45 = tpu.assume_multiple %add3A_44, 128 : i32
          "tpu.region"() ({
            %run_scoped3A = tpu.sem_alloc : memref<!tpu.dma_semaphore, #tpu.memory_space<semaphore_mem>>
            %dma_start3A_49 = tpu.memref_slice %arg3[%multiple_of3A_45] : memref<643072xi32, #tpu.memory_space<hbm>> -> memref<128xi32, #tpu.memory_space<hbm>>
            %dma_start3A_50 = tpu.memref_slice %arg3[%multiple_of3A_45] : memref<643072xi32, #tpu.memory_space<hbm>> -> memref<128xi32, #tpu.memory_space<hbm>>
            tpu.enqueue_dma source(%dma_start3A_50 : memref<128xi32, #tpu.memory_space<hbm>>) target(%arg8 : memref<128xi32, #tpu.memory_space<vmem>>) target_semaphore(%run_scoped3A : memref<!tpu.dma_semaphore, #tpu.memory_space<semaphore_mem>>)
            %dma_wait3A_51 = tpu.memref_slice %arg3[%multiple_of3A_45] : memref<643072xi32, #tpu.memory_space<hbm>> -> memref<128xi32, #tpu.memory_space<hbm>>
            %dma_wait3A_52 = tpu.memref_slice %arg3[%multiple_of3A_45] : memref<643072xi32, #tpu.memory_space<hbm>> -> memref<128xi32, #tpu.memory_space<hbm>>
            tpu.wait_dma2 semaphore(%run_scoped3A : memref<!tpu.dma_semaphore, #tpu.memory_space<semaphore_mem>>) src(%dma_wait3A_52 : memref<128xi32, #tpu.memory_space<hbm>>) dst(%arg8 : memref<128xi32, #tpu.memory_space<vmem>>)
            tpu.yield
          }) : () -> ()
          "tpu.region"() ({
            %run_scoped3A = tpu.sem_alloc : memref<!tpu.dma_semaphore, #tpu.memory_space<semaphore_mem>>
            %dma_start3A_49 = tpu.memref_slice %arg4[%multiple_of3A_41] : memref<321536xi32, #tpu.memory_space<hbm>> -> memref<128xi32, #tpu.memory_space<hbm>>
            %dma_start3A_50 = tpu.memref_slice %arg4[%multiple_of3A_41] : memref<321536xi32, #tpu.memory_space<hbm>> -> memref<128xi32, #tpu.memory_space<hbm>>
            tpu.enqueue_dma source(%dma_start3A_50 : memref<128xi32, #tpu.memory_space<hbm>>) target(%arg10 : memref<128xi32, #tpu.memory_space<vmem>>) target_semaphore(%run_scoped3A : memref<!tpu.dma_semaphore, #tpu.memory_space<semaphore_mem>>)
            %dma_wait3A_51 = tpu.memref_slice %arg4[%multiple_of3A_41] : memref<321536xi32, #tpu.memory_space<hbm>> -> memref<128xi32, #tpu.memory_space<hbm>>
            %dma_wait3A_52 = tpu.memref_slice %arg4[%multiple_of3A_41] : memref<321536xi32, #tpu.memory_space<hbm>> -> memref<128xi32, #tpu.memory_space<hbm>>
            tpu.wait_dma2 semaphore(%run_scoped3A : memref<!tpu.dma_semaphore, #tpu.memory_space<semaphore_mem>>) src(%dma_wait3A_52 : memref<128xi32, #tpu.memory_space<hbm>>) dst(%arg10 : memref<128xi32, #tpu.memory_space<vmem>>)
            tpu.yield
          }) : () -> ()
          %dma_start3A_46 = arith.constant 0 : i32
          %dma_start3A_47 = arith.constant 0 : i32
          %dma_start3A_48 = tpu.memref_slice %arg2[%dma_start3A_46, %dma_start3A_47] : memref<20480x128xf32, #tpu.memory_space<hbm>> -> memref<20480x128xf32, #tpu.memory_space<hbm>>
          tpu.enqueue_indirect_dma source(%dma_start3A_48 : memref<20480x128xf32, #tpu.memory_space<hbm>>) target(%arg12 : memref<128x128xf32, #tpu.memory_space<vmem>>) offsets(%arg8 : memref<128xi32, #tpu.memory_space<vmem>>) semaphore(%arg15 : memref<!tpu.dma_semaphore, #tpu.memory_space<semaphore_mem>>)
        } else {
        }
        %dma_wait3A = arith.constant 0 : i32
        %dma_wait3A_34 = arith.constant 0 : i32
        %dma_wait3A_35 = tpu.memref_slice %arg2[%dma_wait3A, %dma_wait3A_34] : memref<20480x128xf32, #tpu.memory_space<hbm>> -> memref<20480x128xf32, #tpu.memory_space<hbm>>
        tpu.wait_indirect_dma semaphore(%arg14 : memref<!tpu.dma_semaphore, #tpu.memory_space<semaphore_mem>>) src(%dma_wait3A_35 : memref<20480x128xf32, #tpu.memory_space<hbm>>) dst(%arg11 : memref<128x128xf32, #tpu.memory_space<vmem>>)
        "tpu.region"() ({
          %run_scoped3A = tpu.sem_alloc : memref<!tpu.dma_semaphore, #tpu.memory_space<semaphore_mem>>
          %dma_start3A_36 = arith.constant 0 : i32
          %dma_start3A_37 = arith.constant 0 : i32
          %dma_start3A_38 = tpu.memref_slice %arg13[%dma_start3A_36, %dma_start3A_37] : memref<10240x128xf32, #tpu.memory_space<vmem_shared>> -> memref<10240x128xf32, #tpu.memory_space<vmem_shared>>
          tpu.enqueue_indirect_dma source(%arg11 : memref<128x128xf32, #tpu.memory_space<vmem>>) target(%dma_start3A_38 : memref<10240x128xf32, #tpu.memory_space<vmem_shared>>) offsets(%arg9 : memref<128xi32, #tpu.memory_space<vmem>>) semaphore(%run_scoped3A : memref<!tpu.dma_semaphore, #tpu.memory_space<semaphore_mem>>) {add = true}
          %dma_wait3A_39 = arith.constant 0 : i32
          %dma_wait3A_40 = arith.constant 0 : i32
          %dma_wait3A_41 = tpu.memref_slice %arg13[%dma_wait3A_39, %dma_wait3A_40] : memref<10240x128xf32, #tpu.memory_space<vmem_shared>> -> memref<10240x128xf32, #tpu.memory_space<vmem_shared>>
          tpu.wait_indirect_dma semaphore(%run_scoped3A : memref<!tpu.dma_semaphore, #tpu.memory_space<semaphore_mem>>) src(%arg11 : memref<128x128xf32, #tpu.memory_space<vmem>>) dst(%dma_wait3A_41 : memref<10240x128xf32, #tpu.memory_space<vmem_shared>>)
          tpu.yield
        }) : () -> ()
      } else {
      }
      %eq3A_23 = arith.constant 1 : i32
      %eq3A_24 = arith.cmpi eq, %rem3A_20, %eq3A_23 : i32
      %convert_element_type3A_25 = arith.extui %eq3A_24 : i1 to i32
      %cond3A_26 = arith.constant 0 : i32
      %cond3A_27 = arith.cmpi ne, %convert_element_type3A_25, %cond3A_26 : i32
      scf.if %cond3A_27 {
        %add3A_28 = arith.constant 1 : i32
        %add3A_29 = arith.addi %scan3A_19, %add3A_28 : i32
        %lt3A = arith.constant 157 : i32
        %lt3A_30 = arith.cmpi slt, %add3A_29, %lt3A : i32
        %convert_element_type3A_31 = arith.extui %lt3A_30 : i1 to i32
        %cond3A_32 = arith.constant 0 : i32
        %cond3A_33 = arith.cmpi ne, %convert_element_type3A_31, %cond3A_32 : i32
        scf.if %cond3A_33 {
          %add3A_36 = arith.constant 1 : i32
          %add3A_37 = arith.addi %scan3A_19, %add3A_36 : i32
          %mul3A_38 = arith.constant 128 : i32
          %mul3A_39 = arith.muli %add3A_37, %mul3A_38 : i32
          %add3A_40 = arith.addi %mul3A_2, %mul3A_39 : i32
          %multiple_of3A_41 = tpu.assume_multiple %add3A_40, 128 : i32
          %mul3A_42 = arith.constant 128 : i32
          %mul3A_43 = arith.muli %add3A_37, %mul3A_42 : i32
          %add3A_44 = arith.addi %add3A, %mul3A_43 : i32
          %multiple_of3A_45 = tpu.assume_multiple %add3A_44, 128 : i32
          "tpu.region"() ({
            %run_scoped3A = tpu.sem_alloc : memref<!tpu.dma_semaphore, #tpu.memory_space<semaphore_mem>>
            %dma_start3A_49 = tpu.memref_slice %arg3[%multiple_of3A_45] : memref<643072xi32, #tpu.memory_space<hbm>> -> memref<128xi32, #tpu.memory_space<hbm>>
            %dma_start3A_50 = tpu.memref_slice %arg3[%multiple_of3A_45] : memref<643072xi32, #tpu.memory_space<hbm>> -> memref<128xi32, #tpu.memory_space<hbm>>
            tpu.enqueue_dma source(%dma_start3A_50 : memref<128xi32, #tpu.memory_space<hbm>>) target(%arg7 : memref<128xi32, #tpu.memory_space<vmem>>) target_semaphore(%run_scoped3A : memref<!tpu.dma_semaphore, #tpu.memory_space<semaphore_mem>>)
            %dma_wait3A_51 = tpu.memref_slice %arg3[%multiple_of3A_45] : memref<643072xi32, #tpu.memory_space<hbm>> -> memref<128xi32, #tpu.memory_space<hbm>>
            %dma_wait3A_52 = tpu.memref_slice %arg3[%multiple_of3A_45] : memref<643072xi32, #tpu.memory_space<hbm>> -> memref<128xi32, #tpu.memory_space<hbm>>
            tpu.wait_dma2 semaphore(%run_scoped3A : memref<!tpu.dma_semaphore, #tpu.memory_space<semaphore_mem>>) src(%dma_wait3A_52 : memref<128xi32, #tpu.memory_space<hbm>>) dst(%arg7 : memref<128xi32, #tpu.memory_space<vmem>>)
            tpu.yield
          }) : () -> ()
          "tpu.region"() ({
            %run_scoped3A = tpu.sem_alloc : memref<!tpu.dma_semaphore, #tpu.memory_space<semaphore_mem>>
            %dma_start3A_49 = tpu.memref_slice %arg4[%multiple_of3A_41] : memref<321536xi32, #tpu.memory_space<hbm>> -> memref<128xi32, #tpu.memory_space<hbm>>
            %dma_start3A_50 = tpu.memref_slice %arg4[%multiple_of3A_41] : memref<321536xi32, #tpu.memory_space<hbm>> -> memref<128xi32, #tpu.memory_space<hbm>>
            tpu.enqueue_dma source(%dma_start3A_50 : memref<128xi32, #tpu.memory_space<hbm>>) target(%arg9 : memref<128xi32, #tpu.memory_space<vmem>>) target_semaphore(%run_scoped3A : memref<!tpu.dma_semaphore, #tpu.memory_space<semaphore_mem>>)
            %dma_wait3A_51 = tpu.memref_slice %arg4[%multiple_of3A_41] : memref<321536xi32, #tpu.memory_space<hbm>> -> memref<128xi32, #tpu.memory_space<hbm>>
            %dma_wait3A_52 = tpu.memref_slice %arg4[%multiple_of3A_41] : memref<321536xi32, #tpu.memory_space<hbm>> -> memref<128xi32, #tpu.memory_space<hbm>>
            tpu.wait_dma2 semaphore(%run_scoped3A : memref<!tpu.dma_semaphore, #tpu.memory_space<semaphore_mem>>) src(%dma_wait3A_52 : memref<128xi32, #tpu.memory_space<hbm>>) dst(%arg9 : memref<128xi32, #tpu.memory_space<vmem>>)
            tpu.yield
          }) : () -> ()
          %dma_start3A_46 = arith.constant 0 : i32
          %dma_start3A_47 = arith.constant 0 : i32
          %dma_start3A_48 = tpu.memref_slice %arg2[%dma_start3A_46, %dma_start3A_47] : memref<20480x128xf32, #tpu.memory_space<hbm>> -> memref<20480x128xf32, #tpu.memory_space<hbm>>
          tpu.enqueue_indirect_dma source(%dma_start3A_48 : memref<20480x128xf32, #tpu.memory_space<hbm>>) target(%arg11 : memref<128x128xf32, #tpu.memory_space<vmem>>) offsets(%arg7 : memref<128xi32, #tpu.memory_space<vmem>>) semaphore(%arg14 : memref<!tpu.dma_semaphore, #tpu.memory_space<semaphore_mem>>)
        } else {
        }
        %dma_wait3A = arith.constant 0 : i32
        %dma_wait3A_34 = arith.constant 0 : i32
        %dma_wait3A_35 = tpu.memref_slice %arg2[%dma_wait3A, %dma_wait3A_34] : memref<20480x128xf32, #tpu.memory_space<hbm>> -> memref<20480x128xf32, #tpu.memory_space<hbm>>
        tpu.wait_indirect_dma semaphore(%arg15 : memref<!tpu.dma_semaphore, #tpu.memory_space<semaphore_mem>>) src(%dma_wait3A_35 : memref<20480x128xf32, #tpu.memory_space<hbm>>) dst(%arg12 : memref<128x128xf32, #tpu.memory_space<vmem>>)
        "tpu.region"() ({
          %run_scoped3A = tpu.sem_alloc : memref<!tpu.dma_semaphore, #tpu.memory_space<semaphore_mem>>
          %dma_start3A_36 = arith.constant 0 : i32
          %dma_start3A_37 = arith.constant 0 : i32
          %dma_start3A_38 = tpu.memref_slice %arg13[%dma_start3A_36, %dma_start3A_37] : memref<10240x128xf32, #tpu.memory_space<vmem_shared>> -> memref<10240x128xf32, #tpu.memory_space<vmem_shared>>
          tpu.enqueue_indirect_dma source(%arg12 : memref<128x128xf32, #tpu.memory_space<vmem>>) target(%dma_start3A_38 : memref<10240x128xf32, #tpu.memory_space<vmem_shared>>) offsets(%arg10 : memref<128xi32, #tpu.memory_space<vmem>>) semaphore(%run_scoped3A : memref<!tpu.dma_semaphore, #tpu.memory_space<semaphore_mem>>) {add = true}
          %dma_wait3A_39 = arith.constant 0 : i32
          %dma_wait3A_40 = arith.constant 0 : i32
          %dma_wait3A_41 = tpu.memref_slice %arg13[%dma_wait3A_39, %dma_wait3A_40] : memref<10240x128xf32, #tpu.memory_space<vmem_shared>> -> memref<10240x128xf32, #tpu.memory_space<vmem_shared>>
          tpu.wait_indirect_dma semaphore(%run_scoped3A : memref<!tpu.dma_semaphore, #tpu.memory_space<semaphore_mem>>) src(%arg12 : memref<128x128xf32, #tpu.memory_space<vmem>>) dst(%dma_wait3A_41 : memref<10240x128xf32, #tpu.memory_space<vmem_shared>>)
          tpu.yield
        }) : () -> ()
      } else {
      }
    }
    %scan3A_17 = arith.constant 157 : i32
    %barrier3A_18 = arith.constant 0 : index
    tpu.barrier barrier_id(%barrier3A_18)
    "tpu.region"() ({
      %run_scoped3A = tpu.sem_alloc : memref<!tpu.dma_semaphore, #tpu.memory_space<semaphore_mem>>
      %dma_start3A_19 = arith.constant 0 : i32
      %dma_start3A_20 = tpu.memref_slice %arg6[%arg0, %multiple_of3A, %dma_start3A_19] : memref<2x10240x128xf32, #tpu.memory_space<hbm>> -> memref<1x640x128xf32, #tpu.memory_space<hbm>>
      %dma_start3A_21 = tpu.memref_squeeze %dma_start3A_20 : memref<1x640x128xf32, #tpu.memory_space<hbm>> -> memref<640x128xf32, #tpu.memory_space<hbm>>
      %dma_start3A_22 = arith.constant 0 : i32
      %dma_start3A_23 = tpu.memref_slice %arg13[%multiple_of3A, %dma_start3A_22] : memref<10240x128xf32, #tpu.memory_space<vmem_shared>> -> memref<640x128xf32, #tpu.memory_space<vmem_shared>>
      tpu.enqueue_dma source(%dma_start3A_23 : memref<640x128xf32, #tpu.memory_space<vmem_shared>>) target(%dma_start3A_21 : memref<640x128xf32, #tpu.memory_space<hbm>>) target_semaphore(%run_scoped3A : memref<!tpu.dma_semaphore, #tpu.memory_space<semaphore_mem>>)
      %dma_wait3A = arith.constant 0 : i32
      %dma_wait3A_24 = tpu.memref_slice %arg6[%arg0, %multiple_of3A, %dma_wait3A] : memref<2x10240x128xf32, #tpu.memory_space<hbm>> -> memref<1x640x128xf32, #tpu.memory_space<hbm>>
      %dma_wait3A_25 = tpu.memref_squeeze %dma_wait3A_24 : memref<1x640x128xf32, #tpu.memory_space<hbm>> -> memref<640x128xf32, #tpu.memory_space<hbm>>
      %dma_wait3A_26 = arith.constant 0 : i32
      %dma_wait3A_27 = tpu.memref_slice %arg13[%multiple_of3A, %dma_wait3A_26] : memref<10240x128xf32, #tpu.memory_space<vmem_shared>> -> memref<640x128xf32, #tpu.memory_space<vmem_shared>>
      tpu.wait_dma2 semaphore(%run_scoped3A : memref<!tpu.dma_semaphore, #tpu.memory_space<semaphore_mem>>) src(%dma_wait3A_27 : memref<640x128xf32, #tpu.memory_space<vmem_shared>>) dst(%dma_wait3A_25 : memref<640x128xf32, #tpu.memory_space<hbm>>)
      tpu.yield
    }) : () -> ()
    return
  }
}

#map = affine_map<(d0, d1) -> (0, 0, 0, 0)>
#map1 = affine_map<(d0, d1) -> (0, 0)>
#map2 = affine_map<(d0, d1) -> (0, 0, 0)>
module attributes {stable_mosaic.version = 14 : i64} {
  func.func @deg(%arg0: i32, %arg1: i32, %arg2: memref<32x10x8x128xi32, #tpu.memory_space<hbm>>, %arg3: memref<128x128xf32, #tpu.memory_space<hbm>>, %arg4: memref<640x128xf32, #tpu.memory_space<hbm>>, %arg5: memref<2x10240x128xf32, #tpu.memory_space<hbm>>, %arg6: memref<2x8x128xi32, #tpu.memory_space<vmem>>, %arg7: memref<128x128xf32, #tpu.memory_space<vmem>>, %arg8: memref<10240x128xf32, #tpu.memory_space<vmem_shared>>, %arg9: memref<!tpu.dma_semaphore, #tpu.memory_space<semaphore_mem>>, %arg10: memref<!tpu.dma_semaphore, #tpu.memory_space<semaphore_mem>>, %arg11: memref<!tpu.dma_semaphore, #tpu.memory_space<semaphore_mem>>) attributes {dimension_semantics = [#tpu.dimension_semantics<core_parallel>, #tpu.dimension_semantics<subcore_parallel>], iteration_bounds = array<i64: 2, 16>, scalar_prefetch = 0 : i64, scratch_operands = 6 : i64, tpu.core_type = #tpu.core_type<sc_vector_subcore>, window_params = [{transform_indices = #map}, {transform_indices = #map1}, {transform_indices = #map1}, {transform_indices = #map2}]} {
    %mul3A = arith.constant 16 : i32
    %mul3A_0 = arith.muli %arg0, %mul3A : i32
    %add3A = arith.addi %mul3A_0, %arg1 : i32
    %mul3A_1 = arith.constant 640 : i32
    %mul3A_2 = arith.muli %arg1, %mul3A_1 : i32
    %multiple_of3A = tpu.assume_multiple %mul3A_2, 640 : i32
    %run_scoped3A = arith.constant 0 : i32
    %run_scoped3A_3 = arith.constant 0 : i32
    "tpu.region"() ({
      %run_scoped3A_10 = tpu.sem_alloc : memref<!tpu.dma_semaphore, #tpu.memory_space<semaphore_mem>>
      %dma_start3A = arith.constant 0 : i32
      %dma_start3A_11 = arith.constant 0 : i32
      %dma_start3A_12 = tpu.memref_slice %arg6[%run_scoped3A_3, %dma_start3A, %dma_start3A_11] : memref<2x8x128xi32, #tpu.memory_space<vmem>> -> memref<1x8x128xi32, #tpu.memory_space<vmem>>
      %dma_start3A_13 = tpu.memref_squeeze %dma_start3A_12 : memref<1x8x128xi32, #tpu.memory_space<vmem>> -> memref<8x128xi32, #tpu.memory_space<vmem>>
      %dma_start3A_14 = arith.constant 0 : i32
      %dma_start3A_15 = arith.constant 0 : i32
      %dma_start3A_16 = tpu.memref_slice %arg2[%add3A, %run_scoped3A, %dma_start3A_14, %dma_start3A_15] : memref<32x10x8x128xi32, #tpu.memory_space<hbm>> -> memref<1x1x8x128xi32, #tpu.memory_space<hbm>>
      %dma_start3A_17 = tpu.memref_squeeze %dma_start3A_16 : memref<1x1x8x128xi32, #tpu.memory_space<hbm>> -> memref<8x128xi32, #tpu.memory_space<hbm>>
      %dma_start3A_18 = arith.constant 0 : i32
      %dma_start3A_19 = arith.constant 0 : i32
      %dma_start3A_20 = tpu.memref_slice %arg6[%run_scoped3A_3, %dma_start3A_18, %dma_start3A_19] : memref<2x8x128xi32, #tpu.memory_space<vmem>> -> memref<1x8x128xi32, #tpu.memory_space<vmem>>
      %dma_start3A_21 = tpu.memref_squeeze %dma_start3A_20 : memref<1x8x128xi32, #tpu.memory_space<vmem>> -> memref<8x128xi32, #tpu.memory_space<vmem>>
      %dma_start3A_22 = arith.constant 0 : i32
      %dma_start3A_23 = arith.constant 0 : i32
      %dma_start3A_24 = tpu.memref_slice %arg2[%add3A, %run_scoped3A, %dma_start3A_22, %dma_start3A_23] : memref<32x10x8x128xi32, #tpu.memory_space<hbm>> -> memref<1x1x8x128xi32, #tpu.memory_space<hbm>>
      %dma_start3A_25 = tpu.memref_squeeze %dma_start3A_24 : memref<1x1x8x128xi32, #tpu.memory_space<hbm>> -> memref<8x128xi32, #tpu.memory_space<hbm>>
      tpu.enqueue_dma source(%dma_start3A_25 : memref<8x128xi32, #tpu.memory_space<hbm>>) target(%dma_start3A_21 : memref<8x128xi32, #tpu.memory_space<vmem>>) target_semaphore(%run_scoped3A_10 : memref<!tpu.dma_semaphore, #tpu.memory_space<semaphore_mem>>)
      %dma_wait3A = arith.constant 0 : i32
      %dma_wait3A_26 = arith.constant 0 : i32
      %dma_wait3A_27 = tpu.memref_slice %arg6[%run_scoped3A_3, %dma_wait3A, %dma_wait3A_26] : memref<2x8x128xi32, #tpu.memory_space<vmem>> -> memref<1x8x128xi32, #tpu.memory_space<vmem>>
      %dma_wait3A_28 = tpu.memref_squeeze %dma_wait3A_27 : memref<1x8x128xi32, #tpu.memory_space<vmem>> -> memref<8x128xi32, #tpu.memory_space<vmem>>
      %dma_wait3A_29 = arith.constant 0 : i32
      %dma_wait3A_30 = arith.constant 0 : i32
      %dma_wait3A_31 = tpu.memref_slice %arg2[%add3A, %run_scoped3A, %dma_wait3A_29, %dma_wait3A_30] : memref<32x10x8x128xi32, #tpu.memory_space<hbm>> -> memref<1x1x8x128xi32, #tpu.memory_space<hbm>>
      %dma_wait3A_32 = tpu.memref_squeeze %dma_wait3A_31 : memref<1x1x8x128xi32, #tpu.memory_space<hbm>> -> memref<8x128xi32, #tpu.memory_space<hbm>>
      %dma_wait3A_33 = arith.constant 0 : i32
      %dma_wait3A_34 = arith.constant 0 : i32
      %dma_wait3A_35 = tpu.memref_slice %arg6[%run_scoped3A_3, %dma_wait3A_33, %dma_wait3A_34] : memref<2x8x128xi32, #tpu.memory_space<vmem>> -> memref<1x8x128xi32, #tpu.memory_space<vmem>>
      %dma_wait3A_36 = tpu.memref_squeeze %dma_wait3A_35 : memref<1x8x128xi32, #tpu.memory_space<vmem>> -> memref<8x128xi32, #tpu.memory_space<vmem>>
      %dma_wait3A_37 = arith.constant 0 : i32
      %dma_wait3A_38 = arith.constant 0 : i32
      %dma_wait3A_39 = tpu.memref_slice %arg2[%add3A, %run_scoped3A, %dma_wait3A_37, %dma_wait3A_38] : memref<32x10x8x128xi32, #tpu.memory_space<hbm>> -> memref<1x1x8x128xi32, #tpu.memory_space<hbm>>
      %dma_wait3A_40 = tpu.memref_squeeze %dma_wait3A_39 : memref<1x1x8x128xi32, #tpu.memory_space<hbm>> -> memref<8x128xi32, #tpu.memory_space<hbm>>
      tpu.wait_dma2 semaphore(%run_scoped3A_10 : memref<!tpu.dma_semaphore, #tpu.memory_space<semaphore_mem>>) src(%dma_wait3A_40 : memref<8x128xi32, #tpu.memory_space<hbm>>) dst(%dma_wait3A_36 : memref<8x128xi32, #tpu.memory_space<vmem>>)
      tpu.yield
    }) : () -> ()
    "tpu.region"() ({
      %run_scoped3A_10 = tpu.sem_alloc : memref<!tpu.dma_semaphore, #tpu.memory_space<semaphore_mem>>
      tpu.enqueue_dma source(%arg3 : memref<128x128xf32, #tpu.memory_space<hbm>>) target(%arg7 : memref<128x128xf32, #tpu.memory_space<vmem>>) target_semaphore(%run_scoped3A_10 : memref<!tpu.dma_semaphore, #tpu.memory_space<semaphore_mem>>)
      tpu.wait_dma2 semaphore(%run_scoped3A_10 : memref<!tpu.dma_semaphore, #tpu.memory_space<semaphore_mem>>) src(%arg3 : memref<128x128xf32, #tpu.memory_space<hbm>>) dst(%arg7 : memref<128x128xf32, #tpu.memory_space<vmem>>)
      tpu.yield
    }) : () -> ()
    "tpu.region"() ({
      %run_scoped3A_10 = tpu.sem_alloc : memref<!tpu.dma_semaphore, #tpu.memory_space<semaphore_mem>>
      %dma_start3A = arith.constant 0 : i32
      %dma_start3A_11 = tpu.memref_slice %arg8[%multiple_of3A, %dma_start3A] : memref<10240x128xf32, #tpu.memory_space<vmem_shared>> -> memref<640x128xf32, #tpu.memory_space<vmem_shared>>
      tpu.enqueue_dma source(%arg4 : memref<640x128xf32, #tpu.memory_space<hbm>>) target(%dma_start3A_11 : memref<640x128xf32, #tpu.memory_space<vmem_shared>>) target_semaphore(%run_scoped3A_10 : memref<!tpu.dma_semaphore, #tpu.memory_space<semaphore_mem>>)
      %dma_wait3A = arith.constant 0 : i32
      %dma_wait3A_12 = tpu.memref_slice %arg8[%multiple_of3A, %dma_wait3A] : memref<10240x128xf32, #tpu.memory_space<vmem_shared>> -> memref<640x128xf32, #tpu.memory_space<vmem_shared>>
      tpu.wait_dma2 semaphore(%run_scoped3A_10 : memref<!tpu.dma_semaphore, #tpu.memory_space<semaphore_mem>>) src(%arg4 : memref<640x128xf32, #tpu.memory_space<hbm>>) dst(%dma_wait3A_12 : memref<640x128xf32, #tpu.memory_space<vmem_shared>>)
      tpu.yield
    }) : () -> ()
    %barrier3A = arith.constant 0 : index
    tpu.barrier barrier_id(%barrier3A)
    %scan3A = arith.constant 0 : i32
    %scan3A_4 = arith.constant 0 : i32
    %scan3A_5 = arith.constant 10 : i32
    %scan3A_6 = arith.addi %scan3A_4, %scan3A_5 : i32
    %scan3A_7 = arith.constant 1 : i32
    scf.for %scan3A_10 = %scan3A_4 to %scan3A_6 step %scan3A_7  : i32 {
      %rem3A = arith.constant 2 : i32
      %rem3A_11 = arith.remsi %scan3A_10, %rem3A : i32
      %add3A_12 = arith.constant 1 : i32
      %add3A_13 = arith.addi %scan3A_10, %add3A_12 : i32
      %lt3A = arith.constant 10 : i32
      %lt3A_14 = arith.cmpi slt, %add3A_13, %lt3A : i32
      %convert_element_type3A = arith.extui %lt3A_14 : i1 to i32
      %cond3A = arith.constant 0 : i32
      %cond3A_15 = arith.cmpi ne, %convert_element_type3A, %cond3A : i32
      scf.if %cond3A_15 {
        %add3A_133 = arith.constant 1 : i32
        %add3A_134 = arith.addi %scan3A_10, %add3A_133 : i32
        %sub3A = arith.constant 1 : i32
        %sub3A_135 = arith.subi %sub3A, %rem3A_11 : i32
        %dma_start3A_136 = arith.constant 0 : i32
        %dma_start3A_137 = arith.constant 0 : i32
        %dma_start3A_138 = tpu.memref_slice %arg6[%sub3A_135, %dma_start3A_136, %dma_start3A_137] : memref<2x8x128xi32, #tpu.memory_space<vmem>> -> memref<1x8x128xi32, #tpu.memory_space<vmem>>
        %dma_start3A_139 = tpu.memref_squeeze %dma_start3A_138 : memref<1x8x128xi32, #tpu.memory_space<vmem>> -> memref<8x128xi32, #tpu.memory_space<vmem>>
        %dma_start3A_140 = arith.constant 0 : i32
        %dma_start3A_141 = arith.constant 0 : i32
        %dma_start3A_142 = tpu.memref_slice %arg2[%add3A, %add3A_134, %dma_start3A_140, %dma_start3A_141] : memref<32x10x8x128xi32, #tpu.memory_space<hbm>> -> memref<1x1x8x128xi32, #tpu.memory_space<hbm>>
        %dma_start3A_143 = tpu.memref_squeeze %dma_start3A_142 : memref<1x1x8x128xi32, #tpu.memory_space<hbm>> -> memref<8x128xi32, #tpu.memory_space<hbm>>
        %dma_start3A_144 = arith.constant 0 : i32
        %dma_start3A_145 = arith.constant 0 : i32
        %dma_start3A_146 = tpu.memref_slice %arg6[%sub3A_135, %dma_start3A_144, %dma_start3A_145] : memref<2x8x128xi32, #tpu.memory_space<vmem>> -> memref<1x8x128xi32, #tpu.memory_space<vmem>>
        %dma_start3A_147 = tpu.memref_squeeze %dma_start3A_146 : memref<1x8x128xi32, #tpu.memory_space<vmem>> -> memref<8x128xi32, #tpu.memory_space<vmem>>
        %dma_start3A_148 = arith.constant 0 : i32
        %dma_start3A_149 = arith.constant 0 : i32
        %dma_start3A_150 = tpu.memref_slice %arg2[%add3A, %add3A_134, %dma_start3A_148, %dma_start3A_149] : memref<32x10x8x128xi32, #tpu.memory_space<hbm>> -> memref<1x1x8x128xi32, #tpu.memory_space<hbm>>
        %dma_start3A_151 = tpu.memref_squeeze %dma_start3A_150 : memref<1x1x8x128xi32, #tpu.memory_space<hbm>> -> memref<8x128xi32, #tpu.memory_space<hbm>>
        tpu.enqueue_dma source(%dma_start3A_151 : memref<8x128xi32, #tpu.memory_space<hbm>>) target(%dma_start3A_147 : memref<8x128xi32, #tpu.memory_space<vmem>>) target_semaphore(%arg9 : memref<!tpu.dma_semaphore, #tpu.memory_space<semaphore_mem>>)
      } else {
      }
      %dma_start3A = arith.constant 0 : i32
      %dma_start3A_16 = arith.constant 0 : i32
      %dma_start3A_17 = tpu.memref_slice %arg6[%rem3A_11, %dma_start3A, %dma_start3A_16] : memref<2x8x128xi32, #tpu.memory_space<vmem>> -> memref<1x1x128xi32, #tpu.memory_space<vmem>>
      %dma_start3A_18 = tpu.memref_squeeze %dma_start3A_17 : memref<1x1x128xi32, #tpu.memory_space<vmem>> -> memref<128xi32, #tpu.memory_space<vmem>>
      %dma_start3A_19 = arith.constant 0 : i32
      %dma_start3A_20 = arith.constant 0 : i32
      %dma_start3A_21 = tpu.memref_slice %arg8[%dma_start3A_19, %dma_start3A_20] : memref<10240x128xf32, #tpu.memory_space<vmem_shared>> -> memref<10240x128xf32, #tpu.memory_space<vmem_shared>>
      tpu.enqueue_indirect_dma source(%arg7 : memref<128x128xf32, #tpu.memory_space<vmem>>) target(%dma_start3A_21 : memref<10240x128xf32, #tpu.memory_space<vmem_shared>>) offsets(%dma_start3A_18 : memref<128xi32, #tpu.memory_space<vmem>>) semaphore(%arg10 : memref<!tpu.dma_semaphore, #tpu.memory_space<semaphore_mem>>) {add = true}
      %dma_start3A_22 = arith.constant 1 : i32
      %dma_start3A_23 = arith.constant 0 : i32
      %dma_start3A_24 = tpu.memref_slice %arg6[%rem3A_11, %dma_start3A_22, %dma_start3A_23] : memref<2x8x128xi32, #tpu.memory_space<vmem>> -> memref<1x1x128xi32, #tpu.memory_space<vmem>>
      %dma_start3A_25 = tpu.memref_squeeze %dma_start3A_24 : memref<1x1x128xi32, #tpu.memory_space<vmem>> -> memref<128xi32, #tpu.memory_space<vmem>>
      %dma_start3A_26 = arith.constant 0 : i32
      %dma_start3A_27 = arith.constant 0 : i32
      %dma_start3A_28 = tpu.memref_slice %arg8[%dma_start3A_26, %dma_start3A_27] : memref<10240x128xf32, #tpu.memory_space<vmem_shared>> -> memref<10240x128xf32, #tpu.memory_space<vmem_shared>>
      tpu.enqueue_indirect_dma source(%arg7 : memref<128x128xf32, #tpu.memory_space<vmem>>) target(%dma_start3A_28 : memref<10240x128xf32, #tpu.memory_space<vmem_shared>>) offsets(%dma_start3A_25 : memref<128xi32, #tpu.memory_space<vmem>>) semaphore(%arg11 : memref<!tpu.dma_semaphore, #tpu.memory_space<semaphore_mem>>) {add = true}
      %dma_wait3A = arith.constant 0 : i32
      %dma_wait3A_29 = arith.constant 0 : i32
      %dma_wait3A_30 = tpu.memref_slice %arg6[%rem3A_11, %dma_wait3A, %dma_wait3A_29] : memref<2x8x128xi32, #tpu.memory_space<vmem>> -> memref<1x1x128xi32, #tpu.memory_space<vmem>>
      %dma_wait3A_31 = tpu.memref_squeeze %dma_wait3A_30 : memref<1x1x128xi32, #tpu.memory_space<vmem>> -> memref<128xi32, #tpu.memory_space<vmem>>
      %dma_wait3A_32 = arith.constant 0 : i32
      %dma_wait3A_33 = arith.constant 0 : i32
      %dma_wait3A_34 = tpu.memref_slice %arg8[%dma_wait3A_32, %dma_wait3A_33] : memref<10240x128xf32, #tpu.memory_space<vmem_shared>> -> memref<10240x128xf32, #tpu.memory_space<vmem_shared>>
      tpu.wait_indirect_dma semaphore(%arg10 : memref<!tpu.dma_semaphore, #tpu.memory_space<semaphore_mem>>) src(%arg7 : memref<128x128xf32, #tpu.memory_space<vmem>>) dst(%dma_wait3A_34 : memref<10240x128xf32, #tpu.memory_space<vmem_shared>>)
      %dma_start3A_35 = arith.constant 2 : i32
      %dma_start3A_36 = arith.constant 0 : i32
      %dma_start3A_37 = tpu.memref_slice %arg6[%rem3A_11, %dma_start3A_35, %dma_start3A_36] : memref<2x8x128xi32, #tpu.memory_space<vmem>> -> memref<1x1x128xi32, #tpu.memory_space<vmem>>
      %dma_start3A_38 = tpu.memref_squeeze %dma_start3A_37 : memref<1x1x128xi32, #tpu.memory_space<vmem>> -> memref<128xi32, #tpu.memory_space<vmem>>
      %dma_start3A_39 = arith.constant 0 : i32
      %dma_start3A_40 = arith.constant 0 : i32
      %dma_start3A_41 = tpu.memref_slice %arg8[%dma_start3A_39, %dma_start3A_40] : memref<10240x128xf32, #tpu.memory_space<vmem_shared>> -> memref<10240x128xf32, #tpu.memory_space<vmem_shared>>
      tpu.enqueue_indirect_dma source(%arg7 : memref<128x128xf32, #tpu.memory_space<vmem>>) target(%dma_start3A_41 : memref<10240x128xf32, #tpu.memory_space<vmem_shared>>) offsets(%dma_start3A_38 : memref<128xi32, #tpu.memory_space<vmem>>) semaphore(%arg10 : memref<!tpu.dma_semaphore, #tpu.memory_space<semaphore_mem>>) {add = true}
      %dma_wait3A_42 = arith.constant 1 : i32
      %dma_wait3A_43 = arith.constant 0 : i32
      %dma_wait3A_44 = tpu.memref_slice %arg6[%rem3A_11, %dma_wait3A_42, %dma_wait3A_43] : memref<2x8x128xi32, #tpu.memory_space<vmem>> -> memref<1x1x128xi32, #tpu.memory_space<vmem>>
      %dma_wait3A_45 = tpu.memref_squeeze %dma_wait3A_44 : memref<1x1x128xi32, #tpu.memory_space<vmem>> -> memref<128xi32, #tpu.memory_space<vmem>>
      %dma_wait3A_46 = arith.constant 0 : i32
      %dma_wait3A_47 = arith.constant 0 : i32
      %dma_wait3A_48 = tpu.memref_slice %arg8[%dma_wait3A_46, %dma_wait3A_47] : memref<10240x128xf32, #tpu.memory_space<vmem_shared>> -> memref<10240x128xf32, #tpu.memory_space<vmem_shared>>
      tpu.wait_indirect_dma semaphore(%arg11 : memref<!tpu.dma_semaphore, #tpu.memory_space<semaphore_mem>>) src(%arg7 : memref<128x128xf32, #tpu.memory_space<vmem>>) dst(%dma_wait3A_48 : memref<10240x128xf32, #tpu.memory_space<vmem_shared>>)
      %dma_start3A_49 = arith.constant 3 : i32
      %dma_start3A_50 = arith.constant 0 : i32
      %dma_start3A_51 = tpu.memref_slice %arg6[%rem3A_11, %dma_start3A_49, %dma_start3A_50] : memref<2x8x128xi32, #tpu.memory_space<vmem>> -> memref<1x1x128xi32, #tpu.memory_space<vmem>>
      %dma_start3A_52 = tpu.memref_squeeze %dma_start3A_51 : memref<1x1x128xi32, #tpu.memory_space<vmem>> -> memref<128xi32, #tpu.memory_space<vmem>>
      %dma_start3A_53 = arith.constant 0 : i32
      %dma_start3A_54 = arith.constant 0 : i32
      %dma_start3A_55 = tpu.memref_slice %arg8[%dma_start3A_53, %dma_start3A_54] : memref<10240x128xf32, #tpu.memory_space<vmem_shared>> -> memref<10240x128xf32, #tpu.memory_space<vmem_shared>>
      tpu.enqueue_indirect_dma source(%arg7 : memref<128x128xf32, #tpu.memory_space<vmem>>) target(%dma_start3A_55 : memref<10240x128xf32, #tpu.memory_space<vmem_shared>>) offsets(%dma_start3A_52 : memref<128xi32, #tpu.memory_space<vmem>>) semaphore(%arg11 : memref<!tpu.dma_semaphore, #tpu.memory_space<semaphore_mem>>) {add = true}
      %dma_wait3A_56 = arith.constant 2 : i32
      %dma_wait3A_57 = arith.constant 0 : i32
      %dma_wait3A_58 = tpu.memref_slice %arg6[%rem3A_11, %dma_wait3A_56, %dma_wait3A_57] : memref<2x8x128xi32, #tpu.memory_space<vmem>> -> memref<1x1x128xi32, #tpu.memory_space<vmem>>
      %dma_wait3A_59 = tpu.memref_squeeze %dma_wait3A_58 : memref<1x1x128xi32, #tpu.memory_space<vmem>> -> memref<128xi32, #tpu.memory_space<vmem>>
      %dma_wait3A_60 = arith.constant 0 : i32
      %dma_wait3A_61 = arith.constant 0 : i32
      %dma_wait3A_62 = tpu.memref_slice %arg8[%dma_wait3A_60, %dma_wait3A_61] : memref<10240x128xf32, #tpu.memory_space<vmem_shared>> -> memref<10240x128xf32, #tpu.memory_space<vmem_shared>>
      tpu.wait_indirect_dma semaphore(%arg10 : memref<!tpu.dma_semaphore, #tpu.memory_space<semaphore_mem>>) src(%arg7 : memref<128x128xf32, #tpu.memory_space<vmem>>) dst(%dma_wait3A_62 : memref<10240x128xf32, #tpu.memory_space<vmem_shared>>)
      %dma_start3A_63 = arith.constant 4 : i32
      %dma_start3A_64 = arith.constant 0 : i32
      %dma_start3A_65 = tpu.memref_slice %arg6[%rem3A_11, %dma_start3A_63, %dma_start3A_64] : memref<2x8x128xi32, #tpu.memory_space<vmem>> -> memref<1x1x128xi32, #tpu.memory_space<vmem>>
      %dma_start3A_66 = tpu.memref_squeeze %dma_start3A_65 : memref<1x1x128xi32, #tpu.memory_space<vmem>> -> memref<128xi32, #tpu.memory_space<vmem>>
      %dma_start3A_67 = arith.constant 0 : i32
      %dma_start3A_68 = arith.constant 0 : i32
      %dma_start3A_69 = tpu.memref_slice %arg8[%dma_start3A_67, %dma_start3A_68] : memref<10240x128xf32, #tpu.memory_space<vmem_shared>> -> memref<10240x128xf32, #tpu.memory_space<vmem_shared>>
      tpu.enqueue_indirect_dma source(%arg7 : memref<128x128xf32, #tpu.memory_space<vmem>>) target(%dma_start3A_69 : memref<10240x128xf32, #tpu.memory_space<vmem_shared>>) offsets(%dma_start3A_66 : memref<128xi32, #tpu.memory_space<vmem>>) semaphore(%arg10 : memref<!tpu.dma_semaphore, #tpu.memory_space<semaphore_mem>>) {add = true}
      %dma_wait3A_70 = arith.constant 3 : i32
      %dma_wait3A_71 = arith.constant 0 : i32
      %dma_wait3A_72 = tpu.memref_slice %arg6[%rem3A_11, %dma_wait3A_70, %dma_wait3A_71] : memref<2x8x128xi32, #tpu.memory_space<vmem>> -> memref<1x1x128xi32, #tpu.memory_space<vmem>>
      %dma_wait3A_73 = tpu.memref_squeeze %dma_wait3A_72 : memref<1x1x128xi32, #tpu.memory_space<vmem>> -> memref<128xi32, #tpu.memory_space<vmem>>
      %dma_wait3A_74 = arith.constant 0 : i32
      %dma_wait3A_75 = arith.constant 0 : i32
      %dma_wait3A_76 = tpu.memref_slice %arg8[%dma_wait3A_74, %dma_wait3A_75] : memref<10240x128xf32, #tpu.memory_space<vmem_shared>> -> memref<10240x128xf32, #tpu.memory_space<vmem_shared>>
      tpu.wait_indirect_dma semaphore(%arg11 : memref<!tpu.dma_semaphore, #tpu.memory_space<semaphore_mem>>) src(%arg7 : memref<128x128xf32, #tpu.memory_space<vmem>>) dst(%dma_wait3A_76 : memref<10240x128xf32, #tpu.memory_space<vmem_shared>>)
      %dma_start3A_77 = arith.constant 5 : i32
      %dma_start3A_78 = arith.constant 0 : i32
      %dma_start3A_79 = tpu.memref_slice %arg6[%rem3A_11, %dma_start3A_77, %dma_start3A_78] : memref<2x8x128xi32, #tpu.memory_space<vmem>> -> memref<1x1x128xi32, #tpu.memory_space<vmem>>
      %dma_start3A_80 = tpu.memref_squeeze %dma_start3A_79 : memref<1x1x128xi32, #tpu.memory_space<vmem>> -> memref<128xi32, #tpu.memory_space<vmem>>
      %dma_start3A_81 = arith.constant 0 : i32
      %dma_start3A_82 = arith.constant 0 : i32
      %dma_start3A_83 = tpu.memref_slice %arg8[%dma_start3A_81, %dma_start3A_82] : memref<10240x128xf32, #tpu.memory_space<vmem_shared>> -> memref<10240x128xf32, #tpu.memory_space<vmem_shared>>
      tpu.enqueue_indirect_dma source(%arg7 : memref<128x128xf32, #tpu.memory_space<vmem>>) target(%dma_start3A_83 : memref<10240x128xf32, #tpu.memory_space<vmem_shared>>) offsets(%dma_start3A_80 : memref<128xi32, #tpu.memory_space<vmem>>) semaphore(%arg11 : memref<!tpu.dma_semaphore, #tpu.memory_space<semaphore_mem>>) {add = true}
      %dma_wait3A_84 = arith.constant 4 : i32
      %dma_wait3A_85 = arith.constant 0 : i32
      %dma_wait3A_86 = tpu.memref_slice %arg6[%rem3A_11, %dma_wait3A_84, %dma_wait3A_85] : memref<2x8x128xi32, #tpu.memory_space<vmem>> -> memref<1x1x128xi32, #tpu.memory_space<vmem>>
      %dma_wait3A_87 = tpu.memref_squeeze %dma_wait3A_86 : memref<1x1x128xi32, #tpu.memory_space<vmem>> -> memref<128xi32, #tpu.memory_space<vmem>>
      %dma_wait3A_88 = arith.constant 0 : i32
      %dma_wait3A_89 = arith.constant 0 : i32
      %dma_wait3A_90 = tpu.memref_slice %arg8[%dma_wait3A_88, %dma_wait3A_89] : memref<10240x128xf32, #tpu.memory_space<vmem_shared>> -> memref<10240x128xf32, #tpu.memory_space<vmem_shared>>
      tpu.wait_indirect_dma semaphore(%arg10 : memref<!tpu.dma_semaphore, #tpu.memory_space<semaphore_mem>>) src(%arg7 : memref<128x128xf32, #tpu.memory_space<vmem>>) dst(%dma_wait3A_90 : memref<10240x128xf32, #tpu.memory_space<vmem_shared>>)
      %dma_start3A_91 = arith.constant 6 : i32
      %dma_start3A_92 = arith.constant 0 : i32
      %dma_start3A_93 = tpu.memref_slice %arg6[%rem3A_11, %dma_start3A_91, %dma_start3A_92] : memref<2x8x128xi32, #tpu.memory_space<vmem>> -> memref<1x1x128xi32, #tpu.memory_space<vmem>>
      %dma_start3A_94 = tpu.memref_squeeze %dma_start3A_93 : memref<1x1x128xi32, #tpu.memory_space<vmem>> -> memref<128xi32, #tpu.memory_space<vmem>>
      %dma_start3A_95 = arith.constant 0 : i32
      %dma_start3A_96 = arith.constant 0 : i32
      %dma_start3A_97 = tpu.memref_slice %arg8[%dma_start3A_95, %dma_start3A_96] : memref<10240x128xf32, #tpu.memory_space<vmem_shared>> -> memref<10240x128xf32, #tpu.memory_space<vmem_shared>>
      tpu.enqueue_indirect_dma source(%arg7 : memref<128x128xf32, #tpu.memory_space<vmem>>) target(%dma_start3A_97 : memref<10240x128xf32, #tpu.memory_space<vmem_shared>>) offsets(%dma_start3A_94 : memref<128xi32, #tpu.memory_space<vmem>>) semaphore(%arg10 : memref<!tpu.dma_semaphore, #tpu.memory_space<semaphore_mem>>) {add = true}
      %dma_wait3A_98 = arith.constant 5 : i32
      %dma_wait3A_99 = arith.constant 0 : i32
      %dma_wait3A_100 = tpu.memref_slice %arg6[%rem3A_11, %dma_wait3A_98, %dma_wait3A_99] : memref<2x8x128xi32, #tpu.memory_space<vmem>> -> memref<1x1x128xi32, #tpu.memory_space<vmem>>
      %dma_wait3A_101 = tpu.memref_squeeze %dma_wait3A_100 : memref<1x1x128xi32, #tpu.memory_space<vmem>> -> memref<128xi32, #tpu.memory_space<vmem>>
      %dma_wait3A_102 = arith.constant 0 : i32
      %dma_wait3A_103 = arith.constant 0 : i32
      %dma_wait3A_104 = tpu.memref_slice %arg8[%dma_wait3A_102, %dma_wait3A_103] : memref<10240x128xf32, #tpu.memory_space<vmem_shared>> -> memref<10240x128xf32, #tpu.memory_space<vmem_shared>>
      tpu.wait_indirect_dma semaphore(%arg11 : memref<!tpu.dma_semaphore, #tpu.memory_space<semaphore_mem>>) src(%arg7 : memref<128x128xf32, #tpu.memory_space<vmem>>) dst(%dma_wait3A_104 : memref<10240x128xf32, #tpu.memory_space<vmem_shared>>)
      %dma_start3A_105 = arith.constant 7 : i32
      %dma_start3A_106 = arith.constant 0 : i32
      %dma_start3A_107 = tpu.memref_slice %arg6[%rem3A_11, %dma_start3A_105, %dma_start3A_106] : memref<2x8x128xi32, #tpu.memory_space<vmem>> -> memref<1x1x128xi32, #tpu.memory_space<vmem>>
      %dma_start3A_108 = tpu.memref_squeeze %dma_start3A_107 : memref<1x1x128xi32, #tpu.memory_space<vmem>> -> memref<128xi32, #tpu.memory_space<vmem>>
      %dma_start3A_109 = arith.constant 0 : i32
      %dma_start3A_110 = arith.constant 0 : i32
      %dma_start3A_111 = tpu.memref_slice %arg8[%dma_start3A_109, %dma_start3A_110] : memref<10240x128xf32, #tpu.memory_space<vmem_shared>> -> memref<10240x128xf32, #tpu.memory_space<vmem_shared>>
      tpu.enqueue_indirect_dma source(%arg7 : memref<128x128xf32, #tpu.memory_space<vmem>>) target(%dma_start3A_111 : memref<10240x128xf32, #tpu.memory_space<vmem_shared>>) offsets(%dma_start3A_108 : memref<128xi32, #tpu.memory_space<vmem>>) semaphore(%arg11 : memref<!tpu.dma_semaphore, #tpu.memory_space<semaphore_mem>>) {add = true}
      %dma_wait3A_112 = arith.constant 6 : i32
      %dma_wait3A_113 = arith.constant 0 : i32
      %dma_wait3A_114 = tpu.memref_slice %arg6[%rem3A_11, %dma_wait3A_112, %dma_wait3A_113] : memref<2x8x128xi32, #tpu.memory_space<vmem>> -> memref<1x1x128xi32, #tpu.memory_space<vmem>>
      %dma_wait3A_115 = tpu.memref_squeeze %dma_wait3A_114 : memref<1x1x128xi32, #tpu.memory_space<vmem>> -> memref<128xi32, #tpu.memory_space<vmem>>
      %dma_wait3A_116 = arith.constant 0 : i32
      %dma_wait3A_117 = arith.constant 0 : i32
      %dma_wait3A_118 = tpu.memref_slice %arg8[%dma_wait3A_116, %dma_wait3A_117] : memref<10240x128xf32, #tpu.memory_space<vmem_shared>> -> memref<10240x128xf32, #tpu.memory_space<vmem_shared>>
      tpu.wait_indirect_dma semaphore(%arg10 : memref<!tpu.dma_semaphore, #tpu.memory_space<semaphore_mem>>) src(%arg7 : memref<128x128xf32, #tpu.memory_space<vmem>>) dst(%dma_wait3A_118 : memref<10240x128xf32, #tpu.memory_space<vmem_shared>>)
      %dma_wait3A_119 = arith.constant 7 : i32
      %dma_wait3A_120 = arith.constant 0 : i32
      %dma_wait3A_121 = tpu.memref_slice %arg6[%rem3A_11, %dma_wait3A_119, %dma_wait3A_120] : memref<2x8x128xi32, #tpu.memory_space<vmem>> -> memref<1x1x128xi32, #tpu.memory_space<vmem>>
      %dma_wait3A_122 = tpu.memref_squeeze %dma_wait3A_121 : memref<1x1x128xi32, #tpu.memory_space<vmem>> -> memref<128xi32, #tpu.memory_space<vmem>>
      %dma_wait3A_123 = arith.constant 0 : i32
      %dma_wait3A_124 = arith.constant 0 : i32
      %dma_wait3A_125 = tpu.memref_slice %arg8[%dma_wait3A_123, %dma_wait3A_124] : memref<10240x128xf32, #tpu.memory_space<vmem_shared>> -> memref<10240x128xf32, #tpu.memory_space<vmem_shared>>
      tpu.wait_indirect_dma semaphore(%arg11 : memref<!tpu.dma_semaphore, #tpu.memory_space<semaphore_mem>>) src(%arg7 : memref<128x128xf32, #tpu.memory_space<vmem>>) dst(%dma_wait3A_125 : memref<10240x128xf32, #tpu.memory_space<vmem_shared>>)
      %add3A_126 = arith.constant 1 : i32
      %add3A_127 = arith.addi %scan3A_10, %add3A_126 : i32
      %lt3A_128 = arith.constant 10 : i32
      %lt3A_129 = arith.cmpi slt, %add3A_127, %lt3A_128 : i32
      %convert_element_type3A_130 = arith.extui %lt3A_129 : i1 to i32
      %cond3A_131 = arith.constant 0 : i32
      %cond3A_132 = arith.cmpi ne, %convert_element_type3A_130, %cond3A_131 : i32
      scf.if %cond3A_132 {
        %add3A_133 = arith.constant 1 : i32
        %add3A_134 = arith.addi %scan3A_10, %add3A_133 : i32
        %sub3A = arith.constant 1 : i32
        %sub3A_135 = arith.subi %sub3A, %rem3A_11 : i32
        %dma_wait3A_136 = arith.constant 0 : i32
        %dma_wait3A_137 = arith.constant 0 : i32
        %dma_wait3A_138 = tpu.memref_slice %arg6[%sub3A_135, %dma_wait3A_136, %dma_wait3A_137] : memref<2x8x128xi32, #tpu.memory_space<vmem>> -> memref<1x8x128xi32, #tpu.memory_space<vmem>>
        %dma_wait3A_139 = tpu.memref_squeeze %dma_wait3A_138 : memref<1x8x128xi32, #tpu.memory_space<vmem>> -> memref<8x128xi32, #tpu.memory_space<vmem>>
        %dma_wait3A_140 = arith.constant 0 : i32
        %dma_wait3A_141 = arith.constant 0 : i32
        %dma_wait3A_142 = tpu.memref_slice %arg2[%add3A, %add3A_134, %dma_wait3A_140, %dma_wait3A_141] : memref<32x10x8x128xi32, #tpu.memory_space<hbm>> -> memref<1x1x8x128xi32, #tpu.memory_space<hbm>>
        %dma_wait3A_143 = tpu.memref_squeeze %dma_wait3A_142 : memref<1x1x8x128xi32, #tpu.memory_space<hbm>> -> memref<8x128xi32, #tpu.memory_space<hbm>>
        %dma_wait3A_144 = arith.constant 0 : i32
        %dma_wait3A_145 = arith.constant 0 : i32
        %dma_wait3A_146 = tpu.memref_slice %arg6[%sub3A_135, %dma_wait3A_144, %dma_wait3A_145] : memref<2x8x128xi32, #tpu.memory_space<vmem>> -> memref<1x8x128xi32, #tpu.memory_space<vmem>>
        %dma_wait3A_147 = tpu.memref_squeeze %dma_wait3A_146 : memref<1x8x128xi32, #tpu.memory_space<vmem>> -> memref<8x128xi32, #tpu.memory_space<vmem>>
        %dma_wait3A_148 = arith.constant 0 : i32
        %dma_wait3A_149 = arith.constant 0 : i32
        %dma_wait3A_150 = tpu.memref_slice %arg2[%add3A, %add3A_134, %dma_wait3A_148, %dma_wait3A_149] : memref<32x10x8x128xi32, #tpu.memory_space<hbm>> -> memref<1x1x8x128xi32, #tpu.memory_space<hbm>>
        %dma_wait3A_151 = tpu.memref_squeeze %dma_wait3A_150 : memref<1x1x8x128xi32, #tpu.memory_space<hbm>> -> memref<8x128xi32, #tpu.memory_space<hbm>>
        tpu.wait_dma2 semaphore(%arg9 : memref<!tpu.dma_semaphore, #tpu.memory_space<semaphore_mem>>) src(%dma_wait3A_151 : memref<8x128xi32, #tpu.memory_space<hbm>>) dst(%dma_wait3A_147 : memref<8x128xi32, #tpu.memory_space<vmem>>)
      } else {
      }
    }
    %scan3A_8 = arith.constant 10 : i32
    %barrier3A_9 = arith.constant 0 : index
    tpu.barrier barrier_id(%barrier3A_9)
    "tpu.region"() ({
      %run_scoped3A_10 = tpu.sem_alloc : memref<!tpu.dma_semaphore, #tpu.memory_space<semaphore_mem>>
      %dma_start3A = arith.constant 0 : i32
      %dma_start3A_11 = tpu.memref_slice %arg5[%arg0, %multiple_of3A, %dma_start3A] : memref<2x10240x128xf32, #tpu.memory_space<hbm>> -> memref<1x640x128xf32, #tpu.memory_space<hbm>>
      %dma_start3A_12 = tpu.memref_squeeze %dma_start3A_11 : memref<1x640x128xf32, #tpu.memory_space<hbm>> -> memref<640x128xf32, #tpu.memory_space<hbm>>
      %dma_start3A_13 = arith.constant 0 : i32
      %dma_start3A_14 = tpu.memref_slice %arg8[%multiple_of3A, %dma_start3A_13] : memref<10240x128xf32, #tpu.memory_space<vmem_shared>> -> memref<640x128xf32, #tpu.memory_space<vmem_shared>>
      tpu.enqueue_dma source(%dma_start3A_14 : memref<640x128xf32, #tpu.memory_space<vmem_shared>>) target(%dma_start3A_12 : memref<640x128xf32, #tpu.memory_space<hbm>>) target_semaphore(%run_scoped3A_10 : memref<!tpu.dma_semaphore, #tpu.memory_space<semaphore_mem>>)
      %dma_wait3A = arith.constant 0 : i32
      %dma_wait3A_15 = tpu.memref_slice %arg5[%arg0, %multiple_of3A, %dma_wait3A] : memref<2x10240x128xf32, #tpu.memory_space<hbm>> -> memref<1x640x128xf32, #tpu.memory_space<hbm>>
      %dma_wait3A_16 = tpu.memref_squeeze %dma_wait3A_15 : memref<1x640x128xf32, #tpu.memory_space<hbm>> -> memref<640x128xf32, #tpu.memory_space<hbm>>
      %dma_wait3A_17 = arith.constant 0 : i32
      %dma_wait3A_18 = tpu.memref_slice %arg8[%multiple_of3A, %dma_wait3A_17] : memref<10240x128xf32, #tpu.memory_space<vmem_shared>> -> memref<640x128xf32, #tpu.memory_space<vmem_shared>>
      tpu.wait_dma2 semaphore(%run_scoped3A_10 : memref<!tpu.dma_semaphore, #tpu.memory_space<semaphore_mem>>) src(%dma_wait3A_18 : memref<640x128xf32, #tpu.memory_space<vmem_shared>>) dst(%dma_wait3A_16 : memref<640x128xf32, #tpu.memory_space<hbm>>)
      tpu.yield
    }) : () -> ()
    return
  }
}

#map = affine_map<(d0, d1) -> (0, 0)>
#map1 = affine_map<(d0, d1) -> (0)>
#map2 = affine_map<(d0, d1) -> (0, 0, 0)>
module attributes {stable_mosaic.version = 14 : i64} {
  func.func @agg(%arg0: i32, %arg1: i32, %arg2: memref<20480x128xf32, #tpu.memory_space<hbm>>, %arg3: memref<643072xi32, #tpu.memory_space<hbm>>, %arg4: memref<321536xi32, #tpu.memory_space<hbm>>, %arg5: memref<640x128xf32, #tpu.memory_space<hbm>>, %arg6: memref<2x10240x128xf32, #tpu.memory_space<hbm>>, %arg7: memref<128xi32, #tpu.memory_space<vmem>>, %arg8: memref<128xi32, #tpu.memory_space<vmem>>, %arg9: memref<128xi32, #tpu.memory_space<vmem>>, %arg10: memref<128xi32, #tpu.memory_space<vmem>>, %arg11: memref<128x128xf32, #tpu.memory_space<vmem>>, %arg12: memref<128x128xf32, #tpu.memory_space<vmem>>, %arg13: memref<10240x128xf32, #tpu.memory_space<vmem_shared>>, %arg14: memref<!tpu.dma_semaphore, #tpu.memory_space<semaphore_mem>>, %arg15: memref<!tpu.dma_semaphore, #tpu.memory_space<semaphore_mem>>) attributes {dimension_semantics = [#tpu.dimension_semantics<core_parallel>, #tpu.dimension_semantics<subcore_parallel>], iteration_bounds = array<i64: 2, 16>, scalar_prefetch = 0 : i64, scratch_operands = 9 : i64, tpu.core_type = #tpu.core_type<sc_vector_subcore>, window_params = [{transform_indices = #map}, {transform_indices = #map1}, {transform_indices = #map1}, {transform_indices = #map}, {transform_indices = #map2}]} {
    %mul3A = arith.constant 640 : i32
    %mul3A_0 = arith.muli %arg1, %mul3A : i32
    %multiple_of3A = tpu.assume_multiple %mul3A_0, 640 : i32
    "tpu.region"() ({
      %run_scoped3A = tpu.sem_alloc : memref<!tpu.dma_semaphore, #tpu.memory_space<semaphore_mem>>
      %dma_start3A_19 = arith.constant 0 : i32
      %dma_start3A_20 = tpu.memref_slice %arg13[%multiple_of3A, %dma_start3A_19] : memref<10240x128xf32, #tpu.memory_space<vmem_shared>> -> memref<640x128xf32, #tpu.memory_space<vmem_shared>>
      tpu.enqueue_dma source(%arg5 : memref<640x128xf32, #tpu.memory_space<hbm>>) target(%dma_start3A_20 : memref<640x128xf32, #tpu.memory_space<vmem_shared>>) target_semaphore(%run_scoped3A : memref<!tpu.dma_semaphore, #tpu.memory_space<semaphore_mem>>)
      %dma_wait3A = arith.constant 0 : i32
      %dma_wait3A_21 = tpu.memref_slice %arg13[%multiple_of3A, %dma_wait3A] : memref<10240x128xf32, #tpu.memory_space<vmem_shared>> -> memref<640x128xf32, #tpu.memory_space<vmem_shared>>
      tpu.wait_dma2 semaphore(%run_scoped3A : memref<!tpu.dma_semaphore, #tpu.memory_space<semaphore_mem>>) src(%arg5 : memref<640x128xf32, #tpu.memory_space<hbm>>) dst(%dma_wait3A_21 : memref<640x128xf32, #tpu.memory_space<vmem_shared>>)
      tpu.yield
    }) : () -> ()
    %mul3A_1 = arith.constant 20096 : i32
    %mul3A_2 = arith.muli %arg1, %mul3A_1 : i32
    %mul3A_3 = arith.constant 321536 : i32
    %mul3A_4 = arith.muli %arg0, %mul3A_3 : i32
    %add3A = arith.addi %mul3A_4, %mul3A_2 : i32
    %barrier3A = arith.constant 0 : index
    tpu.barrier barrier_id(%barrier3A)
    %add3A_5 = arith.constant 0 : i32
    %add3A_6 = arith.addi %mul3A_2, %add3A_5 : i32
    %multiple_of3A_7 = tpu.assume_multiple %add3A_6, 128 : i32
    %add3A_8 = arith.constant 0 : i32
    %add3A_9 = arith.addi %add3A, %add3A_8 : i32
    %multiple_of3A_10 = tpu.assume_multiple %add3A_9, 128 : i32
    "tpu.region"() ({
      %run_scoped3A = tpu.sem_alloc : memref<!tpu.dma_semaphore, #tpu.memory_space<semaphore_mem>>
      %dma_start3A_19 = tpu.memref_slice %arg3[%multiple_of3A_10] : memref<643072xi32, #tpu.memory_space<hbm>> -> memref<128xi32, #tpu.memory_space<hbm>>
      %dma_start3A_20 = tpu.memref_slice %arg3[%multiple_of3A_10] : memref<643072xi32, #tpu.memory_space<hbm>> -> memref<128xi32, #tpu.memory_space<hbm>>
      tpu.enqueue_dma source(%dma_start3A_20 : memref<128xi32, #tpu.memory_space<hbm>>) target(%arg7 : memref<128xi32, #tpu.memory_space<vmem>>) target_semaphore(%run_scoped3A : memref<!tpu.dma_semaphore, #tpu.memory_space<semaphore_mem>>)
      %dma_wait3A = tpu.memref_slice %arg3[%multiple_of3A_10] : memref<643072xi32, #tpu.memory_space<hbm>> -> memref<128xi32, #tpu.memory_space<hbm>>
      %dma_wait3A_21 = tpu.memref_slice %arg3[%multiple_of3A_10] : memref<643072xi32, #tpu.memory_space<hbm>> -> memref<128xi32, #tpu.memory_space<hbm>>
      tpu.wait_dma2 semaphore(%run_scoped3A : memref<!tpu.dma_semaphore, #tpu.memory_space<semaphore_mem>>) src(%dma_wait3A_21 : memref<128xi32, #tpu.memory_space<hbm>>) dst(%arg7 : memref<128xi32, #tpu.memory_space<vmem>>)
      tpu.yield
    }) : () -> ()
    "tpu.region"() ({
      %run_scoped3A = tpu.sem_alloc : memref<!tpu.dma_semaphore, #tpu.memory_space<semaphore_mem>>
      %dma_start3A_19 = tpu.memref_slice %arg4[%multiple_of3A_7] : memref<321536xi32, #tpu.memory_space<hbm>> -> memref<128xi32, #tpu.memory_space<hbm>>
      %dma_start3A_20 = tpu.memref_slice %arg4[%multiple_of3A_7] : memref<321536xi32, #tpu.memory_space<hbm>> -> memref<128xi32, #tpu.memory_space<hbm>>
      tpu.enqueue_dma source(%dma_start3A_20 : memref<128xi32, #tpu.memory_space<hbm>>) target(%arg9 : memref<128xi32, #tpu.memory_space<vmem>>) target_semaphore(%run_scoped3A : memref<!tpu.dma_semaphore, #tpu.memory_space<semaphore_mem>>)
      %dma_wait3A = tpu.memref_slice %arg4[%multiple_of3A_7] : memref<321536xi32, #tpu.memory_space<hbm>> -> memref<128xi32, #tpu.memory_space<hbm>>
      %dma_wait3A_21 = tpu.memref_slice %arg4[%multiple_of3A_7] : memref<321536xi32, #tpu.memory_space<hbm>> -> memref<128xi32, #tpu.memory_space<hbm>>
      tpu.wait_dma2 semaphore(%run_scoped3A : memref<!tpu.dma_semaphore, #tpu.memory_space<semaphore_mem>>) src(%dma_wait3A_21 : memref<128xi32, #tpu.memory_space<hbm>>) dst(%arg9 : memref<128xi32, #tpu.memory_space<vmem>>)
      tpu.yield
    }) : () -> ()
    %dma_start3A = arith.constant 0 : i32
    %dma_start3A_11 = arith.constant 0 : i32
    %dma_start3A_12 = tpu.memref_slice %arg2[%dma_start3A, %dma_start3A_11] : memref<20480x128xf32, #tpu.memory_space<hbm>> -> memref<20480x128xf32, #tpu.memory_space<hbm>>
    tpu.enqueue_indirect_dma source(%dma_start3A_12 : memref<20480x128xf32, #tpu.memory_space<hbm>>) target(%arg11 : memref<128x128xf32, #tpu.memory_space<vmem>>) offsets(%arg7 : memref<128xi32, #tpu.memory_space<vmem>>) semaphore(%arg14 : memref<!tpu.dma_semaphore, #tpu.memory_space<semaphore_mem>>)
    %scan3A = arith.constant 0 : i32
    %scan3A_13 = arith.constant 0 : i32
    %scan3A_14 = arith.constant 157 : i32
    %scan3A_15 = arith.addi %scan3A_13, %scan3A_14 : i32
    %scan3A_16 = arith.constant 1 : i32
    scf.for %scan3A_19 = %scan3A_13 to %scan3A_15 step %scan3A_16  : i32 {
      %rem3A = arith.constant 2 : i32
      %rem3A_20 = arith.remsi %scan3A_19, %rem3A : i32
      %eq3A = arith.constant 0 : i32
      %eq3A_21 = arith.cmpi eq, %rem3A_20, %eq3A : i32
      %convert_element_type3A = arith.extui %eq3A_21 : i1 to i32
      %cond3A = arith.constant 0 : i32
      %cond3A_22 = arith.cmpi ne, %convert_element_type3A, %cond3A : i32
      scf.if %cond3A_22 {
        %add3A_28 = arith.constant 1 : i32
        %add3A_29 = arith.addi %scan3A_19, %add3A_28 : i32
        %lt3A = arith.constant 157 : i32
        %lt3A_30 = arith.cmpi slt, %add3A_29, %lt3A : i32
        %convert_element_type3A_31 = arith.extui %lt3A_30 : i1 to i32
        %cond3A_32 = arith.constant 0 : i32
        %cond3A_33 = arith.cmpi ne, %convert_element_type3A_31, %cond3A_32 : i32
        scf.if %cond3A_33 {
          %add3A_36 = arith.constant 1 : i32
          %add3A_37 = arith.addi %scan3A_19, %add3A_36 : i32
          %mul3A_38 = arith.constant 128 : i32
          %mul3A_39 = arith.muli %add3A_37, %mul3A_38 : i32
          %add3A_40 = arith.addi %mul3A_2, %mul3A_39 : i32
          %multiple_of3A_41 = tpu.assume_multiple %add3A_40, 128 : i32
          %mul3A_42 = arith.constant 128 : i32
          %mul3A_43 = arith.muli %add3A_37, %mul3A_42 : i32
          %add3A_44 = arith.addi %add3A, %mul3A_43 : i32
          %multiple_of3A_45 = tpu.assume_multiple %add3A_44, 128 : i32
          "tpu.region"() ({
            %run_scoped3A = tpu.sem_alloc : memref<!tpu.dma_semaphore, #tpu.memory_space<semaphore_mem>>
            %dma_start3A_49 = tpu.memref_slice %arg3[%multiple_of3A_45] : memref<643072xi32, #tpu.memory_space<hbm>> -> memref<128xi32, #tpu.memory_space<hbm>>
            %dma_start3A_50 = tpu.memref_slice %arg3[%multiple_of3A_45] : memref<643072xi32, #tpu.memory_space<hbm>> -> memref<128xi32, #tpu.memory_space<hbm>>
            tpu.enqueue_dma source(%dma_start3A_50 : memref<128xi32, #tpu.memory_space<hbm>>) target(%arg8 : memref<128xi32, #tpu.memory_space<vmem>>) target_semaphore(%run_scoped3A : memref<!tpu.dma_semaphore, #tpu.memory_space<semaphore_mem>>)
            %dma_wait3A_51 = tpu.memref_slice %arg3[%multiple_of3A_45] : memref<643072xi32, #tpu.memory_space<hbm>> -> memref<128xi32, #tpu.memory_space<hbm>>
            %dma_wait3A_52 = tpu.memref_slice %arg3[%multiple_of3A_45] : memref<643072xi32, #tpu.memory_space<hbm>> -> memref<128xi32, #tpu.memory_space<hbm>>
            tpu.wait_dma2 semaphore(%run_scoped3A : memref<!tpu.dma_semaphore, #tpu.memory_space<semaphore_mem>>) src(%dma_wait3A_52 : memref<128xi32, #tpu.memory_space<hbm>>) dst(%arg8 : memref<128xi32, #tpu.memory_space<vmem>>)
            tpu.yield
          }) : () -> ()
          "tpu.region"() ({
            %run_scoped3A = tpu.sem_alloc : memref<!tpu.dma_semaphore, #tpu.memory_space<semaphore_mem>>
            %dma_start3A_49 = tpu.memref_slice %arg4[%multiple_of3A_41] : memref<321536xi32, #tpu.memory_space<hbm>> -> memref<128xi32, #tpu.memory_space<hbm>>
            %dma_start3A_50 = tpu.memref_slice %arg4[%multiple_of3A_41] : memref<321536xi32, #tpu.memory_space<hbm>> -> memref<128xi32, #tpu.memory_space<hbm>>
            tpu.enqueue_dma source(%dma_start3A_50 : memref<128xi32, #tpu.memory_space<hbm>>) target(%arg10 : memref<128xi32, #tpu.memory_space<vmem>>) target_semaphore(%run_scoped3A : memref<!tpu.dma_semaphore, #tpu.memory_space<semaphore_mem>>)
            %dma_wait3A_51 = tpu.memref_slice %arg4[%multiple_of3A_41] : memref<321536xi32, #tpu.memory_space<hbm>> -> memref<128xi32, #tpu.memory_space<hbm>>
            %dma_wait3A_52 = tpu.memref_slice %arg4[%multiple_of3A_41] : memref<321536xi32, #tpu.memory_space<hbm>> -> memref<128xi32, #tpu.memory_space<hbm>>
            tpu.wait_dma2 semaphore(%run_scoped3A : memref<!tpu.dma_semaphore, #tpu.memory_space<semaphore_mem>>) src(%dma_wait3A_52 : memref<128xi32, #tpu.memory_space<hbm>>) dst(%arg10 : memref<128xi32, #tpu.memory_space<vmem>>)
            tpu.yield
          }) : () -> ()
          %dma_start3A_46 = arith.constant 0 : i32
          %dma_start3A_47 = arith.constant 0 : i32
          %dma_start3A_48 = tpu.memref_slice %arg2[%dma_start3A_46, %dma_start3A_47] : memref<20480x128xf32, #tpu.memory_space<hbm>> -> memref<20480x128xf32, #tpu.memory_space<hbm>>
          tpu.enqueue_indirect_dma source(%dma_start3A_48 : memref<20480x128xf32, #tpu.memory_space<hbm>>) target(%arg12 : memref<128x128xf32, #tpu.memory_space<vmem>>) offsets(%arg8 : memref<128xi32, #tpu.memory_space<vmem>>) semaphore(%arg15 : memref<!tpu.dma_semaphore, #tpu.memory_space<semaphore_mem>>)
        } else {
        }
        %dma_wait3A = arith.constant 0 : i32
        %dma_wait3A_34 = arith.constant 0 : i32
        %dma_wait3A_35 = tpu.memref_slice %arg2[%dma_wait3A, %dma_wait3A_34] : memref<20480x128xf32, #tpu.memory_space<hbm>> -> memref<20480x128xf32, #tpu.memory_space<hbm>>
        tpu.wait_indirect_dma semaphore(%arg14 : memref<!tpu.dma_semaphore, #tpu.memory_space<semaphore_mem>>) src(%dma_wait3A_35 : memref<20480x128xf32, #tpu.memory_space<hbm>>) dst(%arg11 : memref<128x128xf32, #tpu.memory_space<vmem>>)
        "tpu.region"() ({
          %run_scoped3A = tpu.sem_alloc : memref<!tpu.dma_semaphore, #tpu.memory_space<semaphore_mem>>
          %dma_start3A_36 = arith.constant 0 : i32
          %dma_start3A_37 = arith.constant 0 : i32
          %dma_start3A_38 = tpu.memref_slice %arg13[%dma_start3A_36, %dma_start3A_37] : memref<10240x128xf32, #tpu.memory_space<vmem_shared>> -> memref<10240x128xf32, #tpu.memory_space<vmem_shared>>
          tpu.enqueue_indirect_dma source(%arg11 : memref<128x128xf32, #tpu.memory_space<vmem>>) target(%dma_start3A_38 : memref<10240x128xf32, #tpu.memory_space<vmem_shared>>) offsets(%arg9 : memref<128xi32, #tpu.memory_space<vmem>>) semaphore(%run_scoped3A : memref<!tpu.dma_semaphore, #tpu.memory_space<semaphore_mem>>) {add = true}
          %dma_wait3A_39 = arith.constant 0 : i32
          %dma_wait3A_40 = arith.constant 0 : i32
          %dma_wait3A_41 = tpu.memref_slice %arg13[%dma_wait3A_39, %dma_wait3A_40] : memref<10240x128xf32, #tpu.memory_space<vmem_shared>> -> memref<10240x128xf32, #tpu.memory_space<vmem_shared>>
          tpu.wait_indirect_dma semaphore(%run_scoped3A : memref<!tpu.dma_semaphore, #tpu.memory_space<semaphore_mem>>) src(%arg11 : memref<128x128xf32, #tpu.memory_space<vmem>>) dst(%dma_wait3A_41 : memref<10240x128xf32, #tpu.memory_space<vmem_shared>>)
          tpu.yield
        }) : () -> ()
      } else {
      }
      %eq3A_23 = arith.constant 1 : i32
      %eq3A_24 = arith.cmpi eq, %rem3A_20, %eq3A_23 : i32
      %convert_element_type3A_25 = arith.extui %eq3A_24 : i1 to i32
      %cond3A_26 = arith.constant 0 : i32
      %cond3A_27 = arith.cmpi ne, %convert_element_type3A_25, %cond3A_26 : i32
      scf.if %cond3A_27 {
        %add3A_28 = arith.constant 1 : i32
        %add3A_29 = arith.addi %scan3A_19, %add3A_28 : i32
        %lt3A = arith.constant 157 : i32
        %lt3A_30 = arith.cmpi slt, %add3A_29, %lt3A : i32
        %convert_element_type3A_31 = arith.extui %lt3A_30 : i1 to i32
        %cond3A_32 = arith.constant 0 : i32
        %cond3A_33 = arith.cmpi ne, %convert_element_type3A_31, %cond3A_32 : i32
        scf.if %cond3A_33 {
          %add3A_36 = arith.constant 1 : i32
          %add3A_37 = arith.addi %scan3A_19, %add3A_36 : i32
          %mul3A_38 = arith.constant 128 : i32
          %mul3A_39 = arith.muli %add3A_37, %mul3A_38 : i32
          %add3A_40 = arith.addi %mul3A_2, %mul3A_39 : i32
          %multiple_of3A_41 = tpu.assume_multiple %add3A_40, 128 : i32
          %mul3A_42 = arith.constant 128 : i32
          %mul3A_43 = arith.muli %add3A_37, %mul3A_42 : i32
          %add3A_44 = arith.addi %add3A, %mul3A_43 : i32
          %multiple_of3A_45 = tpu.assume_multiple %add3A_44, 128 : i32
          "tpu.region"() ({
            %run_scoped3A = tpu.sem_alloc : memref<!tpu.dma_semaphore, #tpu.memory_space<semaphore_mem>>
            %dma_start3A_49 = tpu.memref_slice %arg3[%multiple_of3A_45] : memref<643072xi32, #tpu.memory_space<hbm>> -> memref<128xi32, #tpu.memory_space<hbm>>
            %dma_start3A_50 = tpu.memref_slice %arg3[%multiple_of3A_45] : memref<643072xi32, #tpu.memory_space<hbm>> -> memref<128xi32, #tpu.memory_space<hbm>>
            tpu.enqueue_dma source(%dma_start3A_50 : memref<128xi32, #tpu.memory_space<hbm>>) target(%arg7 : memref<128xi32, #tpu.memory_space<vmem>>) target_semaphore(%run_scoped3A : memref<!tpu.dma_semaphore, #tpu.memory_space<semaphore_mem>>)
            %dma_wait3A_51 = tpu.memref_slice %arg3[%multiple_of3A_45] : memref<643072xi32, #tpu.memory_space<hbm>> -> memref<128xi32, #tpu.memory_space<hbm>>
            %dma_wait3A_52 = tpu.memref_slice %arg3[%multiple_of3A_45] : memref<643072xi32, #tpu.memory_space<hbm>> -> memref<128xi32, #tpu.memory_space<hbm>>
            tpu.wait_dma2 semaphore(%run_scoped3A : memref<!tpu.dma_semaphore, #tpu.memory_space<semaphore_mem>>) src(%dma_wait3A_52 : memref<128xi32, #tpu.memory_space<hbm>>) dst(%arg7 : memref<128xi32, #tpu.memory_space<vmem>>)
            tpu.yield
          }) : () -> ()
          "tpu.region"() ({
            %run_scoped3A = tpu.sem_alloc : memref<!tpu.dma_semaphore, #tpu.memory_space<semaphore_mem>>
            %dma_start3A_49 = tpu.memref_slice %arg4[%multiple_of3A_41] : memref<321536xi32, #tpu.memory_space<hbm>> -> memref<128xi32, #tpu.memory_space<hbm>>
            %dma_start3A_50 = tpu.memref_slice %arg4[%multiple_of3A_41] : memref<321536xi32, #tpu.memory_space<hbm>> -> memref<128xi32, #tpu.memory_space<hbm>>
            tpu.enqueue_dma source(%dma_start3A_50 : memref<128xi32, #tpu.memory_space<hbm>>) target(%arg9 : memref<128xi32, #tpu.memory_space<vmem>>) target_semaphore(%run_scoped3A : memref<!tpu.dma_semaphore, #tpu.memory_space<semaphore_mem>>)
            %dma_wait3A_51 = tpu.memref_slice %arg4[%multiple_of3A_41] : memref<321536xi32, #tpu.memory_space<hbm>> -> memref<128xi32, #tpu.memory_space<hbm>>
            %dma_wait3A_52 = tpu.memref_slice %arg4[%multiple_of3A_41] : memref<321536xi32, #tpu.memory_space<hbm>> -> memref<128xi32, #tpu.memory_space<hbm>>
            tpu.wait_dma2 semaphore(%run_scoped3A : memref<!tpu.dma_semaphore, #tpu.memory_space<semaphore_mem>>) src(%dma_wait3A_52 : memref<128xi32, #tpu.memory_space<hbm>>) dst(%arg9 : memref<128xi32, #tpu.memory_space<vmem>>)
            tpu.yield
          }) : () -> ()
          %dma_start3A_46 = arith.constant 0 : i32
          %dma_start3A_47 = arith.constant 0 : i32
          %dma_start3A_48 = tpu.memref_slice %arg2[%dma_start3A_46, %dma_start3A_47] : memref<20480x128xf32, #tpu.memory_space<hbm>> -> memref<20480x128xf32, #tpu.memory_space<hbm>>
          tpu.enqueue_indirect_dma source(%dma_start3A_48 : memref<20480x128xf32, #tpu.memory_space<hbm>>) target(%arg11 : memref<128x128xf32, #tpu.memory_space<vmem>>) offsets(%arg7 : memref<128xi32, #tpu.memory_space<vmem>>) semaphore(%arg14 : memref<!tpu.dma_semaphore, #tpu.memory_space<semaphore_mem>>)
        } else {
        }
        %dma_wait3A = arith.constant 0 : i32
        %dma_wait3A_34 = arith.constant 0 : i32
        %dma_wait3A_35 = tpu.memref_slice %arg2[%dma_wait3A, %dma_wait3A_34] : memref<20480x128xf32, #tpu.memory_space<hbm>> -> memref<20480x128xf32, #tpu.memory_space<hbm>>
        tpu.wait_indirect_dma semaphore(%arg15 : memref<!tpu.dma_semaphore, #tpu.memory_space<semaphore_mem>>) src(%dma_wait3A_35 : memref<20480x128xf32, #tpu.memory_space<hbm>>) dst(%arg12 : memref<128x128xf32, #tpu.memory_space<vmem>>)
        "tpu.region"() ({
          %run_scoped3A = tpu.sem_alloc : memref<!tpu.dma_semaphore, #tpu.memory_space<semaphore_mem>>
          %dma_start3A_36 = arith.constant 0 : i32
          %dma_start3A_37 = arith.constant 0 : i32
          %dma_start3A_38 = tpu.memref_slice %arg13[%dma_start3A_36, %dma_start3A_37] : memref<10240x128xf32, #tpu.memory_space<vmem_shared>> -> memref<10240x128xf32, #tpu.memory_space<vmem_shared>>
          tpu.enqueue_indirect_dma source(%arg12 : memref<128x128xf32, #tpu.memory_space<vmem>>) target(%dma_start3A_38 : memref<10240x128xf32, #tpu.memory_space<vmem_shared>>) offsets(%arg10 : memref<128xi32, #tpu.memory_space<vmem>>) semaphore(%run_scoped3A : memref<!tpu.dma_semaphore, #tpu.memory_space<semaphore_mem>>) {add = true}
          %dma_wait3A_39 = arith.constant 0 : i32
          %dma_wait3A_40 = arith.constant 0 : i32
          %dma_wait3A_41 = tpu.memref_slice %arg13[%dma_wait3A_39, %dma_wait3A_40] : memref<10240x128xf32, #tpu.memory_space<vmem_shared>> -> memref<10240x128xf32, #tpu.memory_space<vmem_shared>>
          tpu.wait_indirect_dma semaphore(%run_scoped3A : memref<!tpu.dma_semaphore, #tpu.memory_space<semaphore_mem>>) src(%arg12 : memref<128x128xf32, #tpu.memory_space<vmem>>) dst(%dma_wait3A_41 : memref<10240x128xf32, #tpu.memory_space<vmem_shared>>)
          tpu.yield
        }) : () -> ()
      } else {
      }
    }
    %scan3A_17 = arith.constant 157 : i32
    %barrier3A_18 = arith.constant 0 : index
    tpu.barrier barrier_id(%barrier3A_18)
    "tpu.region"() ({
      %run_scoped3A = tpu.sem_alloc : memref<!tpu.dma_semaphore, #tpu.memory_space<semaphore_mem>>
      %dma_start3A_19 = arith.constant 0 : i32
      %dma_start3A_20 = tpu.memref_slice %arg6[%arg0, %multiple_of3A, %dma_start3A_19] : memref<2x10240x128xf32, #tpu.memory_space<hbm>> -> memref<1x640x128xf32, #tpu.memory_space<hbm>>
      %dma_start3A_21 = tpu.memref_squeeze %dma_start3A_20 : memref<1x640x128xf32, #tpu.memory_space<hbm>> -> memref<640x128xf32, #tpu.memory_space<hbm>>
      %dma_start3A_22 = arith.constant 0 : i32
      %dma_start3A_23 = tpu.memref_slice %arg13[%multiple_of3A, %dma_start3A_22] : memref<10240x128xf32, #tpu.memory_space<vmem_shared>> -> memref<640x128xf32, #tpu.memory_space<vmem_shared>>
      tpu.enqueue_dma source(%dma_start3A_23 : memref<640x128xf32, #tpu.memory_space<vmem_shared>>) target(%dma_start3A_21 : memref<640x128xf32, #tpu.memory_space<hbm>>) target_semaphore(%run_scoped3A : memref<!tpu.dma_semaphore, #tpu.memory_space<semaphore_mem>>)
      %dma_wait3A = arith.constant 0 : i32
      %dma_wait3A_24 = tpu.memref_slice %arg6[%arg0, %multiple_of3A, %dma_wait3A] : memref<2x10240x128xf32, #tpu.memory_space<hbm>> -> memref<1x640x128xf32, #tpu.memory_space<hbm>>
      %dma_wait3A_25 = tpu.memref_squeeze %dma_wait3A_24 : memref<1x640x128xf32, #tpu.memory_space<hbm>> -> memref<640x128xf32, #tpu.memory_space<hbm>>
      %dma_wait3A_26 = arith.constant 0 : i32
      %dma_wait3A_27 = tpu.memref_slice %arg13[%multiple_of3A, %dma_wait3A_26] : memref<10240x128xf32, #tpu.memory_space<vmem_shared>> -> memref<640x128xf32, #tpu.memory_space<vmem_shared>>
      tpu.wait_dma2 semaphore(%run_scoped3A : memref<!tpu.dma_semaphore, #tpu.memory_space<semaphore_mem>>) src(%dma_wait3A_27 : memref<640x128xf32, #tpu.memory_space<vmem_shared>>) dst(%dma_wait3A_25 : memref<640x128xf32, #tpu.memory_space<hbm>>)
      tpu.yield
    }) : () -> ()
    return
  }
}

module attributes {stable_mosaic.version = 14 : i64} {
  func.func @body(%arg0: i32, %arg1: memref<2048x128xf32, #tpu.memory_space<vmem>>, %arg2: memref<128x256xf32, #tpu.memory_space<vmem>>, %arg3: memref<2048x2xf32, #tpu.memory_space<vmem>>, %arg4: memref<2x2048x128xf32, #tpu.memory_space<vmem>>, %arg5: memref<2048x1xf32, #tpu.memory_space<vmem>>) attributes {dimension_semantics = [#tpu.dimension_semantics<arbitrary>], iteration_bounds = array<i64: 5>, scalar_prefetch = 0 : i64, scratch_operands = 0 : i64, tpu.core_type = #tpu.core_type<tc>, window_params = [{transform_indices = @transform_0, window_bounds = array<i64: 2048, 128>}, {pipeline_mode = #tpu.pipeline_mode<synchronous>, transform_indices = @transform_1, window_bounds = array<i64: 128, 256>}, {transform_indices = @transform_2, window_bounds = array<i64: 2048, 2>}, {transform_indices = @transform_3, window_bounds = array<i64: 2, 2048, 128>}, {transform_indices = @transform_4, window_bounds = array<i64: 2048, 1>}]} {
    %get3A = arith.constant 0 : index
    %get3A_0 = arith.constant 0 : index
    %get3A_1 = vector.load %arg3[%get3A, %get3A_0] : memref<2048x2xf32, #tpu.memory_space<vmem>>, vector<2048x2xf32>
    %reduce_sum3A = arith.constant dense<0.000000e+00> : vector<2048xf32>
    %reduce_sum3A_2 = vector.multi_reduction <add>, %get3A_1, %reduce_sum3A [1] : vector<2048x2xf32> to vector<2048xf32>
    %broadcast_in_dim3A = vector.shape_cast %reduce_sum3A_2 : vector<2048xf32> to vector<2048x1xf32>
    %add3A = arith.constant 1.000000e+00 : f32
    %add3A_3 = vector.broadcast %add3A : f32 to vector<2048x1xf32>
    %add3A_4 = arith.addf %broadcast_in_dim3A, %add3A_3 : vector<2048x1xf32>
    %rsqrt3A = math.rsqrt %add3A_4 : vector<2048x1xf32>
    %get3A_5 = arith.constant 0 : index
    %get3A_6 = arith.constant 0 : index
    %get3A_7 = vector.load %arg1[%get3A_5, %get3A_6] : memref<2048x128xf32, #tpu.memory_space<vmem>>, vector<2048x128xf32>
    %get3A_8 = arith.constant 0 : index
    %get3A_9 = arith.constant 0 : index
    %get3A_10 = vector.load %arg2[%get3A_8, %get3A_9] : memref<128x256xf32, #tpu.memory_space<vmem>>, vector<128x256xf32>
    %dot_general3A = arith.constant dense<0.000000e+00> : vector<2048x256xf32>
    %dot_general3A_11 = tpu.matmul %get3A_7, %get3A_10, %dot_general3A {dimension_numbers = #tpu.dot_dimension_numbers<[1], [0], [0], [1], [0, 0, 1, 1], [], []>, transpose_lhs_hint = false} : vector<2048x128xf32>, vector<128x256xf32>, vector<2048x256xf32> -> vector<2048x256xf32>
    %mul3A = vector.broadcast %rsqrt3A : vector<2048x1xf32> to vector<2048x256xf32>
    %mul3A_12 = arith.mulf %mul3A, %dot_general3A_11 : vector<2048x256xf32>
    %slice3A = vector.extract_strided_slice %mul3A_12 {offsets = [0, 0], sizes = [2048, 128], strides = [1, 1]} : vector<2048x256xf32> to vector<2048x128xf32>
    %swap3A = arith.constant 0 : index
    %swap3A_13 = arith.constant 0 : index
    %swap3A_14 = arith.constant 0 : index
    %swap3A_15 = vector.load %arg4[%swap3A, %swap3A_13, %swap3A_14] : memref<2x2048x128xf32, #tpu.memory_space<vmem>>, vector<1x2048x128xf32>
    %swap3A_16 = vector.shape_cast %swap3A_15 : vector<1x2048x128xf32> to vector<2048x128xf32>
    %swap3A_17 = vector.shape_cast %slice3A : vector<2048x128xf32> to vector<1x2048x128xf32>
    tpu.vector_store %arg4[%swap3A, %swap3A_13, %swap3A_14], %swap3A_17 {strides = array<i32>} : memref<2x2048x128xf32, #tpu.memory_space<vmem>>, vector<1x2048x128xf32>,
    %slice3A_18 = vector.extract_strided_slice %mul3A_12 {offsets = [0, 128], sizes = [2048, 128], strides = [1, 1]} : vector<2048x256xf32> to vector<2048x128xf32>
    %swap3A_19 = arith.constant 1 : index
    %swap3A_20 = arith.constant 0 : index
    %swap3A_21 = arith.constant 0 : index
    %swap3A_22 = vector.load %arg4[%swap3A_19, %swap3A_20, %swap3A_21] : memref<2x2048x128xf32, #tpu.memory_space<vmem>>, vector<1x2048x128xf32>
    %swap3A_23 = vector.shape_cast %swap3A_22 : vector<1x2048x128xf32> to vector<2048x128xf32>
    %swap3A_24 = vector.shape_cast %slice3A_18 : vector<2048x128xf32> to vector<1x2048x128xf32>
    tpu.vector_store %arg4[%swap3A_19, %swap3A_20, %swap3A_21], %swap3A_24 {strides = array<i32>} : memref<2x2048x128xf32, #tpu.memory_space<vmem>>, vector<1x2048x128xf32>,
    %swap3A_25 = arith.constant 0 : index
    %swap3A_26 = arith.constant 0 : index
    %swap3A_27 = vector.load %arg5[%swap3A_25, %swap3A_26] : memref<2048x1xf32, #tpu.memory_space<vmem>>, vector<2048x1xf32>
    tpu.vector_store %arg5[%swap3A_25, %swap3A_26], %rsqrt3A {strides = array<i32>} : memref<2048x1xf32, #tpu.memory_space<vmem>>, vector<2048x1xf32>,
    return
  }
  func.func @transform_0(%arg0: i32) -> (i32, i32) {
    %c0_i32 = arith.constant 0 : i32
    %c0_i32_0 = arith.constant 0 : i32
    return %arg0, %c0_i32 : i32, i32
  }
  func.func @transform_1(%arg0: i32) -> (i32, i32) {
    %c0_i32 = arith.constant 0 : i32
    %c0_i32_0 = arith.constant 0 : i32
    %c0_i32_1 = arith.constant 0 : i32
    return %c0_i32, %c0_i32_0 : i32, i32
  }
  func.func @transform_2(%arg0: i32) -> (i32, i32) {
    %c0_i32 = arith.constant 0 : i32
    %c0_i32_0 = arith.constant 0 : i32
    return %arg0, %c0_i32 : i32, i32
  }
  func.func @transform_3(%arg0: i32) -> (i32, i32, i32) {
    %c0_i32 = arith.constant 0 : i32
    %c0_i32_0 = arith.constant 0 : i32
    %c0_i32_1 = arith.constant 0 : i32
    return %c0_i32, %arg0, %c0_i32_0 : i32, i32, i32
  }
  func.func @transform_4(%arg0: i32) -> (i32, i32) {
    %c0_i32 = arith.constant 0 : i32
    %c0_i32_0 = arith.constant 0 : i32
    return %arg0, %c0_i32 : i32, i32
  }
}

module attributes {stable_mosaic.version = 14 : i64} {
  func.func @body(%arg0: i32, %arg1: memref<2x2048x128xf32, #tpu.memory_space<vmem>>, %arg2: memref<2x2048x128xf32, #tpu.memory_space<vmem>>, %arg3: memref<2048x1xf32, #tpu.memory_space<vmem>>, %arg4: memref<1x256xf32, #tpu.memory_space<vmem>>, %arg5: memref<256x256xf32, #tpu.memory_space<vmem>>, %arg6: memref<2x2048x128xf32, #tpu.memory_space<vmem>>) attributes {dimension_semantics = [#tpu.dimension_semantics<arbitrary>], iteration_bounds = array<i64: 5>, scalar_prefetch = 0 : i64, scratch_operands = 0 : i64, tpu.core_type = #tpu.core_type<tc>, window_params = [{transform_indices = @transform_0, window_bounds = array<i64: 2, 2048, 128>}, {transform_indices = @transform_1, window_bounds = array<i64: 2, 2048, 128>}, {transform_indices = @transform_2, window_bounds = array<i64: 2048, 1>}, {pipeline_mode = #tpu.pipeline_mode<synchronous>, transform_indices = @transform_3, window_bounds = array<i64: 1, 256>}, {pipeline_mode = #tpu.pipeline_mode<synchronous>, transform_indices = @transform_4, window_bounds = array<i64: 256, 256>}, {transform_indices = @transform_5, window_bounds = array<i64: 2, 2048, 128>}]} {
    %get3A = arith.constant 0 : index
    %get3A_0 = arith.constant 0 : index
    %get3A_1 = arith.constant 0 : index
    %get3A_2 = vector.load %arg1[%get3A, %get3A_0, %get3A_1] : memref<2x2048x128xf32, #tpu.memory_space<vmem>>, vector<1x2048x128xf32>
    %get3A_3 = vector.shape_cast %get3A_2 : vector<1x2048x128xf32> to vector<2048x128xf32>
    %get3A_4 = arith.constant 1 : index
    %get3A_5 = arith.constant 0 : index
    %get3A_6 = arith.constant 0 : index
    %get3A_7 = vector.load %arg1[%get3A_4, %get3A_5, %get3A_6] : memref<2x2048x128xf32, #tpu.memory_space<vmem>>, vector<1x2048x128xf32>
    %get3A_8 = vector.shape_cast %get3A_7 : vector<1x2048x128xf32> to vector<2048x128xf32>
    %concatenate3A = tpu.concatenate %get3A_3, %get3A_8 in 1 : vector<2048x128xf32>, vector<2048x128xf32> -> vector<2048x256xf32>
    %get3A_9 = arith.constant 0 : index
    %get3A_10 = arith.constant 0 : index
    %get3A_11 = arith.constant 0 : index
    %get3A_12 = vector.load %arg2[%get3A_9, %get3A_10, %get3A_11] : memref<2x2048x128xf32, #tpu.memory_space<vmem>>, vector<1x2048x128xf32>
    %get3A_13 = vector.shape_cast %get3A_12 : vector<1x2048x128xf32> to vector<2048x128xf32>
    %get3A_14 = arith.constant 1 : index
    %get3A_15 = arith.constant 0 : index
    %get3A_16 = arith.constant 0 : index
    %get3A_17 = vector.load %arg2[%get3A_14, %get3A_15, %get3A_16] : memref<2x2048x128xf32, #tpu.memory_space<vmem>>, vector<1x2048x128xf32>
    %get3A_18 = vector.shape_cast %get3A_17 : vector<1x2048x128xf32> to vector<2048x128xf32>
    %concatenate3A_19 = tpu.concatenate %get3A_13, %get3A_18 in 1 : vector<2048x128xf32>, vector<2048x128xf32> -> vector<2048x256xf32>
    %get3A_20 = arith.constant 0 : index
    %get3A_21 = arith.constant 0 : index
    %get3A_22 = vector.load %arg3[%get3A_20, %get3A_21] : memref<2048x1xf32, #tpu.memory_space<vmem>>, vector<2048x1xf32>
    %add3A = arith.addf %concatenate3A, %concatenate3A_19 : vector<2048x256xf32>
    %mul3A = vector.broadcast %get3A_22 : vector<2048x1xf32> to vector<2048x256xf32>
    %mul3A_23 = arith.mulf %mul3A, %add3A : vector<2048x256xf32>
    %get3A_24 = arith.constant 0 : index
    %get3A_25 = arith.constant 0 : index
    %get3A_26 = vector.load %arg4[%get3A_24, %get3A_25] : memref<1x256xf32, #tpu.memory_space<vmem>>, vector<1x256xf32>
    %add3A_27 = vector.broadcast %get3A_26 : vector<1x256xf32> to vector<2048x256xf32>
    %add3A_28 = arith.addf %mul3A_23, %add3A_27 : vector<2048x256xf32>
    %max3A = arith.constant 0.000000e+00 : f32
    %max3A_29 = vector.broadcast %max3A : f32 to vector<2048x256xf32>
    %max3A_30 = arith.maximumf %add3A_28, %max3A_29 : vector<2048x256xf32>
    %get3A_31 = arith.constant 0 : index
    %get3A_32 = arith.constant 0 : index
    %get3A_33 = vector.load %arg5[%get3A_31, %get3A_32] : memref<256x256xf32, #tpu.memory_space<vmem>>, vector<256x256xf32>
    %dot_general3A = arith.constant dense<0.000000e+00> : vector<2048x256xf32>
    %dot_general3A_34 = tpu.matmul %max3A_30, %get3A_33, %dot_general3A {dimension_numbers = #tpu.dot_dimension_numbers<[1], [0], [0], [1], [0, 0, 1, 1], [], []>, transpose_lhs_hint = false} : vector<2048x256xf32>, vector<256x256xf32>, vector<2048x256xf32> -> vector<2048x256xf32>
    %mul3A_35 = vector.broadcast %get3A_22 : vector<2048x1xf32> to vector<2048x256xf32>
    %mul3A_36 = arith.mulf %mul3A_35, %dot_general3A_34 : vector<2048x256xf32>
    %slice3A = vector.extract_strided_slice %mul3A_36 {offsets = [0, 0], sizes = [2048, 128], strides = [1, 1]} : vector<2048x256xf32> to vector<2048x128xf32>
    %swap3A = arith.constant 0 : index
    %swap3A_37 = arith.constant 0 : index
    %swap3A_38 = arith.constant 0 : index
    %swap3A_39 = vector.load %arg6[%swap3A, %swap3A_37, %swap3A_38] : memref<2x2048x128xf32, #tpu.memory_space<vmem>>, vector<1x2048x128xf32>
    %swap3A_40 = vector.shape_cast %swap3A_39 : vector<1x2048x128xf32> to vector<2048x128xf32>
    %swap3A_41 = vector.shape_cast %slice3A : vector<2048x128xf32> to vector<1x2048x128xf32>
    tpu.vector_store %arg6[%swap3A, %swap3A_37, %swap3A_38], %swap3A_41 {strides = array<i32>} : memref<2x2048x128xf32, #tpu.memory_space<vmem>>, vector<1x2048x128xf32>,
    %slice3A_42 = vector.extract_strided_slice %mul3A_36 {offsets = [0, 128], sizes = [2048, 128], strides = [1, 1]} : vector<2048x256xf32> to vector<2048x128xf32>
    %swap3A_43 = arith.constant 1 : index
    %swap3A_44 = arith.constant 0 : index
    %swap3A_45 = arith.constant 0 : index
    %swap3A_46 = vector.load %arg6[%swap3A_43, %swap3A_44, %swap3A_45] : memref<2x2048x128xf32, #tpu.memory_space<vmem>>, vector<1x2048x128xf32>
    %swap3A_47 = vector.shape_cast %swap3A_46 : vector<1x2048x128xf32> to vector<2048x128xf32>
    %swap3A_48 = vector.shape_cast %slice3A_42 : vector<2048x128xf32> to vector<1x2048x128xf32>
    tpu.vector_store %arg6[%swap3A_43, %swap3A_44, %swap3A_45], %swap3A_48 {strides = array<i32>} : memref<2x2048x128xf32, #tpu.memory_space<vmem>>, vector<1x2048x128xf32>,
    return
  }
  func.func @transform_0(%arg0: i32) -> (i32, i32, i32) {
    %c0_i32 = arith.constant 0 : i32
    %c0_i32_0 = arith.constant 0 : i32
    %c0_i32_1 = arith.constant 0 : i32
    return %c0_i32, %arg0, %c0_i32_0 : i32, i32, i32
  }
  func.func @transform_1(%arg0: i32) -> (i32, i32, i32) {
    %c0_i32 = arith.constant 0 : i32
    %c0_i32_0 = arith.constant 0 : i32
    %c0_i32_1 = arith.constant 0 : i32
    return %c0_i32, %arg0, %c0_i32_0 : i32, i32, i32
  }
  func.func @transform_2(%arg0: i32) -> (i32, i32) {
    %c0_i32 = arith.constant 0 : i32
    %c0_i32_0 = arith.constant 0 : i32
    return %arg0, %c0_i32 : i32, i32
  }
  func.func @transform_3(%arg0: i32) -> (i32, i32) {
    %c0_i32 = arith.constant 0 : i32
    %c0_i32_0 = arith.constant 0 : i32
    %c0_i32_1 = arith.constant 0 : i32
    return %c0_i32, %c0_i32_0 : i32, i32
  }
  func.func @transform_4(%arg0: i32) -> (i32, i32) {
    %c0_i32 = arith.constant 0 : i32
    %c0_i32_0 = arith.constant 0 : i32
    %c0_i32_1 = arith.constant 0 : i32
    return %c0_i32, %c0_i32_0 : i32, i32
  }
  func.func @transform_5(%arg0: i32) -> (i32, i32, i32) {
    %c0_i32 = arith.constant 0 : i32
    %c0_i32_0 = arith.constant 0 : i32
    %c0_i32_1 = arith.constant 0 : i32
    return %c0_i32, %arg0, %c0_i32_0 : i32, i32, i32
  }
}

module attributes {stable_mosaic.version = 14 : i64} {
  func.func @body(%arg0: i32, %arg1: memref<2x2048x128xf32, #tpu.memory_space<vmem>>, %arg2: memref<2x2048x128xf32, #tpu.memory_space<vmem>>, %arg3: memref<2048x1xf32, #tpu.memory_space<vmem>>, %arg4: memref<1x256xf32, #tpu.memory_space<vmem>>, %arg5: memref<256x128xf32, #tpu.memory_space<vmem>>, %arg6: memref<2048x128xf32, #tpu.memory_space<vmem>>) attributes {dimension_semantics = [#tpu.dimension_semantics<arbitrary>], iteration_bounds = array<i64: 5>, scalar_prefetch = 0 : i64, scratch_operands = 0 : i64, tpu.core_type = #tpu.core_type<tc>, window_params = [{transform_indices = @transform_0, window_bounds = array<i64: 2, 2048, 128>}, {transform_indices = @transform_1, window_bounds = array<i64: 2, 2048, 128>}, {transform_indices = @transform_2, window_bounds = array<i64: 2048, 1>}, {pipeline_mode = #tpu.pipeline_mode<synchronous>, transform_indices = @transform_3, window_bounds = array<i64: 1, 256>}, {pipeline_mode = #tpu.pipeline_mode<synchronous>, transform_indices = @transform_4, window_bounds = array<i64: 256, 128>}, {transform_indices = @transform_5, window_bounds = array<i64: 2048, 128>}]} {
    %get3A = arith.constant 0 : index
    %get3A_0 = arith.constant 0 : index
    %get3A_1 = arith.constant 0 : index
    %get3A_2 = vector.load %arg1[%get3A, %get3A_0, %get3A_1] : memref<2x2048x128xf32, #tpu.memory_space<vmem>>, vector<1x2048x128xf32>
    %get3A_3 = vector.shape_cast %get3A_2 : vector<1x2048x128xf32> to vector<2048x128xf32>
    %get3A_4 = arith.constant 1 : index
    %get3A_5 = arith.constant 0 : index
    %get3A_6 = arith.constant 0 : index
    %get3A_7 = vector.load %arg1[%get3A_4, %get3A_5, %get3A_6] : memref<2x2048x128xf32, #tpu.memory_space<vmem>>, vector<1x2048x128xf32>
    %get3A_8 = vector.shape_cast %get3A_7 : vector<1x2048x128xf32> to vector<2048x128xf32>
    %concatenate3A = tpu.concatenate %get3A_3, %get3A_8 in 1 : vector<2048x128xf32>, vector<2048x128xf32> -> vector<2048x256xf32>
    %get3A_9 = arith.constant 0 : index
    %get3A_10 = arith.constant 0 : index
    %get3A_11 = arith.constant 0 : index
    %get3A_12 = vector.load %arg2[%get3A_9, %get3A_10, %get3A_11] : memref<2x2048x128xf32, #tpu.memory_space<vmem>>, vector<1x2048x128xf32>
    %get3A_13 = vector.shape_cast %get3A_12 : vector<1x2048x128xf32> to vector<2048x128xf32>
    %get3A_14 = arith.constant 1 : index
    %get3A_15 = arith.constant 0 : index
    %get3A_16 = arith.constant 0 : index
    %get3A_17 = vector.load %arg2[%get3A_14, %get3A_15, %get3A_16] : memref<2x2048x128xf32, #tpu.memory_space<vmem>>, vector<1x2048x128xf32>
    %get3A_18 = vector.shape_cast %get3A_17 : vector<1x2048x128xf32> to vector<2048x128xf32>
    %concatenate3A_19 = tpu.concatenate %get3A_13, %get3A_18 in 1 : vector<2048x128xf32>, vector<2048x128xf32> -> vector<2048x256xf32>
    %get3A_20 = arith.constant 0 : index
    %get3A_21 = arith.constant 0 : index
    %get3A_22 = vector.load %arg3[%get3A_20, %get3A_21] : memref<2048x1xf32, #tpu.memory_space<vmem>>, vector<2048x1xf32>
    %add3A = arith.addf %concatenate3A, %concatenate3A_19 : vector<2048x256xf32>
    %mul3A = vector.broadcast %get3A_22 : vector<2048x1xf32> to vector<2048x256xf32>
    %mul3A_23 = arith.mulf %mul3A, %add3A : vector<2048x256xf32>
    %get3A_24 = arith.constant 0 : index
    %get3A_25 = arith.constant 0 : index
    %get3A_26 = vector.load %arg4[%get3A_24, %get3A_25] : memref<1x256xf32, #tpu.memory_space<vmem>>, vector<1x256xf32>
    %add3A_27 = vector.broadcast %get3A_26 : vector<1x256xf32> to vector<2048x256xf32>
    %add3A_28 = arith.addf %mul3A_23, %add3A_27 : vector<2048x256xf32>
    %max3A = arith.constant 0.000000e+00 : f32
    %max3A_29 = vector.broadcast %max3A : f32 to vector<2048x256xf32>
    %max3A_30 = arith.maximumf %add3A_28, %max3A_29 : vector<2048x256xf32>
    %get3A_31 = arith.constant 0 : index
    %get3A_32 = arith.constant 0 : index
    %get3A_33 = vector.load %arg5[%get3A_31, %get3A_32] : memref<256x128xf32, #tpu.memory_space<vmem>>, vector<256x128xf32>
    %dot_general3A = arith.constant dense<0.000000e+00> : vector<2048x128xf32>
    %dot_general3A_34 = tpu.matmul %max3A_30, %get3A_33, %dot_general3A {dimension_numbers = #tpu.dot_dimension_numbers<[1], [0], [0], [1], [0, 0, 1, 1], [], []>, transpose_lhs_hint = false} : vector<2048x256xf32>, vector<256x128xf32>, vector<2048x128xf32> -> vector<2048x128xf32>
    %mul3A_35 = vector.broadcast %get3A_22 : vector<2048x1xf32> to vector<2048x128xf32>
    %mul3A_36 = arith.mulf %mul3A_35, %dot_general3A_34 : vector<2048x128xf32>
    %swap3A = arith.constant 0 : index
    %swap3A_37 = arith.constant 0 : index
    %swap3A_38 = vector.load %arg6[%swap3A, %swap3A_37] : memref<2048x128xf32, #tpu.memory_space<vmem>>, vector<2048x128xf32>
    tpu.vector_store %arg6[%swap3A, %swap3A_37], %mul3A_36 {strides = array<i32>} : memref<2048x128xf32, #tpu.memory_space<vmem>>, vector<2048x128xf32>,
    return
  }
  func.func @transform_0(%arg0: i32) -> (i32, i32, i32) {
    %c0_i32 = arith.constant 0 : i32
    %c0_i32_0 = arith.constant 0 : i32
    %c0_i32_1 = arith.constant 0 : i32
    return %c0_i32, %arg0, %c0_i32_0 : i32, i32, i32
  }
  func.func @transform_1(%arg0: i32) -> (i32, i32, i32) {
    %c0_i32 = arith.constant 0 : i32
    %c0_i32_0 = arith.constant 0 : i32
    %c0_i32_1 = arith.constant 0 : i32
    return %c0_i32, %arg0, %c0_i32_0 : i32, i32, i32
  }
  func.func @transform_2(%arg0: i32) -> (i32, i32) {
    %c0_i32 = arith.constant 0 : i32
    %c0_i32_0 = arith.constant 0 : i32
    return %arg0, %c0_i32 : i32, i32
  }
  func.func @transform_3(%arg0: i32) -> (i32, i32) {
    %c0_i32 = arith.constant 0 : i32
    %c0_i32_0 = arith.constant 0 : i32
    %c0_i32_1 = arith.constant 0 : i32
    return %c0_i32, %c0_i32_0 : i32, i32
  }
  func.func @transform_4(%arg0: i32) -> (i32, i32) {
    %c0_i32 = arith.constant 0 : i32
    %c0_i32_0 = arith.constant 0 : i32
    %c0_i32_1 = arith.constant 0 : i32
    return %c0_i32, %c0_i32_0 : i32, i32
  }
  func.func @transform_5(%arg0: i32) -> (i32, i32) {
    %c0_i32 = arith.constant 0 : i32
    %c0_i32_0 = arith.constant 0 : i32
    return %arg0, %c0_i32 : i32, i32
  }
}

module attributes {stable_mosaic.version = 14 : i64} {
  func.func @body(%arg0: i32, %arg1: memref<2x2048x128xf32, #tpu.memory_space<vmem>>, %arg2: memref<2048x128xf32, #tpu.memory_space<vmem>>, %arg3: memref<2048x1xf32, #tpu.memory_space<vmem>>, %arg4: memref<1x128xf32, #tpu.memory_space<vmem>>, %arg5: memref<2048x128xf32, #tpu.memory_space<vmem>>) attributes {dimension_semantics = [#tpu.dimension_semantics<arbitrary>], iteration_bounds = array<i64: 5>, scalar_prefetch = 0 : i64, scratch_operands = 0 : i64, tpu.core_type = #tpu.core_type<tc>, window_params = [{transform_indices = @transform_0, window_bounds = array<i64: 2, 2048, 128>}, {transform_indices = @transform_1, window_bounds = array<i64: 2048, 128>}, {transform_indices = @transform_2, window_bounds = array<i64: 2048, 1>}, {pipeline_mode = #tpu.pipeline_mode<synchronous>, transform_indices = @transform_3, window_bounds = array<i64: 1, 128>}, {transform_indices = @transform_4, window_bounds = array<i64: 2048, 128>}]} {
    %get3A = arith.constant 0 : index
    %get3A_0 = arith.constant 0 : index
    %get3A_1 = vector.load %arg3[%get3A, %get3A_0] : memref<2048x1xf32, #tpu.memory_space<vmem>>, vector<2048x1xf32>
    %get3A_2 = arith.constant 0 : index
    %get3A_3 = arith.constant 0 : index
    %get3A_4 = arith.constant 0 : index
    %get3A_5 = vector.load %arg1[%get3A_2, %get3A_3, %get3A_4] : memref<2x2048x128xf32, #tpu.memory_space<vmem>>, vector<1x2048x128xf32>
    %get3A_6 = vector.shape_cast %get3A_5 : vector<1x2048x128xf32> to vector<2048x128xf32>
    %get3A_7 = arith.constant 1 : index
    %get3A_8 = arith.constant 0 : index
    %get3A_9 = arith.constant 0 : index
    %get3A_10 = vector.load %arg1[%get3A_7, %get3A_8, %get3A_9] : memref<2x2048x128xf32, #tpu.memory_space<vmem>>, vector<1x2048x128xf32>
    %get3A_11 = vector.shape_cast %get3A_10 : vector<1x2048x128xf32> to vector<2048x128xf32>
    %add3A = arith.addf %get3A_6, %get3A_11 : vector<2048x128xf32>
    %get3A_12 = arith.constant 0 : index
    %get3A_13 = arith.constant 0 : index
    %get3A_14 = vector.load %arg2[%get3A_12, %get3A_13] : memref<2048x128xf32, #tpu.memory_space<vmem>>, vector<2048x128xf32>
    %add3A_15 = arith.addf %add3A, %get3A_14 : vector<2048x128xf32>
    %mul3A = vector.broadcast %get3A_1 : vector<2048x1xf32> to vector<2048x128xf32>
    %mul3A_16 = arith.mulf %mul3A, %add3A_15 : vector<2048x128xf32>
    %get3A_17 = arith.constant 0 : index
    %get3A_18 = arith.constant 0 : index
    %get3A_19 = vector.load %arg4[%get3A_17, %get3A_18] : memref<1x128xf32, #tpu.memory_space<vmem>>, vector<1x128xf32>
    %add3A_20 = vector.broadcast %get3A_19 : vector<1x128xf32> to vector<2048x128xf32>
    %add3A_21 = arith.addf %mul3A_16, %add3A_20 : vector<2048x128xf32>
    %max3A = arith.constant 0.000000e+00 : f32
    %max3A_22 = vector.broadcast %max3A : f32 to vector<2048x128xf32>
    %max3A_23 = arith.maximumf %add3A_21, %max3A_22 : vector<2048x128xf32>
    %logistic3A = arith.negf %max3A_23 : vector<2048x128xf32>
    %logistic3A_24 = math.exp %logistic3A : vector<2048x128xf32>
    %logistic3A_25 = arith.constant 1.000000e+00 : f32
    %logistic3A_26 = vector.broadcast %logistic3A_25 : f32 to vector<2048x128xf32>
    %logistic3A_27 = arith.addf %logistic3A_26, %logistic3A_24 : vector<2048x128xf32>
    %logistic3A_28 = arith.divf %logistic3A_26, %logistic3A_27 : vector<2048x128xf32>
    %swap3A = arith.constant 0 : index
    %swap3A_29 = arith.constant 0 : index
    %swap3A_30 = vector.load %arg5[%swap3A, %swap3A_29] : memref<2048x128xf32, #tpu.memory_space<vmem>>, vector<2048x128xf32>
    tpu.vector_store %arg5[%swap3A, %swap3A_29], %logistic3A_28 {strides = array<i32>} : memref<2048x128xf32, #tpu.memory_space<vmem>>, vector<2048x128xf32>,
    return
  }
  func.func @transform_0(%arg0: i32) -> (i32, i32, i32) {
    %c0_i32 = arith.constant 0 : i32
    %c0_i32_0 = arith.constant 0 : i32
    %c0_i32_1 = arith.constant 0 : i32
    return %c0_i32, %arg0, %c0_i32_0 : i32, i32, i32
  }
  func.func @transform_1(%arg0: i32) -> (i32, i32) {
    %c0_i32 = arith.constant 0 : i32
    %c0_i32_0 = arith.constant 0 : i32
    return %arg0, %c0_i32 : i32, i32
  }
  func.func @transform_2(%arg0: i32) -> (i32, i32) {
    %c0_i32 = arith.constant 0 : i32
    %c0_i32_0 = arith.constant 0 : i32
    return %arg0, %c0_i32 : i32, i32
  }
  func.func @transform_3(%arg0: i32) -> (i32, i32) {
    %c0_i32 = arith.constant 0 : i32
    %c0_i32_0 = arith.constant 0 : i32
    %c0_i32_1 = arith.constant 0 : i32
    return %c0_i32, %c0_i32_0 : i32, i32
  }
  func.func @transform_4(%arg0: i32) -> (i32, i32) {
    %c0_i32 = arith.constant 0 : i32
    %c0_i32_0 = arith.constant 0 : i32
    return %arg0, %c0_i32 : i32, i32
  }
}

</mosaic_0001>

<sc_bundles>
// kernel: kernel.10.cloned.1.call-start
scs
__scs_entry_jumppad:
0x0: {  	(pc) =	sbr.rel $0x88, $3  }
0x1: {  	(tag) =	ssettag $0x0;
	lr =	simm.s32 $0x1  }
0x2: {  	[smem:$0x3F99] =	sst lr;
	_ =	strace $0xD0000000  }
0x3: {  	_ = 	snop  }
0x4: {  	_ = 	snop  }
0x5: {  	_ = 	snop  }
0x6: {  	_ = 	snop  }
0x7: {  	_ = 	snop  }
__scs_overlays_trampoline_lowered:
0x8: {  	[smem:$0x3FA8] =	sst s0  }
0x9: {  	[smem:$0x3FA9] =	sst s1  }
0xa: {  	[smem:$0x3FAA] =	sst s2  }
0xb: {  	[smem:$0x3FAB] =	sst s3  }
0xc: {  	[smem:$0x3FAC] =	sst s4  }
0xd: {  	[smem:$0x3FAD] =	sst s5  }
0xe: {  	[smem:$0x3FAE] =	sst s6  }
0xf: {  	[smem:$0x3FAF] =	sst s7  }
0x10: {  	[smem:$0x3FB0] =	sst s8  }
0x11: {  	[smem:$0x3FB1] =	sst s9;
	s0 =	simm.s32 @!p0 $0x0  }
0x12: {  	s1 =	sld [smem:$0x3F97];
	s0 =	simm.s32 @p0 $0x1  }
0x13: {  	[smem:$0x3FB2] =	sst s0;
	s0 =	simm.s32 @!p1 $0x0  }
0x14: {  	s2 =	sld [smem:$0x3F96];
	s0 =	simm.s32 @p1 $0x1  }
0x15: {  	[smem:$0x3FB3] =	sst s0;
	s0 =	simm.s32 @!p2 $0x0  }
0x16: {  	s3 =	sld [smem:$0x3FDB];
	s0 =	simm.s32 @p2 $0x1  }
0x17: {  	s4 =	simm.s32 $0x1BF5;
	[smem:$0x3FB5] =	sst s0  }
0x18: {  	s0 =	sld [smem:$0x3F98];
	_ =	swait.ge [sflag:s4], $0x0  }
0x19: {  	s7 =	sld [smem:$0x3F99]  }
0x1a: {  	s8 =	sadd.s32 $0xFFFFE003, lr  }
0x1b: {  	s9 =	sadd.s32 $0xFFFFFEF7, lr;
	s5 =	simm.s32 $0xFFFFFFFF;
	p2 =	slt.u32 s8, $0xFFFFF086  }
0x1c: {  	p1 =	slt.u32 s9, $0xF7A;
	s5 =	simm.s32 @!p2 $0x0  }
0x1d: {  	s5 =	simm.s32 @p1 $0x1;
	p0 =	seq.s32 s7, s2  }
0x1e: {  	s7 =	smul.u32 @!p0 $0xF7A, s2;
	p2 =	seq.s32 @!p0 s5, $0x0  }
0x1f: {  	s9 =	smul.u32 $0xF7A, s1;
	s8 =	simm.s32 @!p0 $0x1BF5;
	p2 =	por !p2, p0  }
0x20: {  	[sflag:s8] =	ssyncset.s32 @!p0 $0xFFFFF086;
	s6 =	sadd.s32 @!p0 s3, s7;
	s7 =	simm.s32 @!p0 $0x108  }
0x21: {  	s3 =	sadd.s32 s3, s9;
	s6 =	sadd.s32 @!p0 $0x88, s6;
	s7 =	simm.s32 @p2 $0x1082  }
0x22: {  	[simem:s7], [sflag:s8] =	dma.local @!p0 [hbm:s6], $0xF7A  }
0x23: {  	s9 =	sor.u32 $0xD0000000, s2;
	s6 =	simm.s32 $0x108;
	_ =	swait.ge @!p0 [sflag:s8], $0x0  }
0x24: {  	s3 =	sadd.s32 $0x88, s3;
	s6 =	simm.s32 @!p1 $0x1082;
	[sflag:s4] =	ssyncset.s32 $0xFFFFF086  }
0x25: {  	[simem:s6], [sflag:s4] =	dma.local [hbm:s3], $0xF7A  }
0x26: {  	[smem:$0x3F99] =	sst s1;
	(tag) =	ssettag s2;
	_ =	strace s9  }
0x27: {  	s1 =	sld [smem:$0x3FA9]  }
0x28: {  	s2 =	sld [smem:$0x3FAA]  }
0x29: {  	s4 =	sld [smem:$0x3FAC]  }
0x2a: {  	p0 =	seq.s32 s5, $0x0;
	s5 =	sld [smem:$0x3FAD]  }
0x2b: {  	s6 =	sld [smem:$0x3FAE]  }
0x2c: {  	s7 =	sld [smem:$0x3FAF]  }
0x2d: {  	s3 =	simm.s32 $0x108;
	s8 =	sld [smem:$0x3FB0]  }
0x2e: {  	s3 =	simm.s32 @!p0 $0x1082;
	s9 =	sld [smem:$0x3FB1]  }
0x2f: {  	lr =	sadd.s32 s0, s3;
	s0 =	sld [smem:$0x3FA8]  }
0x30: {  	s3 =	sld [smem:$0x3FAB]  }
0x31: {  	[smem:$0x3FB4] =	sst s10  }
0x32: {  	s10 =	sld [smem:$0x3FB2];
	_ =	sdelay $0x3  }
0x33: {  	p0 =	seq.s32 s10, $0x1;
	s10 =	sld [smem:$0x3FB4];
	_ =	sdelay $0x3  }
0x34: {  	[smem:$0x3FB4] =	sst s10  }
0x35: {  	s10 =	sld [smem:$0x3FB3];
	_ =	sdelay $0x3  }
0x36: {  	p1 =	seq.s32 s10, $0x1;
	s10 =	sld [smem:$0x3FB4];
	_ =	sdelay $0x3  }
0x37: {  	[smem:$0x3FB4] =	sst s10  }
0x38: {  	s10 =	sld [smem:$0x3FB5]  }
0x39: {  	_ = 	snop;
	(pc) =	sbr.ind lr, $3  }
0x3a: {  	_ = 	snop  }
0x3b: {  	_ = 	snop  }
0x3c: {  	p2 =	seq.s32 s10, $0x1;
	s10 =	sld [smem:$0x3FB4]  }
0x3d: {  	_ =	shalt  }
0x3e: {  	_ =	shalt  }
0x3f: {  	_ =	shalt  }
0x40: {  	_ =	shalt  }
0x41: {  	_ =	shalt  }
0x42: {  	_ =	shalt  }
0x43: {  	_ =	shalt  }
0x44: {  	_ =	shalt  }
0x45: {  	_ =	shalt  }
0x46: {  	_ =	shalt  }
0x47: {  	_ =	shalt  }
0x48: {  	_ =	shalt  }
0x49: {  	_ =	shalt  }
0x4a: {  	_ =	shalt  }
0x4b: {  	_ =	shalt  }
0x4c: {  	_ =	shalt  }
0x4d: {  	_ =	shalt  }
0x4e: {  	_ =	shalt  }
0x4f: {  	_ =	shalt  }
0x50: {  	_ =	shalt  }
0x51: {  	_ =	shalt  }
0x52: {  	_ =	shalt  }
0x53: {  	_ =	shalt  }
0x54: {  	_ =	shalt  }
0x55: {  	_ =	shalt  }
0x56: {  	_ =	shalt  }
0x57: {  	_ =	shalt  }
0x58: {  	_ =	shalt  }
0x59: {  	_ =	shalt  }
0x5a: {  	_ =	shalt  }
0x5b: {  	_ =	shalt  }
0x5c: {  	_ =	shalt  }
0x5d: {  	_ =	shalt  }
0x5e: {  	_ =	shalt  }
0x5f: {  	_ =	shalt  }
0x60: {  	_ =	shalt  }
0x61: {  	_ =	shalt  }
0x62: {  	_ =	shalt  }
0x63: {  	_ =	shalt  }
0x64: {  	_ =	shalt  }
0x65: {  	_ =	shalt  }
0x66: {  	_ =	shalt  }
0x67: {  	_ =	shalt  }
0x68: {  	_ =	shalt  }
0x69: {  	_ =	shalt  }
0x6a: {  	_ =	shalt  }
0x6b: {  	_ =	shalt  }
0x6c: {  	_ =	shalt  }
0x6d: {  	_ =	shalt  }
0x6e: {  	_ =	shalt  }
0x6f: {  	_ =	shalt  }
0x70: {  	_ =	shalt  }
0x71: {  	_ =	shalt  }
0x72: {  	_ =	shalt  }
0x73: {  	_ =	shalt  }
0x74: {  	_ =	shalt  }
0x75: {  	_ =	shalt  }
0x76: {  	_ =	shalt  }
0x77: {  	_ =	shalt  }
0x78: {  	_ =	shalt  }
0x79: {  	_ =	shalt  }
0x7a: {  	_ =	shalt  }
0x7b: {  	_ =	shalt  }
0x7c: {  	_ =	shalt  }
0x7d: {  	_ =	shalt  }
0x7e: {  	_ =	shalt  }
0x7f: {  	_ =	shalt  }
0x80: {  	_ =	shalt  }
0x81: {  	_ =	shalt  }
0x82: {  	_ =	shalt  }
0x83: {  	_ =	shalt  }
0x84: {  	_ =	shalt  }
0x85: {  	_ =	shalt  }
0x86: {  	_ =	shalt  }
0x87: {  	_ =	shalt  }
.Lfunc_end0:
.L_simem_size_0:
called_computation_lowered:
.L_overlay_start_0:
0x88: {  	s2 =	sld [smem:$0x3FD9]  }
0x89: {  	s3 =	sld [smem:$0x3FFE];
	_ =	sdelay $0x1  }
0x8a: {  	s1 =	srdreg.scid  }
0x8b: {  	s0 =	sand.u32 $0x1, s1  }
0x8c: {  	s16 =	sshll.u32 s0, $0xA;
	s2 =	sadd.s32 s3, s2  }
0x8d: {  	s2 =	sadd.s32 s2, s16  }
0x8e: {  	[smem:$0x3FC0] =	sst s2  }
0x8f: {  	_ = 	snop  }
0x90: {  	(tm) =	ssettm $0x1  }
0x91: {  	s17 =	sld [smem:$0x3FFB];
	_ =	sdelay $0x3  }
0x92: {  	_ =	strace s17  }
0x93: {  	s2 =	sld [smem:$0x3FFC];
	_ =	sdelay $0x3  }
0x94: {  	_ =	strace s2  }
0x95: {  	s2 =	sld [smem:$0x3FFD];
	_ =	sdelay $0x3  }
0x96: {  	_ =	strace s2  }
0x97: {  	_ =	strace $0x8FFFFFFF  }
0x98: {  	s18 =	sld [smem:$0x3FDB];
	_ =	sdelay $0x1  }
0x99: {  	s19 =	simm.s32 $_scs_section_size  }
0x9a: {  	s4 =	simm.s32 $_size__tile_overlayer_lowered;
	s5 =	simm.s32 $_tile_overlayer_lowered  }
0x9b: {  	s22 =	simm.s32 $0x1BFF;
	s21 =	sshll.u32 s5, $0x1;
	s2 =	sadd.s32 s19, s18  }
0x9c: {  	s6 =	simm.s32 $0x0;
	s20 =	sshll.u32 s4, $0x1;
	s4 =	sadd.s32 s21, s2  }
0x9d: {  	[timem:s6], [sflag:s22] =	dma.local [hbm:s4], s20  }
0x9e: {  	_ =	swait.ge [sflag:s22], s20  }
0x9f: {  	s3 =	ssub.s32 $0x0, s20;
	[sflag:s22] =	ssyncset.done $0x0  }
0xa0: {  	[sflag:s22] =	ssyncadd.s32 s3;
	_ =	sdelay $0x1  }
0xa1: {  	s23 =	simm.s32 $0x1B8B  }
0xa2: {  	_ =	swait.ge [sflag:s23], $0x1  }
0xa3: {  	[sflag:s23] =	ssyncset.done $0x0  }
0xa4: {  	s25 =	simm.s32 $0x1B8E;
	s24 =	sld [smem:$0x3FFE];
	[sflag:s23] =	ssyncadd.s32 $0xFFFFFFFF  }
0xa5: {  	s26 =	simm.s32 $execute0_lowered;
	[smem:$0x3FD2] =	sst s25  }
0xa6: {  	s4 =	sshll.u32 s26, $0x1;
	_ =	strace $0x80000046;
	[dreg:$0x1] =	wrdreg $0xFFFFFFFF  }
0xa7: {  	s28 =	simm.s32 $_size_execute0_lowered;
	s2 =	sadd.s32 s2, s4;
	[dreg:$0x0] =	wrdreg $0x0  }
0xa8: {  	s4 =	sshll.u32 s28, $0x1;
	[dreg:$0x2] =	wrdreg s2  }
0xa9: {  	[dreg:$0x3] =	wrdreg s4  }
0xaa: {  	[dreg:$0x4] =	wrdreg $0xC0  }
0xab: {  	_ =	task [dreg:s6], $0x5FFFF  }
0xac: {  	[dreg:$0x1] =	wrdreg $0xFFFFFFFF  }
0xad: {  	[dreg:$0x0] =	wrdreg $0x60  }
0xae: {  	[dreg:$0x2] =	wrdreg s24  }
0xaf: {  	[dreg:$0x3] =	wrdreg $0x48000  }
0xb0: {  	[dreg:$0x4] =	wrdreg $0x9  }
0xb1: {  	_ =	task.clear_ibuf [dreg:s6], $0x5FFFF;
	_ =	strace $0x90000046  }
0xb2: {  	s29 =	simm.s32 $0x9;
	_ =	strace $0x80000048  }
0xb3: {  	_ =	swait.ge [sflag:s29], $0x1  }
0xb4: {  	[sflag:s29] =	ssyncadd.s32 $0xFFFFFFFF  }
0xb5: {  	_ =	strace $0x90000048  }
0xb6: {  	_ =	sfence  }
0xb7: {  	s30 =	sld [smem:$0x0];
	_ =	sdelay $0x2  }
0xb8: {  	s31 =	sshll.u32 s1, $0xD;
	s1 =	sshrl.u32 s1, $0x2  }
0xb9: {  	s3 =	sand.u32 $0x4000, s31;
	s1 =	sadd.s32 s1, s30  }
0xba: {  	s0 =	sor.u32 s3, s0;
	s1 =	sshll.u32 s1, $0x11  }
0xbb: {  	s0 =	sor.u32 s1, s0  }
0xbc: {  	s0 =	sadd.s32 $0x8F2B, s0  }
0xbd: {  	[sflag:s0] =	ssyncadd.remote.s32 $0x1  }
0xbe: {  	_ =	sfence.sel $0xFFFF  }
0xbf: {  	[dreg:$0x0] =	wrdreg $0xFFFFFFFF;
	(pc) =	sbr.abs _section_cstart, $3  }
0xc0: {  	[dreg:$0x1] =	wrdreg $0xFFFFFFFF  }
0xc1: {  	_ =	task.clear_ibuf [dreg:s6], $0x2FFFF;
	_ =	strace $0x9FFFFFFF  }
0xc2: {  	(tm) =	ssettm $0x7FFFFFFF  }
0xc3: {  	_ =	shalt  }
tec
execute0_lowered:
.L_overlay_start_1:
0x0: {  	(tag) =	ssettag $0x1  }
0x1: {  	s0 =	rddreg [dreg:$0x0]  }
0x2: {  	s1 =	rddreg [dreg:$0x1]  }
0x3: {  	s2 =	srdreg.scid;
	s3 =	simm.s32 $0x0;
	s24 =	stileid.u32  }
0x4: {  	s14 =	simm.s32 $0x80;
	s15 =	simm.s32 $0x2;
	s16 =	simm.s32 $0x3  }
0x5: {  	s17 =	simm.s32 $0x1;
	s18 =	simm.s32 $0x400;
	s19 =	simm.s32 $0x480  }
0x6: {  	s20 =	simm.s32 $0x500;
	s21 =	simm.s32 $0x580;
	s22 =	simm.s32 $0x600  }
0x7: {  	s23 =	simm.s32 $0x680;
	s6 =	sand.u32 $0x1, s2;
	s8 =	smul.u32 $0x14000, s24  }
0x8: {  	[smem:$0x7FF] =	sst s3;
	s9 =	sadd.s32 $0x2600, s0;
	s25 =	smul.u32 $0x2800, s24  }
0x9: {  	s5 =	sadd.s32 $0xC600, s0;
	s13 =	smul.u32 $0x50000, s24;
	s31 =	sshll.u32 s24, $0x6  }
0xa: {  	s7 =	smul.u32 $0x140000, s6;
	s4 =	sshll.u32 s6, $0x4;
	_ =	strace $0x80000047  }
0xb: {  	s11 =	smul.u32 $0x28000, s6;
	s6 =	ssub.s32 $0x2, s6;
	s4 =	sor.u32 s24, s4  }
0xc: {  	s12 =	sshrl.u32 s6, $0x1;
	s29 =	sshrl.u32 s13, $0x2;
	s24 =	simm.s32 $0x700  }
0xd: {  	s10 =	smul.u32 $0x2800, s4;
	s4 =	sadd.s32 $0xEE00, s0;
	s7 =	sadd.s32 s8, s7  }
0xe: {  	s12 =	ssub.s32 s6, s12;
	s26 =	sadd.s32 s25, s11;
	s13 =	sadd.s32 s29, s1  }
0xf: {  	s11 =	simm.s32 $0x800;
	s25 =	simm.s32 $0x780;
	s7 =	sshrl.u32 s7, $0x3  }
0x10: {  	s30 =	sor.u32 $0x400, s26;
	s8 =	smax.u32 s12, $0x1;
	s12 =	sor.u32 $0x1C04, s31  }
0x11: {  	s13 =	sshrl.u32 s13, $0x3;
	s26 =	simm.s32 $0x0;
	s28 =	sshrl.u32 s10, $0x3  }
0x12: {  	s0 =	sadd.s32 s7, s0;
	s10 =	sshrl.u32 s30, $0x3;
	s6 =	sadd.s32 s9, s28  }
0x13: {  	s7 =	sadd.s32 $0xF600, s0;
	s9 =	sadd.s32 s10, s9;
	s10 =	simm.s32 $0x4  }
.LBB2_1:
0x14: {  	[tilespmem:s3], [sflag:$0x4] =	stream.linear.gather [hbm4b:s6+s3], $0x400, $0x38;
	[tilespmem:$0x18800] =	vst v63  }
0x15: {  	_ =	swait.ge [sflag:s10], $0x400  }
0x16: {  	[sflag:s10] =	ssyncset.done $0x0  }
0x17: {  	[sflag:s10] =	ssyncadd.s32 $0xFFFFFC00  }
0x18: {  	[tilespmem:s11], [sflag:$0x4] =	stream.linear.gather [hbm4b:s4+s3], $0x4000, $0x38;
	[tilespmem:$0x18800] =	vst v63  }
0x19: {  	_ =	swait.ge [sflag:s10], $0x4000  }
0x1a: {  	[sflag:s10] =	ssyncset.done $0x0  }
0x1b: {  	[sflag:s10] =	ssyncadd.s32 $0xFFFFC000  }
0x1c: {  	[spmem:s13], [sflag:s12] =	dma.local [hbm:s5], $0x2800  }
0x1d: {  	_ =	swait.ge [sflag:s10], $0x2800  }
0x1e: {  	s0 =	simm.s32 $0x0;
	[sflag:s10] =	ssyncset.done $0x0  }
0x1f: {  	s0 =	sand.u32 $0x400, s0;
	[sflag:s10] =	ssyncadd.s32 $0xFFFFD800  }
0x20: {  	s28 =	sxor.u32 $0x400, s0;
	[bflag:$0x0] =	sbarrier.arrive $0xFFFF  }
0x21: {  	[tilespmem:s28], [sflag:$0x1] =	stream.linear.gather [hbm4b:s9+s3], $0x400, $0x38;
	[tilespmem:$0x18800] =	vst v63  }
0x22: {  	_ = 	snop  }
0x23: {  	[spmem:s1] =	stream.indirect.scatter.add.f32 [tilespmem:s11], [sflag:$0x2], $0x80, s0, s14, $0xb8;
	[tilespmem:$0x18800] =	vst v63  }
0x24: {  	s28 =	sor.u32 $0x80, s0  }
0x25: {  	[spmem:s1] =	stream.indirect.scatter.add.f32 [tilespmem:s11], [sflag:$0x3], $0x80, s28, s14, $0xb8;
	[tilespmem:$0x18800] =	vst v63  }
0x26: {  	_ =	swait.ge [sflag:s15], $0x4000  }
0x27: {  	[sflag:s15] =	ssyncset.done $0x0  }
0x28: {  	s28 =	sor.u32 $0x100, s0;
	[sflag:s15] =	ssyncadd.s32 $0xFFFFC000  }
0x29: {  	[spmem:s1] =	stream.indirect.scatter.add.f32 [tilespmem:s11], [sflag:$0x2], $0x80, s28, s14, $0xb8;
	[tilespmem:$0x18800] =	vst v63  }
0x2a: {  	_ =	swait.ge [sflag:s16], $0x4000  }
0x2b: {  	[sflag:s16] =	ssyncset.done $0x0  }
0x2c: {  	s28 =	sor.u32 $0x180, s0;
	[sflag:s16] =	ssyncadd.s32 $0xFFFFC000  }
0x2d: {  	[spmem:s1] =	stream.indirect.scatter.add.f32 [tilespmem:s11], [sflag:$0x3], $0x80, s28, s14, $0xb8;
	[tilespmem:$0x18800] =	vst v63  }
0x2e: {  	_ =	swait.ge [sflag:s15], $0x4000  }
0x2f: {  	[sflag:s15] =	ssyncset.done $0x0  }
0x30: {  	s28 =	sor.u32 $0x200, s0;
	[sflag:s15] =	ssyncadd.s32 $0xFFFFC000  }
0x31: {  	[spmem:s1] =	stream.indirect.scatter.add.f32 [tilespmem:s11], [sflag:$0x2], $0x80, s28, s14, $0xb8;
	[tilespmem:$0x18800] =	vst v63  }
0x32: {  	_ =	swait.ge [sflag:s16], $0x4000  }
0x33: {  	[sflag:s16] =	ssyncset.done $0x0  }
0x34: {  	s28 =	sor.u32 $0x280, s0;
	[sflag:s16] =	ssyncadd.s32 $0xFFFFC000  }
0x35: {  	[spmem:s1] =	stream.indirect.scatter.add.f32 [tilespmem:s11], [sflag:$0x3], $0x80, s28, s14, $0xb8;
	[tilespmem:$0x18800] =	vst v63  }
0x36: {  	_ =	swait.ge [sflag:s15], $0x4000  }
0x37: {  	[sflag:s15] =	ssyncset.done $0x0  }
0x38: {  	s28 =	sor.u32 $0x300, s0;
	[sflag:s15] =	ssyncadd.s32 $0xFFFFC000  }
0x39: {  	[spmem:s1] =	stream.indirect.scatter.add.f32 [tilespmem:s11], [sflag:$0x2], $0x80, s28, s14, $0xb8;
	[tilespmem:$0x18800] =	vst v63  }
0x3a: {  	_ =	swait.ge [sflag:s16], $0x4000  }
0x3b: {  	[sflag:s16] =	ssyncset.done $0x0  }
0x3c: {  	s0 =	sor.u32 $0x380, s0;
	[sflag:s16] =	ssyncadd.s32 $0xFFFFC000  }
0x3d: {  	[spmem:s1] =	stream.indirect.scatter.add.f32 [tilespmem:s11], [sflag:$0x3], $0x80, s0, s14, $0xb8;
	[tilespmem:$0x18800] =	vst v63  }
0x3e: {  	_ =	swait.ge [sflag:s15], $0x4000  }
0x3f: {  	[sflag:s15] =	ssyncset.done $0x0  }
0x40: {  	[sflag:s15] =	ssyncadd.s32 $0xFFFFC000  }
0x41: {  	_ =	swait.ge [sflag:s16], $0x4000  }
0x42: {  	[sflag:s16] =	ssyncset.done $0x0  }
0x43: {  	[sflag:s16] =	ssyncadd.s32 $0xFFFFC000  }
0x44: {  	s30 =	simm.s32 $0x2;
	s31 =	simm.s32 $0x400;
	_ =	swait.ge [sflag:s17], $0x400  }
0x45: {  	s29 =	sadd.s32 $0x80, s9;
	s28 =	sand.u32 $0x400, s31;
	[sflag:s17] =	ssyncset.done $0x0  }
.LBB2_2:
0x46: {  	s2 =	sxor.u32 $0x400, s28  }
0x47: {  	[sflag:s17] =	ssyncadd.s32 $0xFFFFFC00;
	s31 =	smov.u32 s30;
	s0 =	sadd.s32 $0x1, s30  }
0x48: {  	[tilespmem:s2], [sflag:$0x1] =	stream.linear.gather [hbm4b:s29+s3], $0x400, $0x38;
	[tilespmem:$0x18800] =	vst v63  }
0x49: {  	p0 =	sne.s32 s30, $0x8  }
0x4a: {  	[spmem:s1] =	stream.indirect.scatter.add.f32 [tilespmem:s11], [sflag:$0x2], $0x80, s28, s14, $0xb8;
	[tilespmem:$0x18800] =	vst v63  }
0x4b: {  	s2 =	sor.u32 $0x80, s28  }
0x4c: {  	[spmem:s1] =	stream.indirect.scatter.add.f32 [tilespmem:s11], [sflag:$0x3], $0x80, s2, s14, $0xb8;
	[tilespmem:$0x18800] =	vst v63  }
0x4d: {  	_ =	swait.ge [sflag:s15], $0x4000  }
0x4e: {  	[sflag:s15] =	ssyncset.done $0x0  }
0x4f: {  	s2 =	sor.u32 $0x100, s28;
	[sflag:s15] =	ssyncadd.s32 $0xFFFFC000  }
0x50: {  	[spmem:s1] =	stream.indirect.scatter.add.f32 [tilespmem:s11], [sflag:$0x2], $0x80, s2, s14, $0xb8;
	[tilespmem:$0x18800] =	vst v63  }
0x51: {  	_ =	swait.ge [sflag:s16], $0x4000  }
0x52: {  	[sflag:s16] =	ssyncset.done $0x0  }
0x53: {  	s2 =	sor.u32 $0x180, s28;
	[sflag:s16] =	ssyncadd.s32 $0xFFFFC000  }
0x54: {  	[spmem:s1] =	stream.indirect.scatter.add.f32 [tilespmem:s11], [sflag:$0x3], $0x80, s2, s14, $0xb8;
	[tilespmem:$0x18800] =	vst v63  }
0x55: {  	_ =	swait.ge [sflag:s15], $0x4000  }
0x56: {  	[sflag:s15] =	ssyncset.done $0x0  }
0x57: {  	s2 =	sor.u32 $0x200, s28;
	[sflag:s15] =	ssyncadd.s32 $0xFFFFC000  }
0x58: {  	[spmem:s1] =	stream.indirect.scatter.add.f32 [tilespmem:s11], [sflag:$0x2], $0x80, s2, s14, $0xb8;
	[tilespmem:$0x18800] =	vst v63  }
0x59: {  	_ =	swait.ge [sflag:s16], $0x4000  }
0x5a: {  	[sflag:s16] =	ssyncset.done $0x0  }
0x5b: {  	s2 =	sor.u32 $0x280, s28;
	[sflag:s16] =	ssyncadd.s32 $0xFFFFC000  }
0x5c: {  	[spmem:s1] =	stream.indirect.scatter.add.f32 [tilespmem:s11], [sflag:$0x3], $0x80, s2, s14, $0xb8;
	[tilespmem:$0x18800] =	vst v63  }
0x5d: {  	_ =	swait.ge [sflag:s15], $0x4000  }
0x5e: {  	[sflag:s15] =	ssyncset.done $0x0  }
0x5f: {  	s2 =	sor.u32 $0x300, s28;
	[sflag:s15] =	ssyncadd.s32 $0xFFFFC000  }
0x60: {  	[spmem:s1] =	stream.indirect.scatter.add.f32 [tilespmem:s11], [sflag:$0x2], $0x80, s2, s14, $0xb8;
	[tilespmem:$0x18800] =	vst v63  }
0x61: {  	_ =	swait.ge [sflag:s16], $0x4000  }
0x62: {  	[sflag:s16] =	ssyncset.done $0x0  }
0x63: {  	s2 =	sor.u32 $0x380, s28;
	[sflag:s16] =	ssyncadd.s32 $0xFFFFC000  }
0x64: {  	[spmem:s1] =	stream.indirect.scatter.add.f32 [tilespmem:s11], [sflag:$0x3], $0x80, s2, s14, $0xb8;
	[tilespmem:$0x18800] =	vst v63  }
0x65: {  	_ =	swait.ge [sflag:s15], $0x4000  }
0x66: {  	[sflag:s15] =	ssyncset.done $0x0  }
0x67: {  	[sflag:s15] =	ssyncadd.s32 $0xFFFFC000  }
.Ltmp0:
0x68: {  	_ =	swait.ge [sflag:s16], $0x4000;
	(pc) =	sbr.rel @p0 .LBB2_2-.Ltmp0, $4  }
0x69: {  	[sflag:s16] =	ssyncset.done $0x0  }
0x6a: {  	[sflag:s16] =	ssyncadd.s32 $0xFFFFC000  }
0x6b: {  	s29 =	sadd.s32 $0x80, s29;
	s2 =	sshll.u32 s31, $0xA;
	_ =	swait.ge [sflag:s17], $0x400  }
0x6c: {  	s30 =	smov.u32 s0;
	s28 =	sand.u32 $0x400, s2;
	[sflag:s17] =	ssyncset.done $0x0  }
0x6d: {  	s0 =	sxor.u32 $0x400, s28;
	[sflag:s17] =	ssyncadd.s32 $0xFFFFFC00  }
0x6e: {  	[tilespmem:s0], [sflag:$0x1] =	stream.linear.gather [hbm4b:s29+s3], $0x400, $0x38;
	[tilespmem:$0x18800] =	vst v63  }
0x6f: {  	_ = 	snop  }
0x70: {  	[spmem:s1] =	stream.indirect.scatter.add.f32 [tilespmem:s11], [sflag:$0x2], $0x80, s28, s14, $0xb8;
	[tilespmem:$0x18800] =	vst v63  }
0x71: {  	s29 =	sor.u32 $0x80, s28  }
0x72: {  	[spmem:s1] =	stream.indirect.scatter.add.f32 [tilespmem:s11], [sflag:$0x3], $0x80, s29, s14, $0xb8;
	[tilespmem:$0x18800] =	vst v63  }
0x73: {  	_ =	swait.ge [sflag:s15], $0x4000  }
0x74: {  	[sflag:s15] =	ssyncset.done $0x0  }
0x75: {  	s30 =	sor.u32 $0x100, s28;
	[sflag:s15] =	ssyncadd.s32 $0xFFFFC000  }
0x76: {  	[spmem:s1] =	stream.indirect.scatter.add.f32 [tilespmem:s11], [sflag:$0x2], $0x80, s30, s14, $0xb8;
	[tilespmem:$0x18800] =	vst v63  }
0x77: {  	_ =	swait.ge [sflag:s16], $0x4000  }
0x78: {  	[sflag:s16] =	ssyncset.done $0x0  }
0x79: {  	s31 =	sor.u32 $0x180, s28;
	[sflag:s16] =	ssyncadd.s32 $0xFFFFC000  }
0x7a: {  	[spmem:s1] =	stream.indirect.scatter.add.f32 [tilespmem:s11], [sflag:$0x3], $0x80, s31, s14, $0xb8;
	[tilespmem:$0x18800] =	vst v63  }
0x7b: {  	_ =	swait.ge [sflag:s15], $0x4000  }
0x7c: {  	[sflag:s15] =	ssyncset.done $0x0  }
0x7d: {  	s2 =	sor.u32 $0x200, s28;
	[sflag:s15] =	ssyncadd.s32 $0xFFFFC000  }
0x7e: {  	[spmem:s1] =	stream.indirect.scatter.add.f32 [tilespmem:s11], [sflag:$0x2], $0x80, s2, s14, $0xb8;
	[tilespmem:$0x18800] =	vst v63  }
0x7f: {  	_ =	swait.ge [sflag:s16], $0x4000  }
0x80: {  	[sflag:s16] =	ssyncset.done $0x0  }
0x81: {  	s29 =	sor.u32 $0x280, s28;
	[sflag:s16] =	ssyncadd.s32 $0xFFFFC000  }
0x82: {  	[spmem:s1] =	stream.indirect.scatter.add.f32 [tilespmem:s11], [sflag:$0x3], $0x80, s29, s14, $0xb8;
	[tilespmem:$0x18800] =	vst v63  }
0x83: {  	_ =	swait.ge [sflag:s15], $0x4000  }
0x84: {  	[sflag:s15] =	ssyncset.done $0x0  }
0x85: {  	s30 =	sor.u32 $0x300, s28;
	[sflag:s15] =	ssyncadd.s32 $0xFFFFC000  }
0x86: {  	[spmem:s1] =	stream.indirect.scatter.add.f32 [tilespmem:s11], [sflag:$0x2], $0x80, s30, s14, $0xb8;
	[tilespmem:$0x18800] =	vst v63  }
0x87: {  	_ =	swait.ge [sflag:s16], $0x4000  }
0x88: {  	[sflag:s16] =	ssyncset.done $0x0  }
0x89: {  	s31 =	sor.u32 $0x380, s28;
	[sflag:s16] =	ssyncadd.s32 $0xFFFFC000  }
0x8a: {  	[spmem:s1] =	stream.indirect.scatter.add.f32 [tilespmem:s11], [sflag:$0x3], $0x80, s31, s14, $0xb8;
	[tilespmem:$0x18800] =	vst v63  }
0x8b: {  	_ =	swait.ge [sflag:s15], $0x4000  }
0x8c: {  	[sflag:s15] =	ssyncset.done $0x0  }
0x8d: {  	[sflag:s15] =	ssyncadd.s32 $0xFFFFC000  }
0x8e: {  	_ =	swait.ge [sflag:s16], $0x4000  }
0x8f: {  	[sflag:s16] =	ssyncset.done $0x0  }
0x90: {  	[sflag:s16] =	ssyncadd.s32 $0xFFFFC000  }
0x91: {  	_ =	swait.ge [sflag:s17], $0x400  }
0x92: {  	[sflag:s17] =	ssyncset.done $0x0  }
0x93: {  	[sflag:s17] =	ssyncadd.s32 $0xFFFFFC00  }
0x94: {  	[spmem:s1] =	stream.indirect.scatter.add.f32 [tilespmem:s11], [sflag:$0x2], $0x80, s18, s14, $0xb8;
	[tilespmem:$0x18800] =	vst v63  }
0x95: {  	_ = 	snop  }
0x96: {  	[spmem:s1] =	stream.indirect.scatter.add.f32 [tilespmem:s11], [sflag:$0x3], $0x80, s19, s14, $0xb8;
	[tilespmem:$0x18800] =	vst v63  }
0x97: {  	_ =	swait.ge [sflag:s15], $0x4000  }
0x98: {  	[sflag:s15] =	ssyncset.done $0x0  }
0x99: {  	[sflag:s15] =	ssyncadd.s32 $0xFFFFC000  }
0x9a: {  	[spmem:s1] =	stream.indirect.scatter.add.f32 [tilespmem:s11], [sflag:$0x2], $0x80, s20, s14, $0xb8;
	[tilespmem:$0x18800] =	vst v63  }
0x9b: {  	_ =	swait.ge [sflag:s16], $0x4000  }
0x9c: {  	[sflag:s16] =	ssyncset.done $0x0  }
0x9d: {  	[sflag:s16] =	ssyncadd.s32 $0xFFFFC000  }
0x9e: {  	[spmem:s1] =	stream.indirect.scatter.add.f32 [tilespmem:s11], [sflag:$0x3], $0x80, s21, s14, $0xb8;
	[tilespmem:$0x18800] =	vst v63  }
0x9f: {  	_ =	swait.ge [sflag:s15], $0x4000  }
0xa0: {  	[sflag:s15] =	ssyncset.done $0x0  }
0xa1: {  	[sflag:s15] =	ssyncadd.s32 $0xFFFFC000  }
0xa2: {  	[spmem:s1] =	stream.indirect.scatter.add.f32 [tilespmem:s11], [sflag:$0x2], $0x80, s22, s14, $0xb8;
	[tilespmem:$0x18800] =	vst v63  }
0xa3: {  	_ =	swait.ge [sflag:s16], $0x4000  }
0xa4: {  	[sflag:s16] =	ssyncset.done $0x0  }
0xa5: {  	[sflag:s16] =	ssyncadd.s32 $0xFFFFC000  }
0xa6: {  	[spmem:s1] =	stream.indirect.scatter.add.f32 [tilespmem:s11], [sflag:$0x3], $0x80, s23, s14, $0xb8;
	[tilespmem:$0x18800] =	vst v63  }
0xa7: {  	_ =	swait.ge [sflag:s15], $0x4000  }
0xa8: {  	[sflag:s15] =	ssyncset.done $0x0  }
0xa9: {  	[sflag:s15] =	ssyncadd.s32 $0xFFFFC000  }
0xaa: {  	[spmem:s1] =	stream.indirect.scatter.add.f32 [tilespmem:s11], [sflag:$0x2], $0x80, s24, s14, $0xb8;
	[tilespmem:$0x18800] =	vst v63  }
0xab: {  	_ =	swait.ge [sflag:s16], $0x4000  }
0xac: {  	[sflag:s16] =	ssyncset.done $0x0  }
0xad: {  	[sflag:s16] =	ssyncadd.s32 $0xFFFFC000  }
0xae: {  	[spmem:s1] =	stream.indirect.scatter.add.f32 [tilespmem:s11], [sflag:$0x3], $0x80, s25, s14, $0xb8;
	[tilespmem:$0x18800] =	vst v63  }
0xaf: {  	_ =	swait.ge [sflag:s15], $0x4000  }
0xb0: {  	[sflag:s15] =	ssyncset.done $0x0  }
0xb1: {  	[sflag:s15] =	ssyncadd.s32 $0xFFFFC000  }
0xb2: {  	_ =	swait.ge [sflag:s16], $0x4000  }
0xb3: {  	s26 =	sadd.s32 $0x1, s26;
	[sflag:s16] =	ssyncset.done $0x0  }
0xb4: {  	p0 =	sne.s32 s26, s8;
	[sflag:s16] =	ssyncadd.s32 $0xFFFFC000  }
.Ltmp1:
0xb5: {  	[bflag:$0x0] =	sbarrier.arrive $0xFFFF;
	(pc) =	sbr.rel @p0 .LBB2_1-.Ltmp1, $4  }
0xb6: {  	[hbm:s7], [sflag:s12] =	dma.local [spmem:s13], $0x2800  }
0xb7: {  	_ =	swait.ge [sflag:s10], $0x2800  }
0xb8: {  	[sflag:s10] =	ssyncset.done $0x0  }
0xb9: {  	[sflag:s10] =	ssyncadd.s32 $0xFFFFD800  }
0xba: {  	_ =	sfence.sel $0x180000  }
0xbb: {  	[bflag:$0x0] =	sbarrier.arrive $0xFFFF  }
0xbc: {  	_ =	strace $0x90000047  }
0xbd: {  	s0 =	stileid.u32;
	[bflag:$0x2] =	sbarrier.arrive $0xFFFF  }
0xbe: {  	p0 =	sne.s32 s0, $0x0;
	s0 =	rddreg [dreg:$0x2]  }
0xbf: {  	s0 =	sadd.s32 @!p0 $0x100000, s0  }
0xc0: {  	[sflag:s0] =	ssyncadd.tile.s32 @!p0 $0x1;
	_ =	shalt  }
.Lfunc_end2:
_tile_overlayer_lowered:
.L_overlay_start_2:
0xc1: {  	(tag) =	ssettag $0x2  }
0xc2: {  	s0 =	rddreg [dreg:$0x0];
	s2 =	stileid.u32  }
0xc3: {  	s1 =	rddreg [dreg:$0x1];
	p0 =	sne.s32 s2, $0x0  }
0xc4: {  	s3 =	rddreg [dreg:$0x2];
	[bflag:$0x3] =	sbarrier.arrive $0xFFFF;
	s2 =	simm.s32 @!p0 $0x1C04  }
0xc5: {  	[timem:s3], [sflag:s2] =	dma.local @!p0 [hbm:s0], s1  }
0xc6: {  	s0 =	simm.s32 @!p0 $0x4  }
0xc7: {  	_ =	swait.ge @!p0 [sflag:s0], s1  }
0xc8: {  	s1 =	ssub.s32 @!p0 $0x0, s1;
	[sflag:s0] =	ssyncset.done @!p0 $0x0  }
0xc9: {  	[sflag:s0] =	ssyncadd.s32 @!p0 s1  }
0xca: {  	[bflag:$0x3] =	sbarrier.arrive $0xFFFF  }
0xcb: {  	_ =	shalt  }

// kernel: kernel.13.cloned.1.call-start
scs
__scs_entry_jumppad:
0x0: {  	(pc) =	sbr.rel $0x88, $3  }
0x1: {  	(tag) =	ssettag $0x0;
	lr =	simm.s32 $0x1  }
0x2: {  	[smem:$0x3F99] =	sst lr;
	_ =	strace $0xD0000000  }
0x3: {  	_ = 	snop  }
0x4: {  	_ = 	snop  }
0x5: {  	_ = 	snop  }
0x6: {  	_ = 	snop  }
0x7: {  	_ = 	snop  }
__scs_overlays_trampoline_lowered:
0x8: {  	[smem:$0x3FA8] =	sst s0  }
0x9: {  	[smem:$0x3FA9] =	sst s1  }
0xa: {  	[smem:$0x3FAA] =	sst s2  }
0xb: {  	[smem:$0x3FAB] =	sst s3  }
0xc: {  	[smem:$0x3FAC] =	sst s4  }
0xd: {  	[smem:$0x3FAD] =	sst s5  }
0xe: {  	[smem:$0x3FAE] =	sst s6  }
0xf: {  	[smem:$0x3FAF] =	sst s7  }
0x10: {  	[smem:$0x3FB0] =	sst s8  }
0x11: {  	[smem:$0x3FB1] =	sst s9;
	s0 =	simm.s32 @!p0 $0x0  }
0x12: {  	s1 =	sld [smem:$0x3F97];
	s0 =	simm.s32 @p0 $0x1  }
0x13: {  	[smem:$0x3FB2] =	sst s0;
	s0 =	simm.s32 @!p1 $0x0  }
0x14: {  	s2 =	sld [smem:$0x3F96];
	s0 =	simm.s32 @p1 $0x1  }
0x15: {  	[smem:$0x3FB3] =	sst s0;
	s0 =	simm.s32 @!p2 $0x0  }
0x16: {  	s3 =	sld [smem:$0x3FDB];
	s0 =	simm.s32 @p2 $0x1  }
0x17: {  	s4 =	simm.s32 $0x1BF5;
	[smem:$0x3FB5] =	sst s0  }
0x18: {  	s0 =	sld [smem:$0x3F98];
	_ =	swait.ge [sflag:s4], $0x0  }
0x19: {  	s7 =	sld [smem:$0x3F99]  }
0x1a: {  	s8 =	sadd.s32 $0xFFFFE003, lr  }
0x1b: {  	s9 =	sadd.s32 $0xFFFFFEF7, lr;
	s5 =	simm.s32 $0xFFFFFFFF;
	p2 =	slt.u32 s8, $0xFFFFF086  }
0x1c: {  	p1 =	slt.u32 s9, $0xF7A;
	s5 =	simm.s32 @!p2 $0x0  }
0x1d: {  	s5 =	simm.s32 @p1 $0x1;
	p0 =	seq.s32 s7, s2  }
0x1e: {  	s7 =	smul.u32 @!p0 $0xF7A, s2;
	p2 =	seq.s32 @!p0 s5, $0x0  }
0x1f: {  	s9 =	smul.u32 $0xF7A, s1;
	s8 =	simm.s32 @!p0 $0x1BF5;
	p2 =	por !p2, p0  }
0x20: {  	[sflag:s8] =	ssyncset.s32 @!p0 $0xFFFFF086;
	s6 =	sadd.s32 @!p0 s3, s7;
	s7 =	simm.s32 @!p0 $0x108  }
0x21: {  	s3 =	sadd.s32 s3, s9;
	s6 =	sadd.s32 @!p0 $0x88, s6;
	s7 =	simm.s32 @p2 $0x1082  }
0x22: {  	[simem:s7], [sflag:s8] =	dma.local @!p0 [hbm:s6], $0xF7A  }
0x23: {  	s9 =	sor.u32 $0xD0000000, s2;
	s6 =	simm.s32 $0x108;
	_ =	swait.ge @!p0 [sflag:s8], $0x0  }
0x24: {  	s3 =	sadd.s32 $0x88, s3;
	s6 =	simm.s32 @!p1 $0x1082;
	[sflag:s4] =	ssyncset.s32 $0xFFFFF086  }
0x25: {  	[simem:s6], [sflag:s4] =	dma.local [hbm:s3], $0xF7A  }
0x26: {  	[smem:$0x3F99] =	sst s1;
	(tag) =	ssettag s2;
	_ =	strace s9  }
0x27: {  	s1 =	sld [smem:$0x3FA9]  }
0x28: {  	s2 =	sld [smem:$0x3FAA]  }
0x29: {  	s4 =	sld [smem:$0x3FAC]  }
0x2a: {  	p0 =	seq.s32 s5, $0x0;
	s5 =	sld [smem:$0x3FAD]  }
0x2b: {  	s6 =	sld [smem:$0x3FAE]  }
0x2c: {  	s7 =	sld [smem:$0x3FAF]  }
0x2d: {  	s3 =	simm.s32 $0x108;
	s8 =	sld [smem:$0x3FB0]  }
0x2e: {  	s3 =	simm.s32 @!p0 $0x1082;
	s9 =	sld [smem:$0x3FB1]  }
0x2f: {  	lr =	sadd.s32 s0, s3;
	s0 =	sld [smem:$0x3FA8]  }
0x30: {  	s3 =	sld [smem:$0x3FAB]  }
0x31: {  	[smem:$0x3FB4] =	sst s10  }
0x32: {  	s10 =	sld [smem:$0x3FB2];
	_ =	sdelay $0x3  }
0x33: {  	p0 =	seq.s32 s10, $0x1;
	s10 =	sld [smem:$0x3FB4];
	_ =	sdelay $0x3  }
0x34: {  	[smem:$0x3FB4] =	sst s10  }
0x35: {  	s10 =	sld [smem:$0x3FB3];
	_ =	sdelay $0x3  }
0x36: {  	p1 =	seq.s32 s10, $0x1;
	s10 =	sld [smem:$0x3FB4];
	_ =	sdelay $0x3  }
0x37: {  	[smem:$0x3FB4] =	sst s10  }
0x38: {  	s10 =	sld [smem:$0x3FB5]  }
0x39: {  	_ = 	snop;
	(pc) =	sbr.ind lr, $3  }
0x3a: {  	_ = 	snop  }
0x3b: {  	_ = 	snop  }
0x3c: {  	p2 =	seq.s32 s10, $0x1;
	s10 =	sld [smem:$0x3FB4]  }
0x3d: {  	_ =	shalt  }
0x3e: {  	_ =	shalt  }
0x3f: {  	_ =	shalt  }
0x40: {  	_ =	shalt  }
0x41: {  	_ =	shalt  }
0x42: {  	_ =	shalt  }
0x43: {  	_ =	shalt  }
0x44: {  	_ =	shalt  }
0x45: {  	_ =	shalt  }
0x46: {  	_ =	shalt  }
0x47: {  	_ =	shalt  }
0x48: {  	_ =	shalt  }
0x49: {  	_ =	shalt  }
0x4a: {  	_ =	shalt  }
0x4b: {  	_ =	shalt  }
0x4c: {  	_ =	shalt  }
0x4d: {  	_ =	shalt  }
0x4e: {  	_ =	shalt  }
0x4f: {  	_ =	shalt  }
0x50: {  	_ =	shalt  }
0x51: {  	_ =	shalt  }
0x52: {  	_ =	shalt  }
0x53: {  	_ =	shalt  }
0x54: {  	_ =	shalt  }
0x55: {  	_ =	shalt  }
0x56: {  	_ =	shalt  }
0x57: {  	_ =	shalt  }
0x58: {  	_ =	shalt  }
0x59: {  	_ =	shalt  }
0x5a: {  	_ =	shalt  }
0x5b: {  	_ =	shalt  }
0x5c: {  	_ =	shalt  }
0x5d: {  	_ =	shalt  }
0x5e: {  	_ =	shalt  }
0x5f: {  	_ =	shalt  }
0x60: {  	_ =	shalt  }
0x61: {  	_ =	shalt  }
0x62: {  	_ =	shalt  }
0x63: {  	_ =	shalt  }
0x64: {  	_ =	shalt  }
0x65: {  	_ =	shalt  }
0x66: {  	_ =	shalt  }
0x67: {  	_ =	shalt  }
0x68: {  	_ =	shalt  }
0x69: {  	_ =	shalt  }
0x6a: {  	_ =	shalt  }
0x6b: {  	_ =	shalt  }
0x6c: {  	_ =	shalt  }
0x6d: {  	_ =	shalt  }
0x6e: {  	_ =	shalt  }
0x6f: {  	_ =	shalt  }
0x70: {  	_ =	shalt  }
0x71: {  	_ =	shalt  }
0x72: {  	_ =	shalt  }
0x73: {  	_ =	shalt  }
0x74: {  	_ =	shalt  }
0x75: {  	_ =	shalt  }
0x76: {  	_ =	shalt  }
0x77: {  	_ =	shalt  }
0x78: {  	_ =	shalt  }
0x79: {  	_ =	shalt  }
0x7a: {  	_ =	shalt  }
0x7b: {  	_ =	shalt  }
0x7c: {  	_ =	shalt  }
0x7d: {  	_ =	shalt  }
0x7e: {  	_ =	shalt  }
0x7f: {  	_ =	shalt  }
0x80: {  	_ =	shalt  }
0x81: {  	_ =	shalt  }
0x82: {  	_ =	shalt  }
0x83: {  	_ =	shalt  }
0x84: {  	_ =	shalt  }
0x85: {  	_ =	shalt  }
0x86: {  	_ =	shalt  }
0x87: {  	_ =	shalt  }
.Lfunc_end0:
.L_simem_size_0:
called_computation.1_lowered:
.L_overlay_start_0:
0x88: {  	s2 =	sld [smem:$0x3FD9]  }
0x89: {  	s3 =	sld [smem:$0x3FFE];
	_ =	sdelay $0x1  }
0x8a: {  	s1 =	srdreg.scid  }
0x8b: {  	s0 =	sand.u32 $0x1, s1  }
0x8c: {  	s17 =	sshll.u32 s0, $0xA;
	s2 =	sadd.s32 s3, s2  }
0x8d: {  	s2 =	sadd.s32 s2, s17  }
0x8e: {  	[smem:$0x3FC0] =	sst s2  }
0x8f: {  	_ = 	snop  }
0x90: {  	s2 =	sld [smem:$0x3FD0];
	(tm) =	ssettm $0x1  }
0x91: {  	s18 =	sld [smem:$0x3FFB];
	_ =	sdelay $0x3  }
0x92: {  	_ =	strace s18  }
0x93: {  	s3 =	sld [smem:$0x3FFC];
	_ =	sdelay $0x3  }
0x94: {  	_ =	strace s3  }
0x95: {  	s3 =	sld [smem:$0x3FFD];
	_ =	sdelay $0x3  }
0x96: {  	_ =	strace s3  }
0x97: {  	_ =	strace $0x8FFFFFFF  }
0x98: {  	s19 =	sld [smem:$0x3FDB];
	_ =	sdelay $0x1  }
0x99: {  	s4 =	simm.s32 $_scs_section_size  }
0x9a: {  	s5 =	simm.s32 $_size__tile_overlayer_lowered;
	s6 =	simm.s32 $_tile_overlayer_lowered  }
0x9b: {  	s22 =	simm.s32 $0x1BFF;
	s21 =	sshll.u32 s6, $0x1;
	s3 =	sadd.s32 s4, s19  }
0x9c: {  	s7 =	simm.s32 $0x0;
	s20 =	sshll.u32 s5, $0x1;
	s5 =	sadd.s32 s21, s3  }
0x9d: {  	[timem:s7], [sflag:s22] =	dma.local [hbm:s5], s20  }
0x9e: {  	_ =	swait.ge [sflag:s22], s20  }
0x9f: {  	s4 =	ssub.s32 $0x0, s20;
	[sflag:s22] =	ssyncset.done $0x0  }
0xa0: {  	[sflag:s22] =	ssyncadd.s32 s4;
	_ =	sdelay $0x1  }
0xa1: {  	s23 =	simm.s32 $0x1B8B  }
0xa2: {  	_ =	swait.ge [sflag:s23], $0x1  }
0xa3: {  	[sflag:s23] =	ssyncset.done $0x0  }
0xa4: {  	s25 =	simm.s32 $0x1B8E;
	s24 =	sld [smem:$0x3FFE];
	[sflag:s23] =	ssyncadd.s32 $0xFFFFFFFF  }
0xa5: {  	s26 =	simm.s32 $execute0_lowered;
	[smem:$0x3FD2] =	sst s25  }
0xa6: {  	s5 =	sshll.u32 s26, $0x1;
	_ =	strace $0x80000049;
	[dreg:$0x1] =	wrdreg $0xFFFFFFFF  }
0xa7: {  	s28 =	simm.s32 $_size_execute0_lowered;
	s3 =	sadd.s32 s3, s5;
	[dreg:$0x0] =	wrdreg $0x0  }
0xa8: {  	s5 =	sshll.u32 s28, $0x1;
	[dreg:$0x2] =	wrdreg s3  }
0xa9: {  	[dreg:$0x3] =	wrdreg s5  }
0xaa: {  	[dreg:$0x4] =	wrdreg $0xC0  }
0xab: {  	_ =	task [dreg:s7], $0x5FFFF  }
0xac: {  	[dreg:$0x1] =	wrdreg $0xFFFFFFFF  }
0xad: {  	[dreg:$0x0] =	wrdreg $0x60  }
0xae: {  	[dreg:$0x2] =	wrdreg s24  }
0xaf: {  	[dreg:$0x3] =	wrdreg s2  }
0xb0: {  	[dreg:$0x4] =	wrdreg $0x82000  }
0xb1: {  	[dreg:$0x5] =	wrdreg $0x9  }
0xb2: {  	_ =	task.clear_ibuf [dreg:s7], $0x6FFFF;
	_ =	strace $0x90000049  }
0xb3: {  	s29 =	simm.s32 $0x9;
	_ =	strace $0x8000004B  }
0xb4: {  	_ =	swait.ge [sflag:s29], $0x1  }
0xb5: {  	[sflag:s29] =	ssyncadd.s32 $0xFFFFFFFF  }
0xb6: {  	_ =	strace $0x9000004B  }
0xb7: {  	_ =	sfence  }
0xb8: {  	s30 =	sld [smem:$0x0];
	_ =	sdelay $0x2  }
0xb9: {  	s31 =	sshll.u32 s1, $0xD;
	s1 =	sshrl.u32 s1, $0x2  }
0xba: {  	s3 =	sand.u32 $0x4000, s31;
	s1 =	sadd.s32 s1, s30  }
0xbb: {  	s0 =	sor.u32 s3, s0;
	s1 =	sshll.u32 s1, $0x11  }
0xbc: {  	s0 =	sor.u32 s1, s0  }
0xbd: {  	s0 =	sadd.s32 $0x8F2B, s0  }
0xbe: {  	[sflag:s0] =	ssyncadd.remote.s32 $0x1  }
0xbf: {  	_ =	sfence.sel $0xFFFF  }
0xc0: {  	[dreg:$0x0] =	wrdreg $0xFFFFFFFF;
	(pc) =	sbr.abs _section_cstart, $3  }
0xc1: {  	[dreg:$0x1] =	wrdreg $0xFFFFFFFF  }
0xc2: {  	_ =	task.clear_ibuf [dreg:s7], $0x2FFFF;
	_ =	strace $0x9FFFFFFF  }
0xc3: {  	(tm) =	ssettm $0x7FFFFFFF  }
tec
execute0_lowered:
.L_overlay_start_1:
0x0: {  	(tag) =	ssettag $0x1  }
0x1: {  	s7 =	rddreg [dreg:$0x0]  }
0x2: {  	s1 =	rddreg [dreg:$0x1]  }
0x3: {  	s2 =	rddreg [dreg:$0x2]  }
0x4: {  	s3 =	srdreg.scid;
	s0 =	rddreg [dreg:$0x3]  }
0x5: {  	s4 =	simm.s32 $0x0;
	s18 =	simm.s32 $0x200;
	s8 =	sand.u32 $0x1, s3  }
0x6: {  	s19 =	simm.s32 $0x1;
	s3 =	stileid.u32;
	s9 =	smul.u32 $0x140000, s8  }
0x7: {  	s20 =	simm.s32 $0x4;
	s21 =	simm.s32 $0x0;
	s10 =	smul.u32 $0x14000, s3  }
0x8: {  	[smem:$0x7FF] =	sst s4;
	s5 =	sadd.s32 $0xEE00, s7;
	s26 =	smul.u32 $0x50000, s3  }
0x9: {  	s13 =	sadd.s32 $0x5F600, s7;
	s6 =	sadd.s32 $0xC600, s7;
	s12 =	smul.u32 $0x4E80, s3  }
0xa: {  	_ =	strace $0x8000004A;
	s11 =	ssub.s32 $0x2, s8;
	s8 =	smul.u32 $0x4E800, s8  }
0xb: {  	s30 =	sshll.u32 s3, $0x6;
	s17 =	smul.u32 $0x9D0, s3;
	s28 =	sshrl.u32 s11, $0x1  }
0xc: {  	s9 =	sadd.s32 s10, s9;
	s11 =	ssub.s32 s11, s28;
	s29 =	sshrl.u32 s26, $0x2  }
0xd: {  	s16 =	sadd.s32 s12, s8;
	s31 =	sshrl.u32 s12, $0x3;
	s9 =	sshrl.u32 s9, $0x3  }
0xe: {  	s15 =	sadd.s32 s29, s2;
	s8 =	sshrl.u32 s16, $0x3;
	s11 =	smax.u32 s11, $0x1  }
0xf: {  	s12 =	sadd.s32 $0x80, s16;
	s16 =	simm.s32 $0x100;
	s14 =	sadd.s32 s9, s7  }
0x10: {  	s7 =	sor.u32 $0x1C03, s30;
	s8 =	sadd.s32 s1, s8;
	s9 =	sadd.s32 s13, s31  }
0x11: {  	s13 =	sadd.s32 s17, s13;
	s17 =	simm.s32 $0x80;
	s10 =	sadd.s32 $0x69400, s14  }
0x12: {  	s13 =	sadd.s32 $0x10, s13;
	s14 =	sshrl.u32 s15, $0x3;
	s15 =	simm.s32 $0x3  }
.LBB2_1:
0x13: {  	[spmem:s14], [sflag:s7] =	dma.local [hbm:s6], $0x2800  }
0x14: {  	_ =	swait.ge [sflag:s15], $0x2800  }
0x15: {  	[sflag:s15] =	ssyncset.done $0x0  }
0x16: {  	[sflag:s15] =	ssyncadd.s32 $0xFFFFD800  }
0x17: {  	[bflag:$0x0] =	sbarrier.arrive $0xFFFF  }
0x18: {  	[tilespmem:s4], [sflag:$0x3] =	stream.linear.gather [hbm4b:s8+s4], $0x80, $0x38;
	[tilespmem:$0x1C200] =	vst v63  }
0x19: {  	_ =	swait.ge [sflag:s15], $0x80  }
0x1a: {  	[sflag:s15] =	ssyncset.done $0x0  }
0x1b: {  	[sflag:s15] =	ssyncadd.s32 $0xFFFFFF80  }
0x1c: {  	[tilespmem:s16], [sflag:$0x3] =	stream.linear.gather [hbm4b:s9+s4], $0x80, $0x38;
	[tilespmem:$0x1C200] =	vst v63  }
0x1d: {  	s22 =	sand.u32 $0x1, s4;
	_ =	swait.ge [sflag:s15], $0x80  }
0x1e: {  	p0 =	seq.s32 s22, $0x1;
	[sflag:s15] =	ssyncset.done $0x0  }
0x1f: {  	s22 =	sshrl.u32 @p0 s12, $0x3;
	[sflag:s15] =	ssyncadd.s32 $0xFFFFFF80  }
0x20: {  	[tilespmem:s18], [sflag:$0x1] =	stream.indirect.gather [hbm4b:s5+s17], $0x80, s4, s17, $0xb8;
	[tilespmem:$0x1C200] =	vst v63  }
0x21: {  	s23 =	simm.s32 @p0 $0x0;
	s24 =	simm.s32 @p0 $0x4;
	s22 =	sadd.s32 @p0 s1, s22  }
0x22: {  	[tilespmem:s23], [sflag:$0x4] =	stream.linear.gather @p0 [hbm4b:s22+s23], $0x80, $0x38;
	[tilespmem:$0x1C200] =	vst v63  }
0x23: {  	_ =	swait.ge @p0 [sflag:s24], $0x80  }
0x24: {  	[sflag:s24] =	ssyncset.done @p0 $0x0  }
0x25: {  	s22 =	simm.s32 @p0 $0x100;
	[sflag:s24] =	ssyncadd.s32 @p0 $0xFFFFFF80  }
0x26: {  	[tilespmem:s22], [sflag:$0x4] =	stream.linear.gather @p0 [hbm4b:s13+s23], $0x80, $0x38;
	[tilespmem:$0x1C200] =	vst v63  }
0x27: {  	_ =	swait.ge @p0 [sflag:s24], $0x80  }
0x28: {  	s25 =	simm.s32 @p0 $0x200;
	[sflag:s24] =	ssyncset.done @p0 $0x0  }
0x29: {  	s22 =	simm.s32 @p0 $0x2;
	[sflag:s24] =	ssyncadd.s32 @p0 $0xFFFFFF80;
	s24 =	simm.s32 @p0 $0x80  }
0x2a: {  	[tilespmem:s25], [sflag:$0x1] =	stream.indirect.gather @p0 [hbm4b:s5+s24], $0x80, s23, s24, $0xb8;
	[tilespmem:$0x1C200] =	vst v63  }
0x2b: {  	_ =	swait.ge @p0 [sflag:s22], $0x4000  }
0x2c: {  	s26 =	simm.s32 @!p0 $0x80;
	s23 =	sshrl.u32 @!p0 s12, $0x3;
	[sflag:s22] =	ssyncset.done @p0 $0x0  }
0x2d: {  	s25 =	simm.s32 @p0 $0x4200;
	[sflag:s22] =	ssyncadd.s32 @p0 $0xFFFFC000;
	s22 =	simm.s32 @p0 $0x180  }
0x2e: {  	[spmem:s2] =	stream.indirect.scatter.add.f32 @p0 [tilespmem:s25], [sflag:$0x3], $0x80, s22, s24, $0xb8;
	[tilespmem:$0x1C200] =	vst v63  }
0x2f: {  	s23 =	sadd.s32 @!p0 s1, s23;
	s22 =	simm.s32 @!p0 $0x0;
	s25 =	simm.s32 @!p0 $0x4  }
0x30: {  	[tilespmem:s26], [sflag:$0x4] =	stream.linear.gather @!p0 [hbm4b:s23+s22], $0x80, $0x38;
	[tilespmem:$0x1C200] =	vst v63  }
0x31: {  	_ =	swait.ge @!p0 [sflag:s25], $0x80  }
0x32: {  	[sflag:s25] =	ssyncset.done @!p0 $0x0  }
0x33: {  	s23 =	simm.s32 @!p0 $0x180;
	[sflag:s25] =	ssyncadd.s32 @!p0 $0xFFFFFF80  }
0x34: {  	[tilespmem:s23], [sflag:$0x4] =	stream.linear.gather @!p0 [hbm4b:s13+s22], $0x80, $0x38;
	[tilespmem:$0x1C200] =	vst v63  }
0x35: {  	_ =	swait.ge @!p0 [sflag:s25], $0x80  }
0x36: {  	s31 =	simm.s32 $0x1;
	[sflag:s25] =	ssyncset.done @!p0 $0x0  }
0x37: {  	s28 =	simm.s32 @!p0 $0x1;
	s22 =	simm.s32 @!p0 $0x4200;
	[sflag:s25] =	ssyncadd.s32 @!p0 $0xFFFFFF80  }
0x38: {  	[tilespmem:s22], [sflag:$0x2] =	stream.indirect.gather @!p0 [hbm4b:s5+s26], $0x80, s26, s26, $0xb8;
	[tilespmem:$0x1C200] =	vst v63  }
0x39: {  	s29 =	simm.s32 @!p0 $0x200;
	s30 =	simm.s32 @!p0 $0x100;
	_ =	swait.ge @!p0 [sflag:s28], $0x4000  }
0x3a: {  	s24 =	simm.s32 $0x2;
	s23 =	sand.u32 $0x1, s31;
	[sflag:s28] =	ssyncset.done @!p0 $0x0  }
0x3b: {  	s25 =	simm.s32 @p0 $0x3;
	s22 =	sadd.s32 $0x10, s13;
	[sflag:s28] =	ssyncadd.s32 @!p0 $0xFFFFC000  }
0x3c: {  	[spmem:s2] =	stream.indirect.scatter.add.f32 @!p0 [tilespmem:s29], [sflag:$0x4], $0x80, s30, s26, $0xb8;
	[tilespmem:$0x1C200] =	vst v63  }
0x3d: {  	p0 =	seq.s32 s23, $0x1;
	s23 =	sadd.s32 $0x80, s12;
	_ =	swait.ge [sflag:s25], $0x4000  }
0x3e: {  	s26 =	sshrl.u32 @p0 s23, $0x3;
	s28 =	simm.s32 @p0 $0x0;
	[sflag:s25] =	ssyncset.done $0x0  }
.LBB2_2:
0x3f: {  	s29 =	sadd.s32 @p0 s1, s26  }
0x40: {  	s30 =	simm.s32 @p0 $0x4;
	[sflag:s25] =	ssyncadd.s32 $0xFFFFC000;
	s26 =	smov.u32 s24  }
0x41: {  	[tilespmem:s28], [sflag:$0x4] =	stream.linear.gather @p0 [hbm4b:s29+s28], $0x80, $0x38;
	[tilespmem:$0x1C200] =	vst v63  }
0x42: {  	s24 =	sadd.s32 $0x1, s24;
	s25 =	sshrl.u32 @!p0 s23, $0x3;
	_ =	swait.ge @p0 [sflag:s30], $0x80  }
0x43: {  	p1 =	sne.s32 s24, $0x9C;
	s29 =	sadd.s32 @!p0 s1, s25;
	[sflag:s30] =	ssyncset.done @p0 $0x0  }
0x44: {  	s25 =	simm.s32 @p0 $0x100;
	[sflag:s30] =	ssyncadd.s32 @p0 $0xFFFFFF80  }
0x45: {  	[tilespmem:s25], [sflag:$0x4] =	stream.linear.gather @p0 [hbm4b:s22+s28], $0x80, $0x38;
	[tilespmem:$0x1C200] =	vst v63  }
0x46: {  	_ =	swait.ge @p0 [sflag:s30], $0x80  }
0x47: {  	s25 =	simm.s32 @p0 $0x2;
	[sflag:s30] =	ssyncset.done @p0 $0x0  }
0x48: {  	s31 =	simm.s32 @p0 $0x200;
	[sflag:s30] =	ssyncadd.s32 @p0 $0xFFFFFF80;
	s30 =	simm.s32 @p0 $0x80  }
0x49: {  	[tilespmem:s31], [sflag:$0x1] =	stream.indirect.gather @p0 [hbm4b:s5+s30], $0x80, s28, s30, $0xb8;
	[tilespmem:$0x1C200] =	vst v63  }
0x4a: {  	_ =	swait.ge @p0 [sflag:s25], $0x4000  }
0x4b: {  	[sflag:s25] =	ssyncset.done @p0 $0x0  }
0x4c: {  	s28 =	simm.s32 @p0 $0x4200;
	[sflag:s25] =	ssyncadd.s32 @p0 $0xFFFFC000;
	s25 =	simm.s32 @p0 $0x180  }
0x4d: {  	[spmem:s2] =	stream.indirect.scatter.add.f32 @p0 [tilespmem:s28], [sflag:$0x3], $0x80, s25, s30, $0xb8;
	[tilespmem:$0x1C200] =	vst v63  }
0x4e: {  	s28 =	simm.s32 @!p0 $0x0;
	s30 =	simm.s32 @!p0 $0x80;
	s25 =	simm.s32 @!p0 $0x4  }
0x4f: {  	[tilespmem:s30], [sflag:$0x4] =	stream.linear.gather @!p0 [hbm4b:s29+s28], $0x80, $0x38;
	[tilespmem:$0x1C200] =	vst v63  }
0x50: {  	_ =	swait.ge @!p0 [sflag:s25], $0x80  }
0x51: {  	[sflag:s25] =	ssyncset.done @!p0 $0x0  }
0x52: {  	s29 =	simm.s32 @!p0 $0x180;
	[sflag:s25] =	ssyncadd.s32 @!p0 $0xFFFFFF80  }
0x53: {  	[tilespmem:s29], [sflag:$0x4] =	stream.linear.gather @!p0 [hbm4b:s22+s28], $0x80, $0x38;
	[tilespmem:$0x1C200] =	vst v63  }
0x54: {  	_ =	swait.ge @!p0 [sflag:s25], $0x80  }
0x55: {  	[sflag:s25] =	ssyncset.done @!p0 $0x0  }
0x56: {  	s28 =	simm.s32 @!p0 $0x4200;
	s29 =	simm.s32 @!p0 $0x1;
	[sflag:s25] =	ssyncadd.s32 @!p0 $0xFFFFFF80  }
0x57: {  	[tilespmem:s28], [sflag:$0x2] =	stream.indirect.gather @!p0 [hbm4b:s5+s30], $0x80, s30, s30, $0xb8;
	[tilespmem:$0x1C200] =	vst v63  }
0x58: {  	s22 =	sadd.s32 $0x10, s22;
	s28 =	simm.s32 @!p0 $0x200;
	_ =	swait.ge @!p0 [sflag:s29], $0x4000  }
.Ltmp0:
0x59: {  	s31 =	simm.s32 @!p0 $0x100;
	[sflag:s29] =	ssyncset.done @!p0 $0x0;
	(pc) =	sbr.rel @p1 .LBB2_2-.Ltmp0, $4  }
0x5a: {  	s26 =	sand.u32 $0x1, s26;
	s25 =	simm.s32 @p0 $0x3;
	[sflag:s29] =	ssyncadd.s32 @!p0 $0xFFFFC000  }
0x5b: {  	[spmem:s2] =	stream.indirect.scatter.add.f32 @!p0 [tilespmem:s28], [sflag:$0x4], $0x80, s31, s30, $0xb8;
	[tilespmem:$0x1C200] =	vst v63  }
0x5c: {  	s23 =	sadd.s32 $0x80, s23;
	p0 =	seq.s32 s26, $0x1;
	_ =	swait.ge [sflag:s25], $0x4000  }
0x5d: {  	s26 =	sshrl.u32 @p0 s23, $0x3;
	s28 =	simm.s32 @p0 $0x0;
	[sflag:s25] =	ssyncset.done $0x0  }
0x5e: {  	s24 =	sadd.s32 @p0 s1, s26;
	s26 =	simm.s32 @p0 $0x4;
	[sflag:s25] =	ssyncadd.s32 $0xFFFFC000  }
0x5f: {  	[tilespmem:s28], [sflag:$0x4] =	stream.linear.gather @p0 [hbm4b:s24+s28], $0x80, $0x38;
	[tilespmem:$0x1C200] =	vst v63  }
0x60: {  	_ =	swait.ge @p0 [sflag:s26], $0x80  }
0x61: {  	[sflag:s26] =	ssyncset.done @p0 $0x0  }
0x62: {  	s24 =	simm.s32 @p0 $0x100;
	[sflag:s26] =	ssyncadd.s32 @p0 $0xFFFFFF80  }
0x63: {  	[tilespmem:s24], [sflag:$0x4] =	stream.linear.gather @p0 [hbm4b:s22+s28], $0x80, $0x38;
	[tilespmem:$0x1C200] =	vst v63  }
0x64: {  	_ =	swait.ge @p0 [sflag:s26], $0x80  }
0x65: {  	s25 =	simm.s32 @p0 $0x80;
	[sflag:s26] =	ssyncset.done @p0 $0x0  }
0x66: {  	s24 =	simm.s32 @p0 $0x2;
	[sflag:s26] =	ssyncadd.s32 @p0 $0xFFFFFF80;
	s26 =	simm.s32 @p0 $0x200  }
0x67: {  	[tilespmem:s26], [sflag:$0x1] =	stream.indirect.gather @p0 [hbm4b:s5+s25], $0x80, s28, s25, $0xb8;
	[tilespmem:$0x1C200] =	vst v63  }
0x68: {  	s23 =	sshrl.u32 @!p0 s23, $0x3;
	_ =	swait.ge @p0 [sflag:s24], $0x4000  }
0x69: {  	s23 =	sadd.s32 @!p0 s1, s23;
	[sflag:s24] =	ssyncset.done @p0 $0x0  }
0x6a: {  	s26 =	simm.s32 @p0 $0x4200;
	[sflag:s24] =	ssyncadd.s32 @p0 $0xFFFFC000;
	s24 =	simm.s32 @p0 $0x180  }
0x6b: {  	[spmem:s2] =	stream.indirect.scatter.add.f32 @p0 [tilespmem:s26], [sflag:$0x3], $0x80, s24, s25, $0xb8;
	[tilespmem:$0x1C200] =	vst v63  }
0x6c: {  	s24 =	simm.s32 @!p0 $0x0;
	s25 =	simm.s32 @!p0 $0x80;
	s26 =	simm.s32 @!p0 $0x4  }
0x6d: {  	[tilespmem:s25], [sflag:$0x4] =	stream.linear.gather @!p0 [hbm4b:s23+s24], $0x80, $0x38;
	[tilespmem:$0x1C200] =	vst v63  }
0x6e: {  	_ =	swait.ge @!p0 [sflag:s26], $0x80  }
0x6f: {  	[sflag:s26] =	ssyncset.done @!p0 $0x0  }
0x70: {  	s23 =	simm.s32 @!p0 $0x180;
	[sflag:s26] =	ssyncadd.s32 @!p0 $0xFFFFFF80  }
0x71: {  	[tilespmem:s23], [sflag:$0x4] =	stream.linear.gather @!p0 [hbm4b:s22+s24], $0x80, $0x38;
	[tilespmem:$0x1C200] =	vst v63  }
0x72: {  	_ =	swait.ge @!p0 [sflag:s26], $0x80  }
0x73: {  	[sflag:s26] =	ssyncset.done @!p0 $0x0  }
0x74: {  	s22 =	simm.s32 @!p0 $0x4200;
	s23 =	simm.s32 @!p0 $0x1;
	[sflag:s26] =	ssyncadd.s32 @!p0 $0xFFFFFF80  }
0x75: {  	[tilespmem:s22], [sflag:$0x2] =	stream.indirect.gather @!p0 [hbm4b:s5+s25], $0x80, s25, s25, $0xb8;
	[tilespmem:$0x1C200] =	vst v63  }
0x76: {  	_ =	swait.ge @!p0 [sflag:s23], $0x4000  }
0x77: {  	s24 =	simm.s32 @!p0 $0x100;
	[sflag:s23] =	ssyncset.done @!p0 $0x0  }
0x78: {  	s26 =	simm.s32 @p0 $0x3;
	s22 =	simm.s32 @!p0 $0x200;
	[sflag:s23] =	ssyncadd.s32 @!p0 $0xFFFFC000  }
0x79: {  	[spmem:s2] =	stream.indirect.scatter.add.f32 @!p0 [tilespmem:s22], [sflag:$0x4], $0x80, s24, s25, $0xb8;
	[tilespmem:$0x1C200] =	vst v63  }
0x7a: {  	_ =	swait.ge [sflag:s26], $0x4000  }
0x7b: {  	[sflag:s26] =	ssyncset.done $0x0  }
0x7c: {  	[sflag:s26] =	ssyncadd.s32 $0xFFFFC000  }
0x7d: {  	_ =	swait.ge [sflag:s19], $0x4000  }
0x7e: {  	[sflag:s19] =	ssyncset.done $0x0  }
0x7f: {  	[sflag:s19] =	ssyncadd.s32 $0xFFFFC000  }
0x80: {  	[spmem:s2] =	stream.indirect.scatter.add.f32 [tilespmem:s18], [sflag:$0x4], $0x80, s16, s17, $0xb8;
	[tilespmem:$0x1C200] =	vst v63  }
0x81: {  	_ =	swait.ge [sflag:s20], $0x4000  }
0x82: {  	s21 =	sadd.s32 $0x1, s21;
	[sflag:s20] =	ssyncset.done $0x0  }
0x83: {  	p0 =	sne.s32 s21, s11;
	[sflag:s20] =	ssyncadd.s32 $0xFFFFC000  }
.Ltmp1:
0x84: {  	[bflag:$0x0] =	sbarrier.arrive $0xFFFF;
	(pc) =	sbr.rel @p0 .LBB2_1-.Ltmp1, $4  }
0x85: {  	[hbm:s10], [sflag:s7] =	dma.local [spmem:s14], $0x2800  }
0x86: {  	_ =	swait.ge [sflag:s15], $0x2800  }
0x87: {  	[sflag:s15] =	ssyncset.done $0x0  }
0x88: {  	[sflag:s15] =	ssyncadd.s32 $0xFFFFD800  }
0x89: {  	_ =	sfence.sel $0x180000  }
0x8a: {  	[bflag:$0x0] =	sbarrier.arrive $0xFFFF  }
0x8b: {  	p0 =	sne.s32 s3, $0x0;
	_ =	strace $0x9000004A  }
0x8c: {  	s0 =	sadd.s32 @!p0 $0x100000, s0;
	[bflag:$0x2] =	sbarrier.arrive $0xFFFF  }
0x8d: {  	[sflag:s0] =	ssyncadd.tile.s32 @!p0 $0x1;
	_ =	shalt  }
.Lfunc_end2:
_tile_overlayer_lowered:
.L_overlay_start_2:
0x8e: {  	(tag) =	ssettag $0x2  }
0x8f: {  	s0 =	rddreg [dreg:$0x0];
	s2 =	stileid.u32  }
0x90: {  	s1 =	rddreg [dreg:$0x1];
	p0 =	sne.s32 s2, $0x0  }
0x91: {  	s3 =	rddreg [dreg:$0x2];
	[bflag:$0x3] =	sbarrier.arrive $0xFFFF;
	s2 =	simm.s32 @!p0 $0x1C03  }
0x92: {  	[timem:s3], [sflag:s2] =	dma.local @!p0 [hbm:s0], s1  }
0x93: {  	s0 =	simm.s32 @!p0 $0x3  }
0x94: {  	_ =	swait.ge @!p0 [sflag:s0], s1  }
0x95: {  	s1 =	ssub.s32 @!p0 $0x0, s1;
	[sflag:s0] =	ssyncset.done @!p0 $0x0  }
0x96: {  	[sflag:s0] =	ssyncadd.s32 @!p0 s1  }
0x97: {  	[bflag:$0x3] =	sbarrier.arrive $0xFFFF  }
0x98: {  	_ =	shalt  }

// kernel: kernel.16.cloned.1.call-start
scs
__scs_entry_jumppad:
0x0: {  	(pc) =	sbr.rel $0x88, $3  }
0x1: {  	(tag) =	ssettag $0x0;
	lr =	simm.s32 $0x1  }
0x2: {  	[smem:$0x3F99] =	sst lr;
	_ =	strace $0xD0000000  }
0x3: {  	_ = 	snop  }
0x4: {  	_ = 	snop  }
0x5: {  	_ = 	snop  }
0x6: {  	_ = 	snop  }
0x7: {  	_ = 	snop  }
__scs_overlays_trampoline_lowered:
0x8: {  	[smem:$0x3FA8] =	sst s0  }
0x9: {  	[smem:$0x3FA9] =	sst s1  }
0xa: {  	[smem:$0x3FAA] =	sst s2  }
0xb: {  	[smem:$0x3FAB] =	sst s3  }
0xc: {  	[smem:$0x3FAC] =	sst s4  }
0xd: {  	[smem:$0x3FAD] =	sst s5  }
0xe: {  	[smem:$0x3FAE] =	sst s6  }
0xf: {  	[smem:$0x3FAF] =	sst s7  }
0x10: {  	[smem:$0x3FB0] =	sst s8  }
0x11: {  	[smem:$0x3FB1] =	sst s9;
	s0 =	simm.s32 @!p0 $0x0  }
0x12: {  	s1 =	sld [smem:$0x3F97];
	s0 =	simm.s32 @p0 $0x1  }
0x13: {  	[smem:$0x3FB2] =	sst s0;
	s0 =	simm.s32 @!p1 $0x0  }
0x14: {  	s2 =	sld [smem:$0x3F96];
	s0 =	simm.s32 @p1 $0x1  }
0x15: {  	[smem:$0x3FB3] =	sst s0;
	s0 =	simm.s32 @!p2 $0x0  }
0x16: {  	s3 =	sld [smem:$0x3FDB];
	s0 =	simm.s32 @p2 $0x1  }
0x17: {  	s4 =	simm.s32 $0x1BF5;
	[smem:$0x3FB5] =	sst s0  }
0x18: {  	s0 =	sld [smem:$0x3F98];
	_ =	swait.ge [sflag:s4], $0x0  }
0x19: {  	s7 =	sld [smem:$0x3F99]  }
0x1a: {  	s8 =	sadd.s32 $0xFFFFE003, lr  }
0x1b: {  	s9 =	sadd.s32 $0xFFFFFEF7, lr;
	s5 =	simm.s32 $0xFFFFFFFF;
	p2 =	slt.u32 s8, $0xFFFFF086  }
0x1c: {  	p1 =	slt.u32 s9, $0xF7A;
	s5 =	simm.s32 @!p2 $0x0  }
0x1d: {  	s5 =	simm.s32 @p1 $0x1;
	p0 =	seq.s32 s7, s2  }
0x1e: {  	s7 =	smul.u32 @!p0 $0xF7A, s2;
	p2 =	seq.s32 @!p0 s5, $0x0  }
0x1f: {  	s9 =	smul.u32 $0xF7A, s1;
	s8 =	simm.s32 @!p0 $0x1BF5;
	p2 =	por !p2, p0  }
0x20: {  	[sflag:s8] =	ssyncset.s32 @!p0 $0xFFFFF086;
	s6 =	sadd.s32 @!p0 s3, s7;
	s7 =	simm.s32 @!p0 $0x108  }
0x21: {  	s3 =	sadd.s32 s3, s9;
	s6 =	sadd.s32 @!p0 $0x88, s6;
	s7 =	simm.s32 @p2 $0x1082  }
0x22: {  	[simem:s7], [sflag:s8] =	dma.local @!p0 [hbm:s6], $0xF7A  }
0x23: {  	s9 =	sor.u32 $0xD0000000, s2;
	s6 =	simm.s32 $0x108;
	_ =	swait.ge @!p0 [sflag:s8], $0x0  }
0x24: {  	s3 =	sadd.s32 $0x88, s3;
	s6 =	simm.s32 @!p1 $0x1082;
	[sflag:s4] =	ssyncset.s32 $0xFFFFF086  }
0x25: {  	[simem:s6], [sflag:s4] =	dma.local [hbm:s3], $0xF7A  }
0x26: {  	[smem:$0x3F99] =	sst s1;
	(tag) =	ssettag s2;
	_ =	strace s9  }
0x27: {  	s1 =	sld [smem:$0x3FA9]  }
0x28: {  	s2 =	sld [smem:$0x3FAA]  }
0x29: {  	s4 =	sld [smem:$0x3FAC]  }
0x2a: {  	p0 =	seq.s32 s5, $0x0;
	s5 =	sld [smem:$0x3FAD]  }
0x2b: {  	s6 =	sld [smem:$0x3FAE]  }
0x2c: {  	s7 =	sld [smem:$0x3FAF]  }
0x2d: {  	s3 =	simm.s32 $0x108;
	s8 =	sld [smem:$0x3FB0]  }
0x2e: {  	s3 =	simm.s32 @!p0 $0x1082;
	s9 =	sld [smem:$0x3FB1]  }
0x2f: {  	lr =	sadd.s32 s0, s3;
	s0 =	sld [smem:$0x3FA8]  }
0x30: {  	s3 =	sld [smem:$0x3FAB]  }
0x31: {  	[smem:$0x3FB4] =	sst s10  }
0x32: {  	s10 =	sld [smem:$0x3FB2];
	_ =	sdelay $0x3  }
0x33: {  	p0 =	seq.s32 s10, $0x1;
	s10 =	sld [smem:$0x3FB4];
	_ =	sdelay $0x3  }
0x34: {  	[smem:$0x3FB4] =	sst s10  }
0x35: {  	s10 =	sld [smem:$0x3FB3];
	_ =	sdelay $0x3  }
0x36: {  	p1 =	seq.s32 s10, $0x1;
	s10 =	sld [smem:$0x3FB4];
	_ =	sdelay $0x3  }
0x37: {  	[smem:$0x3FB4] =	sst s10  }
0x38: {  	s10 =	sld [smem:$0x3FB5]  }
0x39: {  	_ = 	snop;
	(pc) =	sbr.ind lr, $3  }
0x3a: {  	_ = 	snop  }
0x3b: {  	_ = 	snop  }
0x3c: {  	p2 =	seq.s32 s10, $0x1;
	s10 =	sld [smem:$0x3FB4]  }
0x3d: {  	_ =	shalt  }
0x3e: {  	_ =	shalt  }
0x3f: {  	_ =	shalt  }
0x40: {  	_ =	shalt  }
0x41: {  	_ =	shalt  }
0x42: {  	_ =	shalt  }
0x43: {  	_ =	shalt  }
0x44: {  	_ =	shalt  }
0x45: {  	_ =	shalt  }
0x46: {  	_ =	shalt  }
0x47: {  	_ =	shalt  }
0x48: {  	_ =	shalt  }
0x49: {  	_ =	shalt  }
0x4a: {  	_ =	shalt  }
0x4b: {  	_ =	shalt  }
0x4c: {  	_ =	shalt  }
0x4d: {  	_ =	shalt  }
0x4e: {  	_ =	shalt  }
0x4f: {  	_ =	shalt  }
0x50: {  	_ =	shalt  }
0x51: {  	_ =	shalt  }
0x52: {  	_ =	shalt  }
0x53: {  	_ =	shalt  }
0x54: {  	_ =	shalt  }
0x55: {  	_ =	shalt  }
0x56: {  	_ =	shalt  }
0x57: {  	_ =	shalt  }
0x58: {  	_ =	shalt  }
0x59: {  	_ =	shalt  }
0x5a: {  	_ =	shalt  }
0x5b: {  	_ =	shalt  }
0x5c: {  	_ =	shalt  }
0x5d: {  	_ =	shalt  }
0x5e: {  	_ =	shalt  }
0x5f: {  	_ =	shalt  }
0x60: {  	_ =	shalt  }
0x61: {  	_ =	shalt  }
0x62: {  	_ =	shalt  }
0x63: {  	_ =	shalt  }
0x64: {  	_ =	shalt  }
0x65: {  	_ =	shalt  }
0x66: {  	_ =	shalt  }
0x67: {  	_ =	shalt  }
0x68: {  	_ =	shalt  }
0x69: {  	_ =	shalt  }
0x6a: {  	_ =	shalt  }
0x6b: {  	_ =	shalt  }
0x6c: {  	_ =	shalt  }
0x6d: {  	_ =	shalt  }
0x6e: {  	_ =	shalt  }
0x6f: {  	_ =	shalt  }
0x70: {  	_ =	shalt  }
0x71: {  	_ =	shalt  }
0x72: {  	_ =	shalt  }
0x73: {  	_ =	shalt  }
0x74: {  	_ =	shalt  }
0x75: {  	_ =	shalt  }
0x76: {  	_ =	shalt  }
0x77: {  	_ =	shalt  }
0x78: {  	_ =	shalt  }
0x79: {  	_ =	shalt  }
0x7a: {  	_ =	shalt  }
0x7b: {  	_ =	shalt  }
0x7c: {  	_ =	shalt  }
0x7d: {  	_ =	shalt  }
0x7e: {  	_ =	shalt  }
0x7f: {  	_ =	shalt  }
0x80: {  	_ =	shalt  }
0x81: {  	_ =	shalt  }
0x82: {  	_ =	shalt  }
0x83: {  	_ =	shalt  }
0x84: {  	_ =	shalt  }
0x85: {  	_ =	shalt  }
0x86: {  	_ =	shalt  }
0x87: {  	_ =	shalt  }
.Lfunc_end0:
.L_simem_size_0:
called_computation.2_lowered:
.L_overlay_start_0:
0x88: {  	s2 =	sld [smem:$0x3FD9]  }
0x89: {  	s3 =	sld [smem:$0x3FFE];
	_ =	sdelay $0x1  }
0x8a: {  	s1 =	srdreg.scid  }
0x8b: {  	s0 =	sand.u32 $0x1, s1  }
0x8c: {  	s17 =	sshll.u32 s0, $0xA;
	s2 =	sadd.s32 s3, s2  }
0x8d: {  	s2 =	sadd.s32 s2, s17  }
0x8e: {  	[smem:$0x3FC0] =	sst s2  }
0x8f: {  	_ = 	snop  }
0x90: {  	s2 =	sld [smem:$0x3FD0];
	(tm) =	ssettm $0x1  }
0x91: {  	s18 =	sld [smem:$0x3FFB];
	_ =	sdelay $0x3  }
0x92: {  	_ =	strace s18  }
0x93: {  	s3 =	sld [smem:$0x3FFC];
	_ =	sdelay $0x3  }
0x94: {  	_ =	strace s3  }
0x95: {  	s3 =	sld [smem:$0x3FFD];
	_ =	sdelay $0x3  }
0x96: {  	_ =	strace s3  }
0x97: {  	_ =	strace $0x8FFFFFFF  }
0x98: {  	s19 =	sld [smem:$0x3FDB];
	_ =	sdelay $0x1  }
0x99: {  	s4 =	simm.s32 $_scs_section_size  }
0x9a: {  	s5 =	simm.s32 $_size__tile_overlayer_lowered;
	s6 =	simm.s32 $_tile_overlayer_lowered  }
0x9b: {  	s22 =	simm.s32 $0x1BFF;
	s21 =	sshll.u32 s6, $0x1;
	s3 =	sadd.s32 s4, s19  }
0x9c: {  	s7 =	simm.s32 $0x0;
	s20 =	sshll.u32 s5, $0x1;
	s5 =	sadd.s32 s21, s3  }
0x9d: {  	[timem:s7], [sflag:s22] =	dma.local [hbm:s5], s20  }
0x9e: {  	_ =	swait.ge [sflag:s22], s20  }
0x9f: {  	s4 =	ssub.s32 $0x0, s20;
	[sflag:s22] =	ssyncset.done $0x0  }
0xa0: {  	[sflag:s22] =	ssyncadd.s32 s4;
	_ =	sdelay $0x1  }
0xa1: {  	s23 =	simm.s32 $0x1B8B  }
0xa2: {  	_ =	swait.ge [sflag:s23], $0x1  }
0xa3: {  	[sflag:s23] =	ssyncset.done $0x0  }
0xa4: {  	s25 =	simm.s32 $0x1B8E;
	s24 =	sld [smem:$0x3FFE];
	[sflag:s23] =	ssyncadd.s32 $0xFFFFFFFF  }
0xa5: {  	s26 =	simm.s32 $execute0_lowered;
	[smem:$0x3FD2] =	sst s25  }
0xa6: {  	s5 =	sshll.u32 s26, $0x1;
	_ =	strace $0x8000004C;
	[dreg:$0x1] =	wrdreg $0xFFFFFFFF  }
0xa7: {  	s28 =	simm.s32 $_size_execute0_lowered;
	s3 =	sadd.s32 s3, s5;
	[dreg:$0x0] =	wrdreg $0x0  }
0xa8: {  	s5 =	sshll.u32 s28, $0x1;
	[dreg:$0x2] =	wrdreg s3  }
0xa9: {  	[dreg:$0x3] =	wrdreg s5  }
0xaa: {  	[dreg:$0x4] =	wrdreg $0xC0  }
0xab: {  	_ =	task [dreg:s7], $0x5FFFF  }
0xac: {  	[dreg:$0x1] =	wrdreg $0xFFFFFFFF  }
0xad: {  	[dreg:$0x0] =	wrdreg $0x60  }
0xae: {  	[dreg:$0x2] =	wrdreg s24  }
0xaf: {  	[dreg:$0x3] =	wrdreg s2  }
0xb0: {  	[dreg:$0x4] =	wrdreg $0x82000  }
0xb1: {  	[dreg:$0x5] =	wrdreg $0x9  }
0xb2: {  	_ =	task.clear_ibuf [dreg:s7], $0x6FFFF;
	_ =	strace $0x9000004C  }
0xb3: {  	s29 =	simm.s32 $0x9;
	_ =	strace $0x8000004E  }
0xb4: {  	_ =	swait.ge [sflag:s29], $0x1  }
0xb5: {  	[sflag:s29] =	ssyncadd.s32 $0xFFFFFFFF  }
0xb6: {  	_ =	strace $0x9000004E  }
0xb7: {  	_ =	sfence  }
0xb8: {  	s30 =	sld [smem:$0x0];
	_ =	sdelay $0x2  }
0xb9: {  	s31 =	sshll.u32 s1, $0xD;
	s1 =	sshrl.u32 s1, $0x2  }
0xba: {  	s3 =	sand.u32 $0x4000, s31;
	s1 =	sadd.s32 s1, s30  }
0xbb: {  	s0 =	sor.u32 s3, s0;
	s1 =	sshll.u32 s1, $0x11  }
0xbc: {  	s0 =	sor.u32 s1, s0  }
0xbd: {  	s0 =	sadd.s32 $0x8F2B, s0  }
0xbe: {  	[sflag:s0] =	ssyncadd.remote.s32 $0x1  }
0xbf: {  	_ =	sfence.sel $0xFFFF  }
0xc0: {  	[dreg:$0x0] =	wrdreg $0xFFFFFFFF;
	(pc) =	sbr.abs _section_cstart, $3  }
0xc1: {  	[dreg:$0x1] =	wrdreg $0xFFFFFFFF  }
0xc2: {  	_ =	task.clear_ibuf [dreg:s7], $0x2FFFF;
	_ =	strace $0x9FFFFFFF  }
0xc3: {  	(tm) =	ssettm $0x7FFFFFFF  }
tec
execute0_lowered:
.L_overlay_start_1:
0x0: {  	(tag) =	ssettag $0x1  }
0x1: {  	s7 =	rddreg [dreg:$0x0]  }
0x2: {  	s1 =	rddreg [dreg:$0x1]  }
0x3: {  	s2 =	rddreg [dreg:$0x2]  }
0x4: {  	s3 =	srdreg.scid;
	s0 =	rddreg [dreg:$0x3]  }
0x5: {  	s4 =	simm.s32 $0x0;
	s18 =	simm.s32 $0x200;
	s8 =	sand.u32 $0x1, s3  }
0x6: {  	s19 =	simm.s32 $0x1;
	s3 =	stileid.u32;
	s9 =	smul.u32 $0x140000, s8  }
0x7: {  	s20 =	simm.s32 $0x4;
	s21 =	simm.s32 $0x0;
	s10 =	smul.u32 $0x14000, s3  }
0x8: {  	[smem:$0x7FF] =	sst s4;
	s5 =	sadd.s32 $0xEE00, s7;
	s26 =	smul.u32 $0x50000, s3  }
0x9: {  	s13 =	sadd.s32 $0x5F600, s7;
	s6 =	sadd.s32 $0xC600, s7;
	s12 =	smul.u32 $0x4E80, s3  }
0xa: {  	_ =	strace $0x8000004D;
	s11 =	ssub.s32 $0x2, s8;
	s8 =	smul.u32 $0x4E800, s8  }
0xb: {  	s30 =	sshll.u32 s3, $0x6;
	s17 =	smul.u32 $0x9D0, s3;
	s28 =	sshrl.u32 s11, $0x1  }
0xc: {  	s9 =	sadd.s32 s10, s9;
	s11 =	ssub.s32 s11, s28;
	s29 =	sshrl.u32 s26, $0x2  }
0xd: {  	s16 =	sadd.s32 s12, s8;
	s31 =	sshrl.u32 s12, $0x3;
	s9 =	sshrl.u32 s9, $0x3  }
0xe: {  	s15 =	sadd.s32 s29, s2;
	s8 =	sshrl.u32 s16, $0x3;
	s11 =	smax.u32 s11, $0x1  }
0xf: {  	s12 =	sadd.s32 $0x80, s16;
	s16 =	simm.s32 $0x100;
	s14 =	sadd.s32 s9, s7  }
0x10: {  	s7 =	sor.u32 $0x1C03, s30;
	s8 =	sadd.s32 s1, s8;
	s9 =	sadd.s32 s13, s31  }
0x11: {  	s13 =	sadd.s32 s17, s13;
	s17 =	simm.s32 $0x80;
	s10 =	sadd.s32 $0x69400, s14  }
0x12: {  	s13 =	sadd.s32 $0x10, s13;
	s14 =	sshrl.u32 s15, $0x3;
	s15 =	simm.s32 $0x3  }
.LBB2_1:
0x13: {  	[spmem:s14], [sflag:s7] =	dma.local [hbm:s6], $0x2800  }
0x14: {  	_ =	swait.ge [sflag:s15], $0x2800  }
0x15: {  	[sflag:s15] =	ssyncset.done $0x0  }
0x16: {  	[sflag:s15] =	ssyncadd.s32 $0xFFFFD800  }
0x17: {  	[bflag:$0x0] =	sbarrier.arrive $0xFFFF  }
0x18: {  	[tilespmem:s4], [sflag:$0x3] =	stream.linear.gather [hbm4b:s8+s4], $0x80, $0x38;
	[tilespmem:$0x1C200] =	vst v63  }
0x19: {  	_ =	swait.ge [sflag:s15], $0x80  }
0x1a: {  	[sflag:s15] =	ssyncset.done $0x0  }
0x1b: {  	[sflag:s15] =	ssyncadd.s32 $0xFFFFFF80  }
0x1c: {  	[tilespmem:s16], [sflag:$0x3] =	stream.linear.gather [hbm4b:s9+s4], $0x80, $0x38;
	[tilespmem:$0x1C200] =	vst v63  }
0x1d: {  	s22 =	sand.u32 $0x1, s4;
	_ =	swait.ge [sflag:s15], $0x80  }
0x1e: {  	p0 =	seq.s32 s22, $0x1;
	[sflag:s15] =	ssyncset.done $0x0  }
0x1f: {  	s22 =	sshrl.u32 @p0 s12, $0x3;
	[sflag:s15] =	ssyncadd.s32 $0xFFFFFF80  }
0x20: {  	[tilespmem:s18], [sflag:$0x1] =	stream.indirect.gather [hbm4b:s5+s17], $0x80, s4, s17, $0xb8;
	[tilespmem:$0x1C200] =	vst v63  }
0x21: {  	s23 =	simm.s32 @p0 $0x0;
	s24 =	simm.s32 @p0 $0x4;
	s22 =	sadd.s32 @p0 s1, s22  }
0x22: {  	[tilespmem:s23], [sflag:$0x4] =	stream.linear.gather @p0 [hbm4b:s22+s23], $0x80, $0x38;
	[tilespmem:$0x1C200] =	vst v63  }
0x23: {  	_ =	swait.ge @p0 [sflag:s24], $0x80  }
0x24: {  	[sflag:s24] =	ssyncset.done @p0 $0x0  }
0x25: {  	s22 =	simm.s32 @p0 $0x100;
	[sflag:s24] =	ssyncadd.s32 @p0 $0xFFFFFF80  }
0x26: {  	[tilespmem:s22], [sflag:$0x4] =	stream.linear.gather @p0 [hbm4b:s13+s23], $0x80, $0x38;
	[tilespmem:$0x1C200] =	vst v63  }
0x27: {  	_ =	swait.ge @p0 [sflag:s24], $0x80  }
0x28: {  	s25 =	simm.s32 @p0 $0x200;
	[sflag:s24] =	ssyncset.done @p0 $0x0  }
0x29: {  	s22 =	simm.s32 @p0 $0x2;
	[sflag:s24] =	ssyncadd.s32 @p0 $0xFFFFFF80;
	s24 =	simm.s32 @p0 $0x80  }
0x2a: {  	[tilespmem:s25], [sflag:$0x1] =	stream.indirect.gather @p0 [hbm4b:s5+s24], $0x80, s23, s24, $0xb8;
	[tilespmem:$0x1C200] =	vst v63  }
0x2b: {  	_ =	swait.ge @p0 [sflag:s22], $0x4000  }
0x2c: {  	s26 =	simm.s32 @!p0 $0x80;
	s23 =	sshrl.u32 @!p0 s12, $0x3;
	[sflag:s22] =	ssyncset.done @p0 $0x0  }
0x2d: {  	s25 =	simm.s32 @p0 $0x4200;
	[sflag:s22] =	ssyncadd.s32 @p0 $0xFFFFC000;
	s22 =	simm.s32 @p0 $0x180  }
0x2e: {  	[spmem:s2] =	stream.indirect.scatter.add.f32 @p0 [tilespmem:s25], [sflag:$0x3], $0x80, s22, s24, $0xb8;
	[tilespmem:$0x1C200] =	vst v63  }
0x2f: {  	s23 =	sadd.s32 @!p0 s1, s23;
	s22 =	simm.s32 @!p0 $0x0;
	s25 =	simm.s32 @!p0 $0x4  }
0x30: {  	[tilespmem:s26], [sflag:$0x4] =	stream.linear.gather @!p0 [hbm4b:s23+s22], $0x80, $0x38;
	[tilespmem:$0x1C200] =	vst v63  }
0x31: {  	_ =	swait.ge @!p0 [sflag:s25], $0x80  }
0x32: {  	[sflag:s25] =	ssyncset.done @!p0 $0x0  }
0x33: {  	s23 =	simm.s32 @!p0 $0x180;
	[sflag:s25] =	ssyncadd.s32 @!p0 $0xFFFFFF80  }
0x34: {  	[tilespmem:s23], [sflag:$0x4] =	stream.linear.gather @!p0 [hbm4b:s13+s22], $0x80, $0x38;
	[tilespmem:$0x1C200] =	vst v63  }
0x35: {  	_ =	swait.ge @!p0 [sflag:s25], $0x80  }
0x36: {  	s31 =	simm.s32 $0x1;
	[sflag:s25] =	ssyncset.done @!p0 $0x0  }
0x37: {  	s28 =	simm.s32 @!p0 $0x1;
	s22 =	simm.s32 @!p0 $0x4200;
	[sflag:s25] =	ssyncadd.s32 @!p0 $0xFFFFFF80  }
0x38: {  	[tilespmem:s22], [sflag:$0x2] =	stream.indirect.gather @!p0 [hbm4b:s5+s26], $0x80, s26, s26, $0xb8;
	[tilespmem:$0x1C200] =	vst v63  }
0x39: {  	s29 =	simm.s32 @!p0 $0x200;
	s30 =	simm.s32 @!p0 $0x100;
	_ =	swait.ge @!p0 [sflag:s28], $0x4000  }
0x3a: {  	s24 =	simm.s32 $0x2;
	s23 =	sand.u32 $0x1, s31;
	[sflag:s28] =	ssyncset.done @!p0 $0x0  }
0x3b: {  	s25 =	simm.s32 @p0 $0x3;
	s22 =	sadd.s32 $0x10, s13;
	[sflag:s28] =	ssyncadd.s32 @!p0 $0xFFFFC000  }
0x3c: {  	[spmem:s2] =	stream.indirect.scatter.add.f32 @!p0 [tilespmem:s29], [sflag:$0x4], $0x80, s30, s26, $0xb8;
	[tilespmem:$0x1C200] =	vst v63  }
0x3d: {  	p0 =	seq.s32 s23, $0x1;
	s23 =	sadd.s32 $0x80, s12;
	_ =	swait.ge [sflag:s25], $0x4000  }
0x3e: {  	s26 =	sshrl.u32 @p0 s23, $0x3;
	s28 =	simm.s32 @p0 $0x0;
	[sflag:s25] =	ssyncset.done $0x0  }
.LBB2_2:
0x3f: {  	s29 =	sadd.s32 @p0 s1, s26  }
0x40: {  	s30 =	simm.s32 @p0 $0x4;
	[sflag:s25] =	ssyncadd.s32 $0xFFFFC000;
	s26 =	smov.u32 s24  }
0x41: {  	[tilespmem:s28], [sflag:$0x4] =	stream.linear.gather @p0 [hbm4b:s29+s28], $0x80, $0x38;
	[tilespmem:$0x1C200] =	vst v63  }
0x42: {  	s24 =	sadd.s32 $0x1, s24;
	s25 =	sshrl.u32 @!p0 s23, $0x3;
	_ =	swait.ge @p0 [sflag:s30], $0x80  }
0x43: {  	p1 =	sne.s32 s24, $0x9C;
	s29 =	sadd.s32 @!p0 s1, s25;
	[sflag:s30] =	ssyncset.done @p0 $0x0  }
0x44: {  	s25 =	simm.s32 @p0 $0x100;
	[sflag:s30] =	ssyncadd.s32 @p0 $0xFFFFFF80  }
0x45: {  	[tilespmem:s25], [sflag:$0x4] =	stream.linear.gather @p0 [hbm4b:s22+s28], $0x80, $0x38;
	[tilespmem:$0x1C200] =	vst v63  }
0x46: {  	_ =	swait.ge @p0 [sflag:s30], $0x80  }
0x47: {  	s25 =	simm.s32 @p0 $0x2;
	[sflag:s30] =	ssyncset.done @p0 $0x0  }
0x48: {  	s31 =	simm.s32 @p0 $0x200;
	[sflag:s30] =	ssyncadd.s32 @p0 $0xFFFFFF80;
	s30 =	simm.s32 @p0 $0x80  }
0x49: {  	[tilespmem:s31], [sflag:$0x1] =	stream.indirect.gather @p0 [hbm4b:s5+s30], $0x80, s28, s30, $0xb8;
	[tilespmem:$0x1C200] =	vst v63  }
0x4a: {  	_ =	swait.ge @p0 [sflag:s25], $0x4000  }
0x4b: {  	[sflag:s25] =	ssyncset.done @p0 $0x0  }
0x4c: {  	s28 =	simm.s32 @p0 $0x4200;
	[sflag:s25] =	ssyncadd.s32 @p0 $0xFFFFC000;
	s25 =	simm.s32 @p0 $0x180  }
0x4d: {  	[spmem:s2] =	stream.indirect.scatter.add.f32 @p0 [tilespmem:s28], [sflag:$0x3], $0x80, s25, s30, $0xb8;
	[tilespmem:$0x1C200] =	vst v63  }
0x4e: {  	s28 =	simm.s32 @!p0 $0x0;
	s30 =	simm.s32 @!p0 $0x80;
	s25 =	simm.s32 @!p0 $0x4  }
0x4f: {  	[tilespmem:s30], [sflag:$0x4] =	stream.linear.gather @!p0 [hbm4b:s29+s28], $0x80, $0x38;
	[tilespmem:$0x1C200] =	vst v63  }
0x50: {  	_ =	swait.ge @!p0 [sflag:s25], $0x80  }
0x51: {  	[sflag:s25] =	ssyncset.done @!p0 $0x0  }
0x52: {  	s29 =	simm.s32 @!p0 $0x180;
	[sflag:s25] =	ssyncadd.s32 @!p0 $0xFFFFFF80  }
0x53: {  	[tilespmem:s29], [sflag:$0x4] =	stream.linear.gather @!p0 [hbm4b:s22+s28], $0x80, $0x38;
	[tilespmem:$0x1C200] =	vst v63  }
0x54: {  	_ =	swait.ge @!p0 [sflag:s25], $0x80  }
0x55: {  	[sflag:s25] =	ssyncset.done @!p0 $0x0  }
0x56: {  	s28 =	simm.s32 @!p0 $0x4200;
	s29 =	simm.s32 @!p0 $0x1;
	[sflag:s25] =	ssyncadd.s32 @!p0 $0xFFFFFF80  }
0x57: {  	[tilespmem:s28], [sflag:$0x2] =	stream.indirect.gather @!p0 [hbm4b:s5+s30], $0x80, s30, s30, $0xb8;
	[tilespmem:$0x1C200] =	vst v63  }
0x58: {  	s22 =	sadd.s32 $0x10, s22;
	s28 =	simm.s32 @!p0 $0x200;
	_ =	swait.ge @!p0 [sflag:s29], $0x4000  }
.Ltmp0:
0x59: {  	s31 =	simm.s32 @!p0 $0x100;
	[sflag:s29] =	ssyncset.done @!p0 $0x0;
	(pc) =	sbr.rel @p1 .LBB2_2-.Ltmp0, $4  }
0x5a: {  	s26 =	sand.u32 $0x1, s26;
	s25 =	simm.s32 @p0 $0x3;
	[sflag:s29] =	ssyncadd.s32 @!p0 $0xFFFFC000  }
0x5b: {  	[spmem:s2] =	stream.indirect.scatter.add.f32 @!p0 [tilespmem:s28], [sflag:$0x4], $0x80, s31, s30, $0xb8;
	[tilespmem:$0x1C200] =	vst v63  }
0x5c: {  	s23 =	sadd.s32 $0x80, s23;
	p0 =	seq.s32 s26, $0x1;
	_ =	swait.ge [sflag:s25], $0x4000  }
0x5d: {  	s26 =	sshrl.u32 @p0 s23, $0x3;
	s28 =	simm.s32 @p0 $0x0;
	[sflag:s25] =	ssyncset.done $0x0  }
0x5e: {  	s24 =	sadd.s32 @p0 s1, s26;
	s26 =	simm.s32 @p0 $0x4;
	[sflag:s25] =	ssyncadd.s32 $0xFFFFC000  }
0x5f: {  	[tilespmem:s28], [sflag:$0x4] =	stream.linear.gather @p0 [hbm4b:s24+s28], $0x80, $0x38;
	[tilespmem:$0x1C200] =	vst v63  }
0x60: {  	_ =	swait.ge @p0 [sflag:s26], $0x80  }
0x61: {  	[sflag:s26] =	ssyncset.done @p0 $0x0  }
0x62: {  	s24 =	simm.s32 @p0 $0x100;
	[sflag:s26] =	ssyncadd.s32 @p0 $0xFFFFFF80  }
0x63: {  	[tilespmem:s24], [sflag:$0x4] =	stream.linear.gather @p0 [hbm4b:s22+s28], $0x80, $0x38;
	[tilespmem:$0x1C200] =	vst v63  }
0x64: {  	_ =	swait.ge @p0 [sflag:s26], $0x80  }
0x65: {  	s25 =	simm.s32 @p0 $0x80;
	[sflag:s26] =	ssyncset.done @p0 $0x0  }
0x66: {  	s24 =	simm.s32 @p0 $0x2;
	[sflag:s26] =	ssyncadd.s32 @p0 $0xFFFFFF80;
	s26 =	simm.s32 @p0 $0x200  }
0x67: {  	[tilespmem:s26], [sflag:$0x1] =	stream.indirect.gather @p0 [hbm4b:s5+s25], $0x80, s28, s25, $0xb8;
	[tilespmem:$0x1C200] =	vst v63  }
0x68: {  	s23 =	sshrl.u32 @!p0 s23, $0x3;
	_ =	swait.ge @p0 [sflag:s24], $0x4000  }
0x69: {  	s23 =	sadd.s32 @!p0 s1, s23;
	[sflag:s24] =	ssyncset.done @p0 $0x0  }
0x6a: {  	s26 =	simm.s32 @p0 $0x4200;
	[sflag:s24] =	ssyncadd.s32 @p0 $0xFFFFC000;
	s24 =	simm.s32 @p0 $0x180  }
0x6b: {  	[spmem:s2] =	stream.indirect.scatter.add.f32 @p0 [tilespmem:s26], [sflag:$0x3], $0x80, s24, s25, $0xb8;
	[tilespmem:$0x1C200] =	vst v63  }
0x6c: {  	s24 =	simm.s32 @!p0 $0x0;
	s25 =	simm.s32 @!p0 $0x80;
	s26 =	simm.s32 @!p0 $0x4  }
0x6d: {  	[tilespmem:s25], [sflag:$0x4] =	stream.linear.gather @!p0 [hbm4b:s23+s24], $0x80, $0x38;
	[tilespmem:$0x1C200] =	vst v63  }
0x6e: {  	_ =	swait.ge @!p0 [sflag:s26], $0x80  }
0x6f: {  	[sflag:s26] =	ssyncset.done @!p0 $0x0  }
0x70: {  	s23 =	simm.s32 @!p0 $0x180;
	[sflag:s26] =	ssyncadd.s32 @!p0 $0xFFFFFF80  }
0x71: {  	[tilespmem:s23], [sflag:$0x4] =	stream.linear.gather @!p0 [hbm4b:s22+s24], $0x80, $0x38;
	[tilespmem:$0x1C200] =	vst v63  }
0x72: {  	_ =	swait.ge @!p0 [sflag:s26], $0x80  }
0x73: {  	[sflag:s26] =	ssyncset.done @!p0 $0x0  }
0x74: {  	s22 =	simm.s32 @!p0 $0x4200;
	s23 =	simm.s32 @!p0 $0x1;
	[sflag:s26] =	ssyncadd.s32 @!p0 $0xFFFFFF80  }
0x75: {  	[tilespmem:s22], [sflag:$0x2] =	stream.indirect.gather @!p0 [hbm4b:s5+s25], $0x80, s25, s25, $0xb8;
	[tilespmem:$0x1C200] =	vst v63  }
0x76: {  	_ =	swait.ge @!p0 [sflag:s23], $0x4000  }
0x77: {  	s24 =	simm.s32 @!p0 $0x100;
	[sflag:s23] =	ssyncset.done @!p0 $0x0  }
0x78: {  	s26 =	simm.s32 @p0 $0x3;
	s22 =	simm.s32 @!p0 $0x200;
	[sflag:s23] =	ssyncadd.s32 @!p0 $0xFFFFC000  }
0x79: {  	[spmem:s2] =	stream.indirect.scatter.add.f32 @!p0 [tilespmem:s22], [sflag:$0x4], $0x80, s24, s25, $0xb8;
	[tilespmem:$0x1C200] =	vst v63  }
0x7a: {  	_ =	swait.ge [sflag:s26], $0x4000  }
0x7b: {  	[sflag:s26] =	ssyncset.done $0x0  }
0x7c: {  	[sflag:s26] =	ssyncadd.s32 $0xFFFFC000  }
0x7d: {  	_ =	swait.ge [sflag:s19], $0x4000  }
0x7e: {  	[sflag:s19] =	ssyncset.done $0x0  }
0x7f: {  	[sflag:s19] =	ssyncadd.s32 $0xFFFFC000  }
0x80: {  	[spmem:s2] =	stream.indirect.scatter.add.f32 [tilespmem:s18], [sflag:$0x4], $0x80, s16, s17, $0xb8;
	[tilespmem:$0x1C200] =	vst v63  }
0x81: {  	_ =	swait.ge [sflag:s20], $0x4000  }
0x82: {  	s21 =	sadd.s32 $0x1, s21;
	[sflag:s20] =	ssyncset.done $0x0  }
0x83: {  	p0 =	sne.s32 s21, s11;
	[sflag:s20] =	ssyncadd.s32 $0xFFFFC000  }
.Ltmp1:
0x84: {  	[bflag:$0x0] =	sbarrier.arrive $0xFFFF;
	(pc) =	sbr.rel @p0 .LBB2_1-.Ltmp1, $4  }
0x85: {  	[hbm:s10], [sflag:s7] =	dma.local [spmem:s14], $0x2800  }
0x86: {  	_ =	swait.ge [sflag:s15], $0x2800  }
0x87: {  	[sflag:s15] =	ssyncset.done $0x0  }
0x88: {  	[sflag:s15] =	ssyncadd.s32 $0xFFFFD800  }
0x89: {  	_ =	sfence.sel $0x180000  }
0x8a: {  	[bflag:$0x0] =	sbarrier.arrive $0xFFFF  }
0x8b: {  	p0 =	sne.s32 s3, $0x0;
	_ =	strace $0x9000004D  }
0x8c: {  	s0 =	sadd.s32 @!p0 $0x100000, s0;
	[bflag:$0x2] =	sbarrier.arrive $0xFFFF  }
0x8d: {  	[sflag:s0] =	ssyncadd.tile.s32 @!p0 $0x1;
	_ =	shalt  }
.Lfunc_end2:
_tile_overlayer_lowered:
.L_overlay_start_2:
0x8e: {  	(tag) =	ssettag $0x2  }
0x8f: {  	s0 =	rddreg [dreg:$0x0];
	s2 =	stileid.u32  }
0x90: {  	s1 =	rddreg [dreg:$0x1];
	p0 =	sne.s32 s2, $0x0  }
0x91: {  	s3 =	rddreg [dreg:$0x2];
	[bflag:$0x3] =	sbarrier.arrive $0xFFFF;
	s2 =	simm.s32 @!p0 $0x1C03  }
0x92: {  	[timem:s3], [sflag:s2] =	dma.local @!p0 [hbm:s0], s1  }
0x93: {  	s0 =	simm.s32 @!p0 $0x3  }
0x94: {  	_ =	swait.ge @!p0 [sflag:s0], s1  }
0x95: {  	s1 =	ssub.s32 @!p0 $0x0, s1;
	[sflag:s0] =	ssyncset.done @!p0 $0x0  }
0x96: {  	[sflag:s0] =	ssyncadd.s32 @!p0 s1  }
0x97: {  	[bflag:$0x3] =	sbarrier.arrive $0xFFFF  }
0x98: {  	_ =	shalt  }

// kernel: kernel.19.cloned.1.call-start
scs
__scs_entry_jumppad:
0x0: {  	(pc) =	sbr.rel $0x88, $3  }
0x1: {  	(tag) =	ssettag $0x0;
	lr =	simm.s32 $0x1  }
0x2: {  	[smem:$0x3F99] =	sst lr;
	_ =	strace $0xD0000000  }
0x3: {  	_ = 	snop  }
0x4: {  	_ = 	snop  }
0x5: {  	_ = 	snop  }
0x6: {  	_ = 	snop  }
0x7: {  	_ = 	snop  }
__scs_overlays_trampoline_lowered:
0x8: {  	[smem:$0x3FA8] =	sst s0  }
0x9: {  	[smem:$0x3FA9] =	sst s1  }
0xa: {  	[smem:$0x3FAA] =	sst s2  }
0xb: {  	[smem:$0x3FAB] =	sst s3  }
0xc: {  	[smem:$0x3FAC] =	sst s4  }
0xd: {  	[smem:$0x3FAD] =	sst s5  }
0xe: {  	[smem:$0x3FAE] =	sst s6  }
0xf: {  	[smem:$0x3FAF] =	sst s7  }
0x10: {  	[smem:$0x3FB0] =	sst s8  }
0x11: {  	[smem:$0x3FB1] =	sst s9;
	s0 =	simm.s32 @!p0 $0x0  }
0x12: {  	s1 =	sld [smem:$0x3F97];
	s0 =	simm.s32 @p0 $0x1  }
0x13: {  	[smem:$0x3FB2] =	sst s0;
	s0 =	simm.s32 @!p1 $0x0  }
0x14: {  	s2 =	sld [smem:$0x3F96];
	s0 =	simm.s32 @p1 $0x1  }
0x15: {  	[smem:$0x3FB3] =	sst s0;
	s0 =	simm.s32 @!p2 $0x0  }
0x16: {  	s3 =	sld [smem:$0x3FDB];
	s0 =	simm.s32 @p2 $0x1  }
0x17: {  	s4 =	simm.s32 $0x1BF5;
	[smem:$0x3FB5] =	sst s0  }
0x18: {  	s0 =	sld [smem:$0x3F98];
	_ =	swait.ge [sflag:s4], $0x0  }
0x19: {  	s7 =	sld [smem:$0x3F99]  }
0x1a: {  	s8 =	sadd.s32 $0xFFFFE003, lr  }
0x1b: {  	s9 =	sadd.s32 $0xFFFFFEF7, lr;
	s5 =	simm.s32 $0xFFFFFFFF;
	p2 =	slt.u32 s8, $0xFFFFF086  }
0x1c: {  	p1 =	slt.u32 s9, $0xF7A;
	s5 =	simm.s32 @!p2 $0x0  }
0x1d: {  	s5 =	simm.s32 @p1 $0x1;
	p0 =	seq.s32 s7, s2  }
0x1e: {  	s7 =	smul.u32 @!p0 $0xF7A, s2;
	p2 =	seq.s32 @!p0 s5, $0x0  }
0x1f: {  	s9 =	smul.u32 $0xF7A, s1;
	s8 =	simm.s32 @!p0 $0x1BF5;
	p2 =	por !p2, p0  }
0x20: {  	[sflag:s8] =	ssyncset.s32 @!p0 $0xFFFFF086;
	s6 =	sadd.s32 @!p0 s3, s7;
	s7 =	simm.s32 @!p0 $0x108  }
0x21: {  	s3 =	sadd.s32 s3, s9;
	s6 =	sadd.s32 @!p0 $0x88, s6;
	s7 =	simm.s32 @p2 $0x1082  }
0x22: {  	[simem:s7], [sflag:s8] =	dma.local @!p0 [hbm:s6], $0xF7A  }
0x23: {  	s9 =	sor.u32 $0xD0000000, s2;
	s6 =	simm.s32 $0x108;
	_ =	swait.ge @!p0 [sflag:s8], $0x0  }
0x24: {  	s3 =	sadd.s32 $0x88, s3;
	s6 =	simm.s32 @!p1 $0x1082;
	[sflag:s4] =	ssyncset.s32 $0xFFFFF086  }
0x25: {  	[simem:s6], [sflag:s4] =	dma.local [hbm:s3], $0xF7A  }
0x26: {  	[smem:$0x3F99] =	sst s1;
	(tag) =	ssettag s2;
	_ =	strace s9  }
0x27: {  	s1 =	sld [smem:$0x3FA9]  }
0x28: {  	s2 =	sld [smem:$0x3FAA]  }
0x29: {  	s4 =	sld [smem:$0x3FAC]  }
0x2a: {  	p0 =	seq.s32 s5, $0x0;
	s5 =	sld [smem:$0x3FAD]  }
0x2b: {  	s6 =	sld [smem:$0x3FAE]  }
0x2c: {  	s7 =	sld [smem:$0x3FAF]  }
0x2d: {  	s3 =	simm.s32 $0x108;
	s8 =	sld [smem:$0x3FB0]  }
0x2e: {  	s3 =	simm.s32 @!p0 $0x1082;
	s9 =	sld [smem:$0x3FB1]  }
0x2f: {  	lr =	sadd.s32 s0, s3;
	s0 =	sld [smem:$0x3FA8]  }
0x30: {  	s3 =	sld [smem:$0x3FAB]  }
0x31: {  	[smem:$0x3FB4] =	sst s10  }
0x32: {  	s10 =	sld [smem:$0x3FB2];
	_ =	sdelay $0x3  }
0x33: {  	p0 =	seq.s32 s10, $0x1;
	s10 =	sld [smem:$0x3FB4];
	_ =	sdelay $0x3  }
0x34: {  	[smem:$0x3FB4] =	sst s10  }
0x35: {  	s10 =	sld [smem:$0x3FB3];
	_ =	sdelay $0x3  }
0x36: {  	p1 =	seq.s32 s10, $0x1;
	s10 =	sld [smem:$0x3FB4];
	_ =	sdelay $0x3  }
0x37: {  	[smem:$0x3FB4] =	sst s10  }
0x38: {  	s10 =	sld [smem:$0x3FB5]  }
0x39: {  	_ = 	snop;
	(pc) =	sbr.ind lr, $3  }
0x3a: {  	_ = 	snop  }
0x3b: {  	_ = 	snop  }
0x3c: {  	p2 =	seq.s32 s10, $0x1;
	s10 =	sld [smem:$0x3FB4]  }
0x3d: {  	_ =	shalt  }
0x3e: {  	_ =	shalt  }
0x3f: {  	_ =	shalt  }
0x40: {  	_ =	shalt  }
0x41: {  	_ =	shalt  }
0x42: {  	_ =	shalt  }
0x43: {  	_ =	shalt  }
0x44: {  	_ =	shalt  }
0x45: {  	_ =	shalt  }
0x46: {  	_ =	shalt  }
0x47: {  	_ =	shalt  }
0x48: {  	_ =	shalt  }
0x49: {  	_ =	shalt  }
0x4a: {  	_ =	shalt  }
0x4b: {  	_ =	shalt  }
0x4c: {  	_ =	shalt  }
0x4d: {  	_ =	shalt  }
0x4e: {  	_ =	shalt  }
0x4f: {  	_ =	shalt  }
0x50: {  	_ =	shalt  }
0x51: {  	_ =	shalt  }
0x52: {  	_ =	shalt  }
0x53: {  	_ =	shalt  }
0x54: {  	_ =	shalt  }
0x55: {  	_ =	shalt  }
0x56: {  	_ =	shalt  }
0x57: {  	_ =	shalt  }
0x58: {  	_ =	shalt  }
0x59: {  	_ =	shalt  }
0x5a: {  	_ =	shalt  }
0x5b: {  	_ =	shalt  }
0x5c: {  	_ =	shalt  }
0x5d: {  	_ =	shalt  }
0x5e: {  	_ =	shalt  }
0x5f: {  	_ =	shalt  }
0x60: {  	_ =	shalt  }
0x61: {  	_ =	shalt  }
0x62: {  	_ =	shalt  }
0x63: {  	_ =	shalt  }
0x64: {  	_ =	shalt  }
0x65: {  	_ =	shalt  }
0x66: {  	_ =	shalt  }
0x67: {  	_ =	shalt  }
0x68: {  	_ =	shalt  }
0x69: {  	_ =	shalt  }
0x6a: {  	_ =	shalt  }
0x6b: {  	_ =	shalt  }
0x6c: {  	_ =	shalt  }
0x6d: {  	_ =	shalt  }
0x6e: {  	_ =	shalt  }
0x6f: {  	_ =	shalt  }
0x70: {  	_ =	shalt  }
0x71: {  	_ =	shalt  }
0x72: {  	_ =	shalt  }
0x73: {  	_ =	shalt  }
0x74: {  	_ =	shalt  }
0x75: {  	_ =	shalt  }
0x76: {  	_ =	shalt  }
0x77: {  	_ =	shalt  }
0x78: {  	_ =	shalt  }
0x79: {  	_ =	shalt  }
0x7a: {  	_ =	shalt  }
0x7b: {  	_ =	shalt  }
0x7c: {  	_ =	shalt  }
0x7d: {  	_ =	shalt  }
0x7e: {  	_ =	shalt  }
0x7f: {  	_ =	shalt  }
0x80: {  	_ =	shalt  }
0x81: {  	_ =	shalt  }
0x82: {  	_ =	shalt  }
0x83: {  	_ =	shalt  }
0x84: {  	_ =	shalt  }
0x85: {  	_ =	shalt  }
0x86: {  	_ =	shalt  }
0x87: {  	_ =	shalt  }
.Lfunc_end0:
.L_simem_size_0:
called_computation.3_lowered:
.L_overlay_start_0:
0x88: {  	s2 =	sld [smem:$0x3FD9]  }
0x89: {  	s3 =	sld [smem:$0x3FFE];
	_ =	sdelay $0x1  }
0x8a: {  	s1 =	srdreg.scid  }
0x8b: {  	s0 =	sand.u32 $0x1, s1  }
0x8c: {  	s16 =	sshll.u32 s0, $0xA;
	s2 =	sadd.s32 s3, s2  }
0x8d: {  	s2 =	sadd.s32 s2, s16  }
0x8e: {  	[smem:$0x3FC0] =	sst s2  }
0x8f: {  	_ = 	snop  }
0x90: {  	(tm) =	ssettm $0x1  }
0x91: {  	s17 =	sld [smem:$0x3FFB];
	_ =	sdelay $0x3  }
0x92: {  	_ =	strace s17  }
0x93: {  	s2 =	sld [smem:$0x3FFC];
	_ =	sdelay $0x3  }
0x94: {  	_ =	strace s2  }
0x95: {  	s2 =	sld [smem:$0x3FFD];
	_ =	sdelay $0x3  }
0x96: {  	_ =	strace s2  }
0x97: {  	_ =	strace $0x8FFFFFFF  }
0x98: {  	s18 =	sld [smem:$0x3FDB];
	_ =	sdelay $0x1  }
0x99: {  	s19 =	simm.s32 $_scs_section_size  }
0x9a: {  	s4 =	simm.s32 $_size__tile_overlayer_lowered;
	s5 =	simm.s32 $_tile_overlayer_lowered  }
0x9b: {  	s22 =	simm.s32 $0x1BFF;
	s21 =	sshll.u32 s5, $0x1;
	s2 =	sadd.s32 s19, s18  }
0x9c: {  	s6 =	simm.s32 $0x0;
	s20 =	sshll.u32 s4, $0x1;
	s4 =	sadd.s32 s21, s2  }
0x9d: {  	[timem:s6], [sflag:s22] =	dma.local [hbm:s4], s20  }
0x9e: {  	_ =	swait.ge [sflag:s22], s20  }
0x9f: {  	s3 =	ssub.s32 $0x0, s20;
	[sflag:s22] =	ssyncset.done $0x0  }
0xa0: {  	[sflag:s22] =	ssyncadd.s32 s3;
	_ =	sdelay $0x1  }
0xa1: {  	s23 =	simm.s32 $0x1B8B  }
0xa2: {  	_ =	swait.ge [sflag:s23], $0x1  }
0xa3: {  	[sflag:s23] =	ssyncset.done $0x0  }
0xa4: {  	s25 =	simm.s32 $0x1B8E;
	s24 =	sld [smem:$0x3FFE];
	[sflag:s23] =	ssyncadd.s32 $0xFFFFFFFF  }
0xa5: {  	s26 =	simm.s32 $execute0_lowered;
	[smem:$0x3FD2] =	sst s25  }
0xa6: {  	s4 =	sshll.u32 s26, $0x1;
	_ =	strace $0x8000004F;
	[dreg:$0x1] =	wrdreg $0xFFFFFFFF  }
0xa7: {  	s28 =	simm.s32 $_size_execute0_lowered;
	s2 =	sadd.s32 s2, s4;
	[dreg:$0x0] =	wrdreg $0x0  }
0xa8: {  	s4 =	sshll.u32 s28, $0x1;
	[dreg:$0x2] =	wrdreg s2  }
0xa9: {  	[dreg:$0x3] =	wrdreg s4  }
0xaa: {  	[dreg:$0x4] =	wrdreg $0xC0  }
0xab: {  	_ =	task [dreg:s6], $0x5FFFF  }
0xac: {  	[dreg:$0x1] =	wrdreg $0xFFFFFFFF  }
0xad: {  	[dreg:$0x0] =	wrdreg $0x60  }
0xae: {  	[dreg:$0x2] =	wrdreg s24  }
0xaf: {  	[dreg:$0x3] =	wrdreg $0x82000  }
0xb0: {  	[dreg:$0x4] =	wrdreg $0x9  }
0xb1: {  	_ =	task.clear_ibuf [dreg:s6], $0x5FFFF;
	_ =	strace $0x9000004F  }
0xb2: {  	s29 =	simm.s32 $0x9;
	_ =	strace $0x80000051  }
0xb3: {  	_ =	swait.ge [sflag:s29], $0x1  }
0xb4: {  	[sflag:s29] =	ssyncadd.s32 $0xFFFFFFFF  }
0xb5: {  	_ =	strace $0x90000051  }
0xb6: {  	_ =	sfence  }
0xb7: {  	s30 =	sld [smem:$0x0];
	_ =	sdelay $0x2  }
0xb8: {  	s31 =	sshll.u32 s1, $0xD;
	s1 =	sshrl.u32 s1, $0x2  }
0xb9: {  	s3 =	sand.u32 $0x4000, s31;
	s1 =	sadd.s32 s1, s30  }
0xba: {  	s0 =	sor.u32 s3, s0;
	s1 =	sshll.u32 s1, $0x11  }
0xbb: {  	s0 =	sor.u32 s1, s0  }
0xbc: {  	s0 =	sadd.s32 $0x8F2B, s0  }
0xbd: {  	[sflag:s0] =	ssyncadd.remote.s32 $0x1  }
0xbe: {  	_ =	sfence.sel $0xFFFF  }
0xbf: {  	[dreg:$0x0] =	wrdreg $0xFFFFFFFF;
	(pc) =	sbr.abs _section_cstart, $3  }
0xc0: {  	[dreg:$0x1] =	wrdreg $0xFFFFFFFF  }
0xc1: {  	_ =	task.clear_ibuf [dreg:s6], $0x2FFFF;
	_ =	strace $0x9FFFFFFF  }
0xc2: {  	(tm) =	ssettm $0x7FFFFFFF  }
0xc3: {  	_ =	shalt  }
tec
execute0_lowered:
.L_overlay_start_1:
0x0: {  	(tag) =	ssettag $0x1  }
0x1: {  	s8 =	rddreg [dreg:$0x0]  }
0x2: {  	s1 =	rddreg [dreg:$0x1]  }
0x3: {  	s2 =	srdreg.scid;
	s0 =	rddreg [dreg:$0x2]  }
0x4: {  	s3 =	simm.s32 $0x0;
	s17 =	simm.s32 $0x80;
	s18 =	simm.s32 $0x200  }
0x5: {  	s19 =	simm.s32 $0x1;
	s20 =	simm.s32 $0x4;
	s21 =	simm.s32 $0x0  }
0x6: {  	s9 =	sand.u32 $0x1, s2;
	s2 =	stileid.u32;
	[smem:$0x7FF] =	sst s3  }
0x7: {  	s4 =	sadd.s32 $0xEE00, s8;
	s5 =	sadd.s32 $0xB9400, s8;
	s10 =	smul.u32 $0x140000, s9  }
0x8: {  	s6 =	sadd.s32 $0x2600, s8;
	s7 =	sadd.s32 $0xC600, s8;
	s11 =	smul.u32 $0x14000, s2  }
0x9: {  	_ =	strace $0x80000050;
	s25 =	smul.u32 $0x50000, s2;
	s12 =	sshll.u32 s9, $0x4  }
0xa: {  	s26 =	ssub.s32 $0x2, s9;
	s15 =	smul.u32 $0x27800, s9;
	s30 =	sshll.u32 s2, $0x6  }
0xb: {  	s16 =	smul.u32 $0x2780, s2;
	s28 =	sor.u32 s2, s12;
	s29 =	sshrl.u32 s26, $0x1  }
0xc: {  	s10 =	sadd.s32 s11, s10;
	s11 =	sshrl.u32 s25, $0x2;
	s12 =	ssub.s32 s26, s29  }
0xd: {  	s31 =	sadd.s32 s16, s15;
	s15 =	simm.s32 $0x3;
	s10 =	sshrl.u32 s10, $0x3  }
0xe: {  	s16 =	simm.s32 $0x100;
	s13 =	sadd.s32 s10, s8;
	s10 =	smul.u32 $0x2780, s28  }
0xf: {  	s14 =	sadd.s32 s11, s1;
	s12 =	smax.u32 s12, $0x1;
	s8 =	sor.u32 $0x1C03, s30  }
0x10: {  	s14 =	sshrl.u32 s14, $0x3;
	s11 =	sadd.s32 $0x36E00, s13;
	s10 =	sshrl.u32 s10, $0x3  }
0x11: {  	s13 =	sadd.s32 $0x80, s31;
	s9 =	sadd.s32 s5, s10;
	s10 =	sadd.s32 s6, s10  }
.LBB2_1:
0x12: {  	[spmem:s14], [sflag:s8] =	dma.local [hbm:s7], $0x2800  }
0x13: {  	_ =	swait.ge [sflag:s15], $0x2800  }
0x14: {  	[sflag:s15] =	ssyncset.done $0x0  }
0x15: {  	[sflag:s15] =	ssyncadd.s32 $0xFFFFD800  }
0x16: {  	[bflag:$0x0] =	sbarrier.arrive $0xFFFF  }
0x17: {  	[tilespmem:s3], [sflag:$0x3] =	stream.linear.gather [hbm4b:s9+s3], $0x80, $0x38;
	[tilespmem:$0x1C200] =	vst v63  }
0x18: {  	_ =	swait.ge [sflag:s15], $0x80  }
0x19: {  	[sflag:s15] =	ssyncset.done $0x0  }
0x1a: {  	[sflag:s15] =	ssyncadd.s32 $0xFFFFFF80  }
0x1b: {  	[tilespmem:s16], [sflag:$0x3] =	stream.linear.gather [hbm4b:s10+s3], $0x80, $0x38;
	[tilespmem:$0x1C200] =	vst v63  }
0x1c: {  	s22 =	sand.u32 $0x1, s3;
	_ =	swait.ge [sflag:s15], $0x80  }
0x1d: {  	p0 =	seq.s32 s22, $0x1;
	[sflag:s15] =	ssyncset.done $0x0  }
0x1e: {  	s22 =	sshrl.u32 @p0 s13, $0x3;
	[sflag:s15] =	ssyncadd.s32 $0xFFFFFF80  }
0x1f: {  	[tilespmem:s18], [sflag:$0x1] =	stream.indirect.gather [hbm4b:s4+s17], $0x80, s3, s17, $0xb8;
	[tilespmem:$0x1C200] =	vst v63  }
0x20: {  	s23 =	simm.s32 @p0 $0x0;
	s25 =	simm.s32 @p0 $0x4;
	s24 =	sadd.s32 @p0 s5, s22  }
0x21: {  	[tilespmem:s23], [sflag:$0x4] =	stream.linear.gather @p0 [hbm4b:s24+s23], $0x80, $0x38;
	[tilespmem:$0x1C200] =	vst v63  }
0x22: {  	_ =	swait.ge @p0 [sflag:s25], $0x80  }
0x23: {  	[sflag:s25] =	ssyncset.done @p0 $0x0  }
0x24: {  	s22 =	sadd.s32 @p0 s6, s22;
	s24 =	simm.s32 @p0 $0x100;
	[sflag:s25] =	ssyncadd.s32 @p0 $0xFFFFFF80  }
0x25: {  	[tilespmem:s24], [sflag:$0x4] =	stream.linear.gather @p0 [hbm4b:s22+s23], $0x80, $0x38;
	[tilespmem:$0x1C200] =	vst v63  }
0x26: {  	_ =	swait.ge @p0 [sflag:s25], $0x80  }
0x27: {  	s22 =	simm.s32 @p0 $0x2;
	[sflag:s25] =	ssyncset.done @p0 $0x0  }
0x28: {  	s24 =	simm.s32 @p0 $0x80;
	[sflag:s25] =	ssyncadd.s32 @p0 $0xFFFFFF80;
	s25 =	simm.s32 @p0 $0x200  }
0x29: {  	[tilespmem:s25], [sflag:$0x1] =	stream.indirect.gather @p0 [hbm4b:s4+s24], $0x80, s23, s24, $0xb8;
	[tilespmem:$0x1C200] =	vst v63  }
0x2a: {  	_ =	swait.ge @p0 [sflag:s22], $0x4000  }
0x2b: {  	s26 =	simm.s32 @p0 $0x4200;
	s23 =	sshrl.u32 @!p0 s13, $0x3;
	[sflag:s22] =	ssyncset.done @p0 $0x0  }
0x2c: {  	s25 =	sadd.s32 @!p0 s5, s23;
	[sflag:s22] =	ssyncadd.s32 @p0 $0xFFFFC000;
	s22 =	simm.s32 @p0 $0x180  }
0x2d: {  	[spmem:s1] =	stream.indirect.scatter.add.f32 @p0 [tilespmem:s26], [sflag:$0x3], $0x80, s22, s24, $0xb8;
	[tilespmem:$0x1C200] =	vst v63  }
0x2e: {  	s22 =	simm.s32 @!p0 $0x0;
	s26 =	simm.s32 @!p0 $0x80;
	s24 =	simm.s32 @!p0 $0x4  }
0x2f: {  	[tilespmem:s26], [sflag:$0x4] =	stream.linear.gather @!p0 [hbm4b:s25+s22], $0x80, $0x38;
	[tilespmem:$0x1C200] =	vst v63  }
0x30: {  	_ =	swait.ge @!p0 [sflag:s24], $0x80  }
0x31: {  	[sflag:s24] =	ssyncset.done @!p0 $0x0  }
0x32: {  	s23 =	sadd.s32 @!p0 s6, s23;
	s25 =	simm.s32 @!p0 $0x180;
	[sflag:s24] =	ssyncadd.s32 @!p0 $0xFFFFFF80  }
0x33: {  	[tilespmem:s25], [sflag:$0x4] =	stream.linear.gather @!p0 [hbm4b:s23+s22], $0x80, $0x38;
	[tilespmem:$0x1C200] =	vst v63  }
0x34: {  	_ =	swait.ge @!p0 [sflag:s24], $0x80  }
0x35: {  	[sflag:s24] =	ssyncset.done @!p0 $0x0  }
0x36: {  	s22 =	simm.s32 @!p0 $0x4200;
	s25 =	simm.s32 @!p0 $0x1;
	[sflag:s24] =	ssyncadd.s32 @!p0 $0xFFFFFF80  }
0x37: {  	[tilespmem:s22], [sflag:$0x2] =	stream.indirect.gather @!p0 [hbm4b:s4+s26], $0x80, s26, s26, $0xb8;
	[tilespmem:$0x1C200] =	vst v63  }
0x38: {  	s31 =	simm.s32 $0x1;
	s28 =	simm.s32 @!p0 $0x200;
	_ =	swait.ge @!p0 [sflag:s25], $0x4000  }
0x39: {  	s29 =	simm.s32 @!p0 $0x100;
	s23 =	simm.s32 $0x2;
	[sflag:s25] =	ssyncset.done @!p0 $0x0  }
0x3a: {  	s24 =	simm.s32 @p0 $0x3;
	s22 =	sand.u32 $0x1, s31;
	[sflag:s25] =	ssyncadd.s32 @!p0 $0xFFFFC000  }
0x3b: {  	[spmem:s1] =	stream.indirect.scatter.add.f32 @!p0 [tilespmem:s28], [sflag:$0x4], $0x80, s29, s26, $0xb8;
	[tilespmem:$0x1C200] =	vst v63  }
0x3c: {  	p0 =	seq.s32 s22, $0x1;
	s22 =	sadd.s32 $0x80, s13;
	_ =	swait.ge [sflag:s24], $0x4000  }
0x3d: {  	s28 =	sshrl.u32 @p0 s22, $0x3;
	s26 =	simm.s32 @p0 $0x0;
	[sflag:s24] =	ssyncset.done $0x0  }
.LBB2_2:
0x3e: {  	s29 =	sadd.s32 @p0 s5, s28  }
0x3f: {  	s30 =	simm.s32 @p0 $0x4;
	[sflag:s24] =	ssyncadd.s32 $0xFFFFC000;
	s25 =	smov.u32 s23  }
0x40: {  	[tilespmem:s26], [sflag:$0x4] =	stream.linear.gather @p0 [hbm4b:s29+s26], $0x80, $0x38;
	[tilespmem:$0x1C200] =	vst v63  }
0x41: {  	s23 =	sadd.s32 $0x1, s23;
	s24 =	sshrl.u32 @!p0 s22, $0x3;
	_ =	swait.ge @p0 [sflag:s30], $0x80  }
0x42: {  	s29 =	sadd.s32 @!p0 s5, s24;
	s31 =	sadd.s32 @!p0 s6, s24;
	[sflag:s30] =	ssyncset.done @p0 $0x0  }
0x43: {  	s24 =	sadd.s32 @p0 s6, s28;
	s28 =	simm.s32 @p0 $0x100;
	[sflag:s30] =	ssyncadd.s32 @p0 $0xFFFFFF80  }
0x44: {  	[tilespmem:s28], [sflag:$0x4] =	stream.linear.gather @p0 [hbm4b:s24+s26], $0x80, $0x38;
	[tilespmem:$0x1C200] =	vst v63  }
0x45: {  	p1 =	sne.s32 s23, $0x4E;
	_ =	swait.ge @p0 [sflag:s30], $0x80  }
0x46: {  	s24 =	simm.s32 @p0 $0x2;
	[sflag:s30] =	ssyncset.done @p0 $0x0  }
0x47: {  	s28 =	simm.s32 @p0 $0x80;
	[sflag:s30] =	ssyncadd.s32 @p0 $0xFFFFFF80;
	s30 =	simm.s32 @p0 $0x200  }
0x48: {  	[tilespmem:s30], [sflag:$0x1] =	stream.indirect.gather @p0 [hbm4b:s4+s28], $0x80, s26, s28, $0xb8;
	[tilespmem:$0x1C200] =	vst v63  }
0x49: {  	_ =	swait.ge @p0 [sflag:s24], $0x4000  }
0x4a: {  	[sflag:s24] =	ssyncset.done @p0 $0x0  }
0x4b: {  	s26 =	simm.s32 @p0 $0x4200;
	[sflag:s24] =	ssyncadd.s32 @p0 $0xFFFFC000;
	s24 =	simm.s32 @p0 $0x180  }
0x4c: {  	[spmem:s1] =	stream.indirect.scatter.add.f32 @p0 [tilespmem:s26], [sflag:$0x3], $0x80, s24, s28, $0xb8;
	[tilespmem:$0x1C200] =	vst v63  }
0x4d: {  	s26 =	simm.s32 @!p0 $0x0;
	s28 =	simm.s32 @!p0 $0x80;
	s24 =	simm.s32 @!p0 $0x4  }
0x4e: {  	[tilespmem:s28], [sflag:$0x4] =	stream.linear.gather @!p0 [hbm4b:s29+s26], $0x80, $0x38;
	[tilespmem:$0x1C200] =	vst v63  }
0x4f: {  	_ =	swait.ge @!p0 [sflag:s24], $0x80  }
0x50: {  	[sflag:s24] =	ssyncset.done @!p0 $0x0  }
0x51: {  	s29 =	simm.s32 @!p0 $0x180;
	[sflag:s24] =	ssyncadd.s32 @!p0 $0xFFFFFF80  }
0x52: {  	[tilespmem:s29], [sflag:$0x4] =	stream.linear.gather @!p0 [hbm4b:s31+s26], $0x80, $0x38;
	[tilespmem:$0x1C200] =	vst v63  }
0x53: {  	_ =	swait.ge @!p0 [sflag:s24], $0x80  }
0x54: {  	[sflag:s24] =	ssyncset.done @!p0 $0x0  }
0x55: {  	s26 =	simm.s32 @!p0 $0x4200;
	s29 =	simm.s32 @!p0 $0x1;
	[sflag:s24] =	ssyncadd.s32 @!p0 $0xFFFFFF80  }
0x56: {  	[tilespmem:s26], [sflag:$0x2] =	stream.indirect.gather @!p0 [hbm4b:s4+s28], $0x80, s28, s28, $0xb8;
	[tilespmem:$0x1C200] =	vst v63  }
0x57: {  	s26 =	simm.s32 @!p0 $0x200;
	_ =	swait.ge @!p0 [sflag:s29], $0x4000  }
.Ltmp0:
0x58: {  	s30 =	simm.s32 @!p0 $0x100;
	[sflag:s29] =	ssyncset.done @!p0 $0x0;
	(pc) =	sbr.rel @p1 .LBB2_2-.Ltmp0, $4  }
0x59: {  	s25 =	sand.u32 $0x1, s25;
	s24 =	simm.s32 @p0 $0x3;
	[sflag:s29] =	ssyncadd.s32 @!p0 $0xFFFFC000  }
0x5a: {  	[spmem:s1] =	stream.indirect.scatter.add.f32 @!p0 [tilespmem:s26], [sflag:$0x4], $0x80, s30, s28, $0xb8;
	[tilespmem:$0x1C200] =	vst v63  }
0x5b: {  	s22 =	sadd.s32 $0x80, s22;
	p0 =	seq.s32 s25, $0x1;
	_ =	swait.ge [sflag:s24], $0x4000  }
0x5c: {  	s28 =	sshrl.u32 @p0 s22, $0x3;
	s26 =	simm.s32 @p0 $0x0;
	[sflag:s24] =	ssyncset.done $0x0  }
0x5d: {  	s23 =	sadd.s32 @p0 s5, s28;
	s25 =	simm.s32 @p0 $0x4;
	[sflag:s24] =	ssyncadd.s32 $0xFFFFC000  }
0x5e: {  	[tilespmem:s26], [sflag:$0x4] =	stream.linear.gather @p0 [hbm4b:s23+s26], $0x80, $0x38;
	[tilespmem:$0x1C200] =	vst v63  }
0x5f: {  	_ =	swait.ge @p0 [sflag:s25], $0x80  }
0x60: {  	[sflag:s25] =	ssyncset.done @p0 $0x0  }
0x61: {  	s24 =	simm.s32 @p0 $0x100;
	s23 =	sadd.s32 @p0 s6, s28;
	[sflag:s25] =	ssyncadd.s32 @p0 $0xFFFFFF80  }
0x62: {  	[tilespmem:s24], [sflag:$0x4] =	stream.linear.gather @p0 [hbm4b:s23+s26], $0x80, $0x38;
	[tilespmem:$0x1C200] =	vst v63  }
0x63: {  	_ =	swait.ge @p0 [sflag:s25], $0x80  }
0x64: {  	s23 =	simm.s32 @p0 $0x2;
	[sflag:s25] =	ssyncset.done @p0 $0x0  }
0x65: {  	s24 =	simm.s32 @p0 $0x80;
	[sflag:s25] =	ssyncadd.s32 @p0 $0xFFFFFF80;
	s25 =	simm.s32 @p0 $0x200  }
0x66: {  	[tilespmem:s25], [sflag:$0x1] =	stream.indirect.gather @p0 [hbm4b:s4+s24], $0x80, s26, s24, $0xb8;
	[tilespmem:$0x1C200] =	vst v63  }
0x67: {  	s22 =	sshrl.u32 @!p0 s22, $0x3;
	_ =	swait.ge @p0 [sflag:s23], $0x4000  }
0x68: {  	s25 =	sadd.s32 @!p0 s5, s22;
	[sflag:s23] =	ssyncset.done @p0 $0x0  }
0x69: {  	s26 =	simm.s32 @p0 $0x4200;
	[sflag:s23] =	ssyncadd.s32 @p0 $0xFFFFC000;
	s23 =	simm.s32 @p0 $0x180  }
0x6a: {  	[spmem:s1] =	stream.indirect.scatter.add.f32 @p0 [tilespmem:s26], [sflag:$0x3], $0x80, s23, s24, $0xb8;
	[tilespmem:$0x1C200] =	vst v63  }
0x6b: {  	s23 =	simm.s32 @!p0 $0x0;
	s24 =	simm.s32 @!p0 $0x80;
	s26 =	simm.s32 @!p0 $0x4  }
0x6c: {  	[tilespmem:s24], [sflag:$0x4] =	stream.linear.gather @!p0 [hbm4b:s25+s23], $0x80, $0x38;
	[tilespmem:$0x1C200] =	vst v63  }
0x6d: {  	_ =	swait.ge @!p0 [sflag:s26], $0x80  }
0x6e: {  	[sflag:s26] =	ssyncset.done @!p0 $0x0  }
0x6f: {  	s22 =	sadd.s32 @!p0 s6, s22;
	s25 =	simm.s32 @!p0 $0x180;
	[sflag:s26] =	ssyncadd.s32 @!p0 $0xFFFFFF80  }
0x70: {  	[tilespmem:s25], [sflag:$0x4] =	stream.linear.gather @!p0 [hbm4b:s22+s23], $0x80, $0x38;
	[tilespmem:$0x1C200] =	vst v63  }
0x71: {  	_ =	swait.ge @!p0 [sflag:s26], $0x80  }
0x72: {  	[sflag:s26] =	ssyncset.done @!p0 $0x0  }
0x73: {  	s22 =	simm.s32 @!p0 $0x4200;
	s23 =	simm.s32 @!p0 $0x1;
	[sflag:s26] =	ssyncadd.s32 @!p0 $0xFFFFFF80  }
0x74: {  	[tilespmem:s22], [sflag:$0x2] =	stream.indirect.gather @!p0 [hbm4b:s4+s24], $0x80, s24, s24, $0xb8;
	[tilespmem:$0x1C200] =	vst v63  }
0x75: {  	_ =	swait.ge @!p0 [sflag:s23], $0x4000  }
0x76: {  	s25 =	simm.s32 @!p0 $0x100;
	[sflag:s23] =	ssyncset.done @!p0 $0x0  }
0x77: {  	s26 =	simm.s32 @p0 $0x3;
	s22 =	simm.s32 @!p0 $0x200;
	[sflag:s23] =	ssyncadd.s32 @!p0 $0xFFFFC000  }
0x78: {  	[spmem:s1] =	stream.indirect.scatter.add.f32 @!p0 [tilespmem:s22], [sflag:$0x4], $0x80, s25, s24, $0xb8;
	[tilespmem:$0x1C200] =	vst v63  }
0x79: {  	_ =	swait.ge [sflag:s26], $0x4000  }
0x7a: {  	[sflag:s26] =	ssyncset.done $0x0  }
0x7b: {  	[sflag:s26] =	ssyncadd.s32 $0xFFFFC000  }
0x7c: {  	_ =	swait.ge [sflag:s19], $0x4000  }
0x7d: {  	[sflag:s19] =	ssyncset.done $0x0  }
0x7e: {  	[sflag:s19] =	ssyncadd.s32 $0xFFFFC000  }
0x7f: {  	[spmem:s1] =	stream.indirect.scatter.add.f32 [tilespmem:s18], [sflag:$0x4], $0x80, s16, s17, $0xb8;
	[tilespmem:$0x1C200] =	vst v63  }
0x80: {  	_ =	swait.ge [sflag:s20], $0x4000  }
0x81: {  	s21 =	sadd.s32 $0x1, s21;
	[sflag:s20] =	ssyncset.done $0x0  }
0x82: {  	p0 =	sne.s32 s21, s12;
	[sflag:s20] =	ssyncadd.s32 $0xFFFFC000  }
.Ltmp1:
0x83: {  	[bflag:$0x0] =	sbarrier.arrive $0xFFFF;
	(pc) =	sbr.rel @p0 .LBB2_1-.Ltmp1, $4  }
0x84: {  	[hbm:s11], [sflag:s8] =	dma.local [spmem:s14], $0x2800  }
0x85: {  	_ =	swait.ge [sflag:s15], $0x2800  }
0x86: {  	[sflag:s15] =	ssyncset.done $0x0  }
0x87: {  	[sflag:s15] =	ssyncadd.s32 $0xFFFFD800  }
0x88: {  	_ =	sfence.sel $0x180000  }
0x89: {  	[bflag:$0x0] =	sbarrier.arrive $0xFFFF  }
0x8a: {  	p0 =	sne.s32 s2, $0x0;
	_ =	strace $0x90000050  }
0x8b: {  	s0 =	sadd.s32 @!p0 $0x100000, s0;
	[bflag:$0x2] =	sbarrier.arrive $0xFFFF  }
0x8c: {  	[sflag:s0] =	ssyncadd.tile.s32 @!p0 $0x1;
	_ =	shalt  }
.Lfunc_end2:
_tile_overlayer_lowered:
.L_overlay_start_2:
0x8d: {  	(tag) =	ssettag $0x2  }
0x8e: {  	s0 =	rddreg [dreg:$0x0];
	s2 =	stileid.u32  }
0x8f: {  	s1 =	rddreg [dreg:$0x1];
	p0 =	sne.s32 s2, $0x0  }
0x90: {  	s3 =	rddreg [dreg:$0x2];
	[bflag:$0x3] =	sbarrier.arrive $0xFFFF;
	s2 =	simm.s32 @!p0 $0x1C03  }
0x91: {  	[timem:s3], [sflag:s2] =	dma.local @!p0 [hbm:s0], s1  }
0x92: {  	s0 =	simm.s32 @!p0 $0x3  }
0x93: {  	_ =	swait.ge @!p0 [sflag:s0], s1  }
0x94: {  	s1 =	ssub.s32 @!p0 $0x0, s1;
	[sflag:s0] =	ssyncset.done @!p0 $0x0  }
0x95: {  	[sflag:s0] =	ssyncadd.s32 @!p0 s1  }
0x96: {  	[bflag:$0x3] =	sbarrier.arrive $0xFFFF  }
0x97: {  	_ =	shalt  }

</sc_bundles>
